<compile_context>
chip_gen: v7x
topology: tpu7x:2x2x1
jax: 0.10.2.dev20260603
libtpu: 0.0.44.dev20260713+nightly
codegen_flags: <defaults>
</compile_context>

<pallas_src>
import jax
import jax.numpy as jnp
from jax import lax
from jax.experimental import pallas as pl
from jax.experimental.pallas import tpu as pltpu
from jax.experimental.pallas import tpu_sc as plsc

BATCH = 16384
HIST = 200
D = 64
LANES = 16
NCOL = D // LANES

NW = 32
EPW = BATCH // NW
G = 4
NG = EPW // G
NGP = NG // 2
IDX_PER_G = G * HIST
CHUNK = 80
NCHUNK = IDX_PER_G // CHUNK
OUT_BUF = 64
GPF = OUT_BUF // G


def _body(x_ref, table_ref, out_ref, idx_a, idx_b, rows_a, rows_b, out_v,
          sem_a, sem_b):
    nc = 2
    wid = lax.axis_index("s") * nc + lax.axis_index("c")
    base_elem = wid * EPW
    scale = jnp.full((LANES,), 1.0 / HIST, dtype=jnp.float32)

    def stage_idx(g, idx_v):
        pltpu.sync_copy(
            x_ref.at[pl.ds((base_elem + g * G) * HIST, IDX_PER_G)], idx_v)

    def fire(idx_v, rows_v, sem):
        for k in range(NCHUNK):
            pltpu.async_copy(
                table_ref.at[idx_v.at[pl.ds(k * CHUNK, CHUNK)]],
                rows_v.at[pl.ds(k * CHUNK, CHUNK), :],
                sem)

    def drain(idx_v, rows_v, sem):
        for k in range(NCHUNK):
            pltpu.make_async_copy(
                table_ref.at[idx_v.at[pl.ds(k * CHUNK, CHUNK)]],
                rows_v.at[pl.ds(k * CHUNK, CHUNK), :],
                sem).wait()

    def reduce(g, rows_v):
        orow0 = (g % GPF) * G
        for e in range(G):
            rb = e * HIST

            def red_body(j, accs):
                r0 = rb + j * 8
                new = list(accs)
                for u in range(8):
                    for c in range(NCOL):
                        new[c] = new[c] + rows_v[r0 + u, pl.ds(c * LANES, LANES)]
                return tuple(new)

            z = jnp.zeros((LANES,), jnp.float32)
            accs = lax.fori_loop(0, HIST // 8, red_body, (z,) * NCOL)
            for c in range(NCOL):
                out_v[orow0 + e, pl.ds(c * LANES, LANES)] = accs[c] * scale

    stage_idx(0, idx_a)
    fire(idx_a, rows_a, sem_a)

    def pair_body(i, carry):
        g0 = 2 * i
        g1 = 2 * i + 1

        stage_idx(g1, idx_b)
        fire(idx_b, rows_b, sem_b)

        drain(idx_a, rows_a, sem_a)
        reduce(g0, rows_a)

        @pl.when(i < NGP - 1)
        def _refire_a():
            stage_idx(g0 + 2, idx_a)
            fire(idx_a, rows_a, sem_a)

        drain(idx_b, rows_b, sem_b)
        reduce(g1, rows_b)

        @pl.when(i % (GPF // 2) == GPF // 2 - 1)
        def _flush():
            ob = base_elem + (g1 // GPF) * OUT_BUF
            pltpu.sync_copy(out_v, out_ref.at[pl.ds(ob, OUT_BUF), :])

        return carry

    lax.fori_loop(0, NGP, pair_body, 0)


def kernel(x, table):
    xf = x.reshape(-1).astype(jnp.int32)
    mesh = plsc.VectorSubcoreMesh(core_axis_name="c", subcore_axis_name="s")
    f = pl.kernel(
        _body,
        out_type=jax.ShapeDtypeStruct((BATCH, D), jnp.float32),
        mesh=mesh,
        scratch_types=[
            pltpu.VMEM((IDX_PER_G,), jnp.int32),
            pltpu.VMEM((IDX_PER_G,), jnp.int32),
            pltpu.VMEM((IDX_PER_G, D), jnp.float32),
            pltpu.VMEM((IDX_PER_G, D), jnp.float32),
            pltpu.VMEM((OUT_BUF, D), jnp.float32),
            pltpu.SemaphoreType.DMA,
            pltpu.SemaphoreType.DMA,
        ],
        compiler_params=pltpu.CompilerParams(use_tc_tiling_on_sc=False),
    )
    return f(xf, table)

# --- scband reference (transcript-rebuilt; emitter-appended) ---
"""Pipeline reference for scband-item-encoder-53635551592988 (READ-ONLY COPY).

The authoritative reference and input builder live on the scoring server;
editing this copy changes nothing except your own understanding.
"""

import jax, jax.numpy as jnp
import numpy as np

DICT_SIZE = 1000000
EMBED_SIZE = 64
BATCH = 16384
HIST_LEN = 200

def setup_inputs(seed: int = 0) -> dict:
    key = jax.random.key(seed)
    k1, k2 = jax.random.split(key)
    x = jax.random.randint(k1, (BATCH, HIST_LEN), 0, DICT_SIZE, dtype=jnp.int64 if jax.config.jax_enable_x64 else jnp.int32)
    table = jax.random.normal(k2, (DICT_SIZE, EMBED_SIZE), dtype=jnp.float32)
    return {"x": x, "table": table}

def reference(x, table):
    # nn.Embedding lookup -> gather rows, then mean over history dim (dim=1)
    item_embed = jnp.take(table, x, axis=0)  # [B, L, D]
    item_embed = item_embed.mean(axis=1)     # [B, D]
    return item_embed

if __name__ == "__main__":
    import jax
    _d = setup_inputs()
    print(jax.jit(kernel)(*tuple(_d.values())))

</pallas_src>

<mosaic_0001>
#map = affine_map<(d0, d1) -> (0)>
#map1 = affine_map<(d0, d1) -> (0, 0)>
module attributes {stable_mosaic.version = 14 : i64} {
  func.func @_body(%arg0: i32, %arg1: i32, %arg2: memref<3276800xi32, #tpu.memory_space<hbm>>, %arg3: memref<1000000x64xf32, #tpu.memory_space<hbm>>, %arg4: memref<16384x64xf32, #tpu.memory_space<hbm>>, %arg5: memref<800xi32, #tpu.memory_space<vmem>>, %arg6: memref<800xi32, #tpu.memory_space<vmem>>, %arg7: memref<800x64xf32, #tpu.memory_space<vmem>>, %arg8: memref<800x64xf32, #tpu.memory_space<vmem>>, %arg9: memref<64x64xf32, #tpu.memory_space<vmem>>, %arg10: memref<!tpu.dma_semaphore, #tpu.memory_space<semaphore_mem>>, %arg11: memref<!tpu.dma_semaphore, #tpu.memory_space<semaphore_mem>>) attributes {dimension_semantics = [#tpu.dimension_semantics<core_parallel>, #tpu.dimension_semantics<subcore_parallel>], iteration_bounds = array<i64: 2, 16>, scalar_prefetch = 0 : i64, scratch_operands = 7 : i64, tpu.core_type = #tpu.core_type<sc_vector_subcore>, window_params = [{transform_indices = #map}, {transform_indices = #map1}, {transform_indices = #map1}]} {
    %mul3A = arith.constant 2 : i32
    %mul3A_0 = arith.muli %arg1, %mul3A : i32
    %add3A = arith.addi %mul3A_0, %arg0 : i32
    %mul3A_1 = arith.constant 512 : i32
    %mul3A_2 = arith.muli %add3A, %mul3A_1 : i32
    %broadcast_in_dim3A = arith.constant 5.000000e-03 : f32
    %broadcast_in_dim3A_3 = vector.broadcast %broadcast_in_dim3A : f32 to vector<16xf32>
    %add3A_4 = arith.constant 0 : i32
    %add3A_5 = arith.addi %mul3A_2, %add3A_4 : i32
    %mul3A_6 = arith.constant 200 : i32
    %mul3A_7 = arith.muli %add3A_5, %mul3A_6 : i32
    "tpu.region"() ({
      %run_scoped3A = tpu.sem_alloc : memref<!tpu.dma_semaphore, #tpu.memory_space<semaphore_mem>>
      %dma_start3A_92 = tpu.memref_slice %arg2[%mul3A_7] : memref<3276800xi32, #tpu.memory_space<hbm>> -> memref<800xi32, #tpu.memory_space<hbm>>
      %dma_start3A_93 = tpu.memref_slice %arg2[%mul3A_7] : memref<3276800xi32, #tpu.memory_space<hbm>> -> memref<800xi32, #tpu.memory_space<hbm>>
      tpu.enqueue_dma source(%dma_start3A_93 : memref<800xi32, #tpu.memory_space<hbm>>) target(%arg5 : memref<800xi32, #tpu.memory_space<vmem>>) target_semaphore(%run_scoped3A : memref<!tpu.dma_semaphore, #tpu.memory_space<semaphore_mem>>)
      %dma_wait3A = tpu.memref_slice %arg2[%mul3A_7] : memref<3276800xi32, #tpu.memory_space<hbm>> -> memref<800xi32, #tpu.memory_space<hbm>>
      %dma_wait3A_94 = tpu.memref_slice %arg2[%mul3A_7] : memref<3276800xi32, #tpu.memory_space<hbm>> -> memref<800xi32, #tpu.memory_space<hbm>>
      tpu.wait_dma2 semaphore(%run_scoped3A : memref<!tpu.dma_semaphore, #tpu.memory_space<semaphore_mem>>) src(%dma_wait3A_94 : memref<800xi32, #tpu.memory_space<hbm>>) dst(%arg5 : memref<800xi32, #tpu.memory_space<vmem>>)
      tpu.yield
    }) : () -> ()
    %dma_start3A = arith.constant 0 : i32
    %dma_start3A_8 = arith.constant 0 : i32
    %dma_start3A_9 = tpu.memref_slice %arg7[%dma_start3A, %dma_start3A_8] : memref<800x64xf32, #tpu.memory_space<vmem>> -> memref<80x64xf32, #tpu.memory_space<vmem>>
    %dma_start3A_10 = arith.constant 0 : i32
    %dma_start3A_11 = tpu.memref_slice %arg5[%dma_start3A_10] : memref<800xi32, #tpu.memory_space<vmem>> -> memref<80xi32, #tpu.memory_space<vmem>>
    %dma_start3A_12 = arith.constant 0 : i32
    %dma_start3A_13 = arith.constant 0 : i32
    %dma_start3A_14 = tpu.memref_slice %arg3[%dma_start3A_12, %dma_start3A_13] : memref<1000000x64xf32, #tpu.memory_space<hbm>> -> memref<1000000x64xf32, #tpu.memory_space<hbm>>
    tpu.enqueue_indirect_dma source(%dma_start3A_14 : memref<1000000x64xf32, #tpu.memory_space<hbm>>) target(%dma_start3A_9 : memref<80x64xf32, #tpu.memory_space<vmem>>) offsets(%dma_start3A_11 : memref<80xi32, #tpu.memory_space<vmem>>) semaphore(%arg10 : memref<!tpu.dma_semaphore, #tpu.memory_space<semaphore_mem>>)
    %dma_start3A_15 = arith.constant 80 : i32
    %dma_start3A_16 = arith.constant 0 : i32
    %dma_start3A_17 = tpu.memref_slice %arg7[%dma_start3A_15, %dma_start3A_16] : memref<800x64xf32, #tpu.memory_space<vmem>> -> memref<80x64xf32, #tpu.memory_space<vmem>>
    %dma_start3A_18 = arith.constant 80 : i32
    %dma_start3A_19 = tpu.memref_slice %arg5[%dma_start3A_18] : memref<800xi32, #tpu.memory_space<vmem>> -> memref<80xi32, #tpu.memory_space<vmem>>
    %dma_start3A_20 = arith.constant 0 : i32
    %dma_start3A_21 = arith.constant 0 : i32
    %dma_start3A_22 = tpu.memref_slice %arg3[%dma_start3A_20, %dma_start3A_21] : memref<1000000x64xf32, #tpu.memory_space<hbm>> -> memref<1000000x64xf32, #tpu.memory_space<hbm>>
    tpu.enqueue_indirect_dma source(%dma_start3A_22 : memref<1000000x64xf32, #tpu.memory_space<hbm>>) target(%dma_start3A_17 : memref<80x64xf32, #tpu.memory_space<vmem>>) offsets(%dma_start3A_19 : memref<80xi32, #tpu.memory_space<vmem>>) semaphore(%arg10 : memref<!tpu.dma_semaphore, #tpu.memory_space<semaphore_mem>>)
    %dma_start3A_23 = arith.constant 160 : i32
    %dma_start3A_24 = arith.constant 0 : i32
    %dma_start3A_25 = tpu.memref_slice %arg7[%dma_start3A_23, %dma_start3A_24] : memref<800x64xf32, #tpu.memory_space<vmem>> -> memref<80x64xf32, #tpu.memory_space<vmem>>
    %dma_start3A_26 = arith.constant 160 : i32
    %dma_start3A_27 = tpu.memref_slice %arg5[%dma_start3A_26] : memref<800xi32, #tpu.memory_space<vmem>> -> memref<80xi32, #tpu.memory_space<vmem>>
    %dma_start3A_28 = arith.constant 0 : i32
    %dma_start3A_29 = arith.constant 0 : i32
    %dma_start3A_30 = tpu.memref_slice %arg3[%dma_start3A_28, %dma_start3A_29] : memref<1000000x64xf32, #tpu.memory_space<hbm>> -> memref<1000000x64xf32, #tpu.memory_space<hbm>>
    tpu.enqueue_indirect_dma source(%dma_start3A_30 : memref<1000000x64xf32, #tpu.memory_space<hbm>>) target(%dma_start3A_25 : memref<80x64xf32, #tpu.memory_space<vmem>>) offsets(%dma_start3A_27 : memref<80xi32, #tpu.memory_space<vmem>>) semaphore(%arg10 : memref<!tpu.dma_semaphore, #tpu.memory_space<semaphore_mem>>)
    %dma_start3A_31 = arith.constant 240 : i32
    %dma_start3A_32 = arith.constant 0 : i32
    %dma_start3A_33 = tpu.memref_slice %arg7[%dma_start3A_31, %dma_start3A_32] : memref<800x64xf32, #tpu.memory_space<vmem>> -> memref<80x64xf32, #tpu.memory_space<vmem>>
    %dma_start3A_34 = arith.constant 240 : i32
    %dma_start3A_35 = tpu.memref_slice %arg5[%dma_start3A_34] : memref<800xi32, #tpu.memory_space<vmem>> -> memref<80xi32, #tpu.memory_space<vmem>>
    %dma_start3A_36 = arith.constant 0 : i32
    %dma_start3A_37 = arith.constant 0 : i32
    %dma_start3A_38 = tpu.memref_slice %arg3[%dma_start3A_36, %dma_start3A_37] : memref<1000000x64xf32, #tpu.memory_space<hbm>> -> memref<1000000x64xf32, #tpu.memory_space<hbm>>
    tpu.enqueue_indirect_dma source(%dma_start3A_38 : memref<1000000x64xf32, #tpu.memory_space<hbm>>) target(%dma_start3A_33 : memref<80x64xf32, #tpu.memory_space<vmem>>) offsets(%dma_start3A_35 : memref<80xi32, #tpu.memory_space<vmem>>) semaphore(%arg10 : memref<!tpu.dma_semaphore, #tpu.memory_space<semaphore_mem>>)
    %dma_start3A_39 = arith.constant 320 : i32
    %dma_start3A_40 = arith.constant 0 : i32
    %dma_start3A_41 = tpu.memref_slice %arg7[%dma_start3A_39, %dma_start3A_40] : memref<800x64xf32, #tpu.memory_space<vmem>> -> memref<80x64xf32, #tpu.memory_space<vmem>>
    %dma_start3A_42 = arith.constant 320 : i32
    %dma_start3A_43 = tpu.memref_slice %arg5[%dma_start3A_42] : memref<800xi32, #tpu.memory_space<vmem>> -> memref<80xi32, #tpu.memory_space<vmem>>
    %dma_start3A_44 = arith.constant 0 : i32
    %dma_start3A_45 = arith.constant 0 : i32
    %dma_start3A_46 = tpu.memref_slice %arg3[%dma_start3A_44, %dma_start3A_45] : memref<1000000x64xf32, #tpu.memory_space<hbm>> -> memref<1000000x64xf32, #tpu.memory_space<hbm>>
    tpu.enqueue_indirect_dma source(%dma_start3A_46 : memref<1000000x64xf32, #tpu.memory_space<hbm>>) target(%dma_start3A_41 : memref<80x64xf32, #tpu.memory_space<vmem>>) offsets(%dma_start3A_43 : memref<80xi32, #tpu.memory_space<vmem>>) semaphore(%arg10 : memref<!tpu.dma_semaphore, #tpu.memory_space<semaphore_mem>>)
    %dma_start3A_47 = arith.constant 400 : i32
    %dma_start3A_48 = arith.constant 0 : i32
    %dma_start3A_49 = tpu.memref_slice %arg7[%dma_start3A_47, %dma_start3A_48] : memref<800x64xf32, #tpu.memory_space<vmem>> -> memref<80x64xf32, #tpu.memory_space<vmem>>
    %dma_start3A_50 = arith.constant 400 : i32
    %dma_start3A_51 = tpu.memref_slice %arg5[%dma_start3A_50] : memref<800xi32, #tpu.memory_space<vmem>> -> memref<80xi32, #tpu.memory_space<vmem>>
    %dma_start3A_52 = arith.constant 0 : i32
    %dma_start3A_53 = arith.constant 0 : i32
    %dma_start3A_54 = tpu.memref_slice %arg3[%dma_start3A_52, %dma_start3A_53] : memref<1000000x64xf32, #tpu.memory_space<hbm>> -> memref<1000000x64xf32, #tpu.memory_space<hbm>>
    tpu.enqueue_indirect_dma source(%dma_start3A_54 : memref<1000000x64xf32, #tpu.memory_space<hbm>>) target(%dma_start3A_49 : memref<80x64xf32, #tpu.memory_space<vmem>>) offsets(%dma_start3A_51 : memref<80xi32, #tpu.memory_space<vmem>>) semaphore(%arg10 : memref<!tpu.dma_semaphore, #tpu.memory_space<semaphore_mem>>)
    %dma_start3A_55 = arith.constant 480 : i32
    %dma_start3A_56 = arith.constant 0 : i32
    %dma_start3A_57 = tpu.memref_slice %arg7[%dma_start3A_55, %dma_start3A_56] : memref<800x64xf32, #tpu.memory_space<vmem>> -> memref<80x64xf32, #tpu.memory_space<vmem>>
    %dma_start3A_58 = arith.constant 480 : i32
    %dma_start3A_59 = tpu.memref_slice %arg5[%dma_start3A_58] : memref<800xi32, #tpu.memory_space<vmem>> -> memref<80xi32, #tpu.memory_space<vmem>>
    %dma_start3A_60 = arith.constant 0 : i32
    %dma_start3A_61 = arith.constant 0 : i32
    %dma_start3A_62 = tpu.memref_slice %arg3[%dma_start3A_60, %dma_start3A_61] : memref<1000000x64xf32, #tpu.memory_space<hbm>> -> memref<1000000x64xf32, #tpu.memory_space<hbm>>
    tpu.enqueue_indirect_dma source(%dma_start3A_62 : memref<1000000x64xf32, #tpu.memory_space<hbm>>) target(%dma_start3A_57 : memref<80x64xf32, #tpu.memory_space<vmem>>) offsets(%dma_start3A_59 : memref<80xi32, #tpu.memory_space<vmem>>) semaphore(%arg10 : memref<!tpu.dma_semaphore, #tpu.memory_space<semaphore_mem>>)
    %dma_start3A_63 = arith.constant 560 : i32
    %dma_start3A_64 = arith.constant 0 : i32
    %dma_start3A_65 = tpu.memref_slice %arg7[%dma_start3A_63, %dma_start3A_64] : memref<800x64xf32, #tpu.memory_space<vmem>> -> memref<80x64xf32, #tpu.memory_space<vmem>>
    %dma_start3A_66 = arith.constant 560 : i32
    %dma_start3A_67 = tpu.memref_slice %arg5[%dma_start3A_66] : memref<800xi32, #tpu.memory_space<vmem>> -> memref<80xi32, #tpu.memory_space<vmem>>
    %dma_start3A_68 = arith.constant 0 : i32
    %dma_start3A_69 = arith.constant 0 : i32
    %dma_start3A_70 = tpu.memref_slice %arg3[%dma_start3A_68, %dma_start3A_69] : memref<1000000x64xf32, #tpu.memory_space<hbm>> -> memref<1000000x64xf32, #tpu.memory_space<hbm>>
    tpu.enqueue_indirect_dma source(%dma_start3A_70 : memref<1000000x64xf32, #tpu.memory_space<hbm>>) target(%dma_start3A_65 : memref<80x64xf32, #tpu.memory_space<vmem>>) offsets(%dma_start3A_67 : memref<80xi32, #tpu.memory_space<vmem>>) semaphore(%arg10 : memref<!tpu.dma_semaphore, #tpu.memory_space<semaphore_mem>>)
    %dma_start3A_71 = arith.constant 640 : i32
    %dma_start3A_72 = arith.constant 0 : i32
    %dma_start3A_73 = tpu.memref_slice %arg7[%dma_start3A_71, %dma_start3A_72] : memref<800x64xf32, #tpu.memory_space<vmem>> -> memref<80x64xf32, #tpu.memory_space<vmem>>
    %dma_start3A_74 = arith.constant 640 : i32
    %dma_start3A_75 = tpu.memref_slice %arg5[%dma_start3A_74] : memref<800xi32, #tpu.memory_space<vmem>> -> memref<80xi32, #tpu.memory_space<vmem>>
    %dma_start3A_76 = arith.constant 0 : i32
    %dma_start3A_77 = arith.constant 0 : i32
    %dma_start3A_78 = tpu.memref_slice %arg3[%dma_start3A_76, %dma_start3A_77] : memref<1000000x64xf32, #tpu.memory_space<hbm>> -> memref<1000000x64xf32, #tpu.memory_space<hbm>>
    tpu.enqueue_indirect_dma source(%dma_start3A_78 : memref<1000000x64xf32, #tpu.memory_space<hbm>>) target(%dma_start3A_73 : memref<80x64xf32, #tpu.memory_space<vmem>>) offsets(%dma_start3A_75 : memref<80xi32, #tpu.memory_space<vmem>>) semaphore(%arg10 : memref<!tpu.dma_semaphore, #tpu.memory_space<semaphore_mem>>)
    %dma_start3A_79 = arith.constant 720 : i32
    %dma_start3A_80 = arith.constant 0 : i32
    %dma_start3A_81 = tpu.memref_slice %arg7[%dma_start3A_79, %dma_start3A_80] : memref<800x64xf32, #tpu.memory_space<vmem>> -> memref<80x64xf32, #tpu.memory_space<vmem>>
    %dma_start3A_82 = arith.constant 720 : i32
    %dma_start3A_83 = tpu.memref_slice %arg5[%dma_start3A_82] : memref<800xi32, #tpu.memory_space<vmem>> -> memref<80xi32, #tpu.memory_space<vmem>>
    %dma_start3A_84 = arith.constant 0 : i32
    %dma_start3A_85 = arith.constant 0 : i32
    %dma_start3A_86 = tpu.memref_slice %arg3[%dma_start3A_84, %dma_start3A_85] : memref<1000000x64xf32, #tpu.memory_space<hbm>> -> memref<1000000x64xf32, #tpu.memory_space<hbm>>
    tpu.enqueue_indirect_dma source(%dma_start3A_86 : memref<1000000x64xf32, #tpu.memory_space<hbm>>) target(%dma_start3A_81 : memref<80x64xf32, #tpu.memory_space<vmem>>) offsets(%dma_start3A_83 : memref<80xi32, #tpu.memory_space<vmem>>) semaphore(%arg10 : memref<!tpu.dma_semaphore, #tpu.memory_space<semaphore_mem>>)
    %scan3A = arith.constant 0 : i32
    %scan3A_87 = arith.constant 0 : i32
    %scan3A_88 = arith.constant 64 : i32
    %scan3A_89 = arith.addi %scan3A_87, %scan3A_88 : i32
    %scan3A_90 = arith.constant 1 : i32
    scf.for %scan3A_92 = %scan3A_87 to %scan3A_89 step %scan3A_90  : i32 {
      %mul3A_93 = arith.constant 2 : i32
      %mul3A_94 = arith.muli %mul3A_93, %scan3A_92 : i32
      %mul3A_95 = arith.constant 2 : i32
      %mul3A_96 = arith.muli %mul3A_95, %scan3A_92 : i32
      %add3A_97 = arith.constant 1 : i32
      %add3A_98 = arith.addi %mul3A_96, %add3A_97 : i32
      %mul3A_99 = arith.constant 4 : i32
      %mul3A_100 = arith.muli %add3A_98, %mul3A_99 : i32
      %add3A_101 = arith.addi %mul3A_2, %mul3A_100 : i32
      %mul3A_102 = arith.constant 200 : i32
      %mul3A_103 = arith.muli %add3A_101, %mul3A_102 : i32
      "tpu.region"() ({
        %run_scoped3A = tpu.sem_alloc : memref<!tpu.dma_semaphore, #tpu.memory_space<semaphore_mem>>
        %dma_start3A_715 = tpu.memref_slice %arg2[%mul3A_103] : memref<3276800xi32, #tpu.memory_space<hbm>> -> memref<800xi32, #tpu.memory_space<hbm>>
        %dma_start3A_716 = tpu.memref_slice %arg2[%mul3A_103] : memref<3276800xi32, #tpu.memory_space<hbm>> -> memref<800xi32, #tpu.memory_space<hbm>>
        tpu.enqueue_dma source(%dma_start3A_716 : memref<800xi32, #tpu.memory_space<hbm>>) target(%arg6 : memref<800xi32, #tpu.memory_space<vmem>>) target_semaphore(%run_scoped3A : memref<!tpu.dma_semaphore, #tpu.memory_space<semaphore_mem>>)
        %dma_wait3A_717 = tpu.memref_slice %arg2[%mul3A_103] : memref<3276800xi32, #tpu.memory_space<hbm>> -> memref<800xi32, #tpu.memory_space<hbm>>
        %dma_wait3A_718 = tpu.memref_slice %arg2[%mul3A_103] : memref<3276800xi32, #tpu.memory_space<hbm>> -> memref<800xi32, #tpu.memory_space<hbm>>
        tpu.wait_dma2 semaphore(%run_scoped3A : memref<!tpu.dma_semaphore, #tpu.memory_space<semaphore_mem>>) src(%dma_wait3A_718 : memref<800xi32, #tpu.memory_space<hbm>>) dst(%arg6 : memref<800xi32, #tpu.memory_space<vmem>>)
        tpu.yield
      }) : () -> ()
      %dma_start3A_104 = arith.constant 0 : i32
      %dma_start3A_105 = arith.constant 0 : i32
      %dma_start3A_106 = tpu.memref_slice %arg8[%dma_start3A_104, %dma_start3A_105] : memref<800x64xf32, #tpu.memory_space<vmem>> -> memref<80x64xf32, #tpu.memory_space<vmem>>
      %dma_start3A_107 = arith.constant 0 : i32
      %dma_start3A_108 = tpu.memref_slice %arg6[%dma_start3A_107] : memref<800xi32, #tpu.memory_space<vmem>> -> memref<80xi32, #tpu.memory_space<vmem>>
      %dma_start3A_109 = arith.constant 0 : i32
      %dma_start3A_110 = arith.constant 0 : i32
      %dma_start3A_111 = tpu.memref_slice %arg3[%dma_start3A_109, %dma_start3A_110] : memref<1000000x64xf32, #tpu.memory_space<hbm>> -> memref<1000000x64xf32, #tpu.memory_space<hbm>>
      tpu.enqueue_indirect_dma source(%dma_start3A_111 : memref<1000000x64xf32, #tpu.memory_space<hbm>>) target(%dma_start3A_106 : memref<80x64xf32, #tpu.memory_space<vmem>>) offsets(%dma_start3A_108 : memref<80xi32, #tpu.memory_space<vmem>>) semaphore(%arg11 : memref<!tpu.dma_semaphore, #tpu.memory_space<semaphore_mem>>)
      %dma_start3A_112 = arith.constant 80 : i32
      %dma_start3A_113 = arith.constant 0 : i32
      %dma_start3A_114 = tpu.memref_slice %arg8[%dma_start3A_112, %dma_start3A_113] : memref<800x64xf32, #tpu.memory_space<vmem>> -> memref<80x64xf32, #tpu.memory_space<vmem>>
      %dma_start3A_115 = arith.constant 80 : i32
      %dma_start3A_116 = tpu.memref_slice %arg6[%dma_start3A_115] : memref<800xi32, #tpu.memory_space<vmem>> -> memref<80xi32, #tpu.memory_space<vmem>>
      %dma_start3A_117 = arith.constant 0 : i32
      %dma_start3A_118 = arith.constant 0 : i32
      %dma_start3A_119 = tpu.memref_slice %arg3[%dma_start3A_117, %dma_start3A_118] : memref<1000000x64xf32, #tpu.memory_space<hbm>> -> memref<1000000x64xf32, #tpu.memory_space<hbm>>
      tpu.enqueue_indirect_dma source(%dma_start3A_119 : memref<1000000x64xf32, #tpu.memory_space<hbm>>) target(%dma_start3A_114 : memref<80x64xf32, #tpu.memory_space<vmem>>) offsets(%dma_start3A_116 : memref<80xi32, #tpu.memory_space<vmem>>) semaphore(%arg11 : memref<!tpu.dma_semaphore, #tpu.memory_space<semaphore_mem>>)
      %dma_start3A_120 = arith.constant 160 : i32
      %dma_start3A_121 = arith.constant 0 : i32
      %dma_start3A_122 = tpu.memref_slice %arg8[%dma_start3A_120, %dma_start3A_121] : memref<800x64xf32, #tpu.memory_space<vmem>> -> memref<80x64xf32, #tpu.memory_space<vmem>>
      %dma_start3A_123 = arith.constant 160 : i32
      %dma_start3A_124 = tpu.memref_slice %arg6[%dma_start3A_123] : memref<800xi32, #tpu.memory_space<vmem>> -> memref<80xi32, #tpu.memory_space<vmem>>
      %dma_start3A_125 = arith.constant 0 : i32
      %dma_start3A_126 = arith.constant 0 : i32
      %dma_start3A_127 = tpu.memref_slice %arg3[%dma_start3A_125, %dma_start3A_126] : memref<1000000x64xf32, #tpu.memory_space<hbm>> -> memref<1000000x64xf32, #tpu.memory_space<hbm>>
      tpu.enqueue_indirect_dma source(%dma_start3A_127 : memref<1000000x64xf32, #tpu.memory_space<hbm>>) target(%dma_start3A_122 : memref<80x64xf32, #tpu.memory_space<vmem>>) offsets(%dma_start3A_124 : memref<80xi32, #tpu.memory_space<vmem>>) semaphore(%arg11 : memref<!tpu.dma_semaphore, #tpu.memory_space<semaphore_mem>>)
      %dma_start3A_128 = arith.constant 240 : i32
      %dma_start3A_129 = arith.constant 0 : i32
      %dma_start3A_130 = tpu.memref_slice %arg8[%dma_start3A_128, %dma_start3A_129] : memref<800x64xf32, #tpu.memory_space<vmem>> -> memref<80x64xf32, #tpu.memory_space<vmem>>
      %dma_start3A_131 = arith.constant 240 : i32
      %dma_start3A_132 = tpu.memref_slice %arg6[%dma_start3A_131] : memref<800xi32, #tpu.memory_space<vmem>> -> memref<80xi32, #tpu.memory_space<vmem>>
      %dma_start3A_133 = arith.constant 0 : i32
      %dma_start3A_134 = arith.constant 0 : i32
      %dma_start3A_135 = tpu.memref_slice %arg3[%dma_start3A_133, %dma_start3A_134] : memref<1000000x64xf32, #tpu.memory_space<hbm>> -> memref<1000000x64xf32, #tpu.memory_space<hbm>>
      tpu.enqueue_indirect_dma source(%dma_start3A_135 : memref<1000000x64xf32, #tpu.memory_space<hbm>>) target(%dma_start3A_130 : memref<80x64xf32, #tpu.memory_space<vmem>>) offsets(%dma_start3A_132 : memref<80xi32, #tpu.memory_space<vmem>>) semaphore(%arg11 : memref<!tpu.dma_semaphore, #tpu.memory_space<semaphore_mem>>)
      %dma_start3A_136 = arith.constant 320 : i32
      %dma_start3A_137 = arith.constant 0 : i32
      %dma_start3A_138 = tpu.memref_slice %arg8[%dma_start3A_136, %dma_start3A_137] : memref<800x64xf32, #tpu.memory_space<vmem>> -> memref<80x64xf32, #tpu.memory_space<vmem>>
      %dma_start3A_139 = arith.constant 320 : i32
      %dma_start3A_140 = tpu.memref_slice %arg6[%dma_start3A_139] : memref<800xi32, #tpu.memory_space<vmem>> -> memref<80xi32, #tpu.memory_space<vmem>>
      %dma_start3A_141 = arith.constant 0 : i32
      %dma_start3A_142 = arith.constant 0 : i32
      %dma_start3A_143 = tpu.memref_slice %arg3[%dma_start3A_141, %dma_start3A_142] : memref<1000000x64xf32, #tpu.memory_space<hbm>> -> memref<1000000x64xf32, #tpu.memory_space<hbm>>
      tpu.enqueue_indirect_dma source(%dma_start3A_143 : memref<1000000x64xf32, #tpu.memory_space<hbm>>) target(%dma_start3A_138 : memref<80x64xf32, #tpu.memory_space<vmem>>) offsets(%dma_start3A_140 : memref<80xi32, #tpu.memory_space<vmem>>) semaphore(%arg11 : memref<!tpu.dma_semaphore, #tpu.memory_space<semaphore_mem>>)
      %dma_start3A_144 = arith.constant 400 : i32
      %dma_start3A_145 = arith.constant 0 : i32
      %dma_start3A_146 = tpu.memref_slice %arg8[%dma_start3A_144, %dma_start3A_145] : memref<800x64xf32, #tpu.memory_space<vmem>> -> memref<80x64xf32, #tpu.memory_space<vmem>>
      %dma_start3A_147 = arith.constant 400 : i32
      %dma_start3A_148 = tpu.memref_slice %arg6[%dma_start3A_147] : memref<800xi32, #tpu.memory_space<vmem>> -> memref<80xi32, #tpu.memory_space<vmem>>
      %dma_start3A_149 = arith.constant 0 : i32
      %dma_start3A_150 = arith.constant 0 : i32
      %dma_start3A_151 = tpu.memref_slice %arg3[%dma_start3A_149, %dma_start3A_150] : memref<1000000x64xf32, #tpu.memory_space<hbm>> -> memref<1000000x64xf32, #tpu.memory_space<hbm>>
      tpu.enqueue_indirect_dma source(%dma_start3A_151 : memref<1000000x64xf32, #tpu.memory_space<hbm>>) target(%dma_start3A_146 : memref<80x64xf32, #tpu.memory_space<vmem>>) offsets(%dma_start3A_148 : memref<80xi32, #tpu.memory_space<vmem>>) semaphore(%arg11 : memref<!tpu.dma_semaphore, #tpu.memory_space<semaphore_mem>>)
      %dma_start3A_152 = arith.constant 480 : i32
      %dma_start3A_153 = arith.constant 0 : i32
      %dma_start3A_154 = tpu.memref_slice %arg8[%dma_start3A_152, %dma_start3A_153] : memref<800x64xf32, #tpu.memory_space<vmem>> -> memref<80x64xf32, #tpu.memory_space<vmem>>
      %dma_start3A_155 = arith.constant 480 : i32
      %dma_start3A_156 = tpu.memref_slice %arg6[%dma_start3A_155] : memref<800xi32, #tpu.memory_space<vmem>> -> memref<80xi32, #tpu.memory_space<vmem>>
      %dma_start3A_157 = arith.constant 0 : i32
      %dma_start3A_158 = arith.constant 0 : i32
      %dma_start3A_159 = tpu.memref_slice %arg3[%dma_start3A_157, %dma_start3A_158] : memref<1000000x64xf32, #tpu.memory_space<hbm>> -> memref<1000000x64xf32, #tpu.memory_space<hbm>>
      tpu.enqueue_indirect_dma source(%dma_start3A_159 : memref<1000000x64xf32, #tpu.memory_space<hbm>>) target(%dma_start3A_154 : memref<80x64xf32, #tpu.memory_space<vmem>>) offsets(%dma_start3A_156 : memref<80xi32, #tpu.memory_space<vmem>>) semaphore(%arg11 : memref<!tpu.dma_semaphore, #tpu.memory_space<semaphore_mem>>)
      %dma_start3A_160 = arith.constant 560 : i32
      %dma_start3A_161 = arith.constant 0 : i32
      %dma_start3A_162 = tpu.memref_slice %arg8[%dma_start3A_160, %dma_start3A_161] : memref<800x64xf32, #tpu.memory_space<vmem>> -> memref<80x64xf32, #tpu.memory_space<vmem>>
      %dma_start3A_163 = arith.constant 560 : i32
      %dma_start3A_164 = tpu.memref_slice %arg6[%dma_start3A_163] : memref<800xi32, #tpu.memory_space<vmem>> -> memref<80xi32, #tpu.memory_space<vmem>>
      %dma_start3A_165 = arith.constant 0 : i32
      %dma_start3A_166 = arith.constant 0 : i32
      %dma_start3A_167 = tpu.memref_slice %arg3[%dma_start3A_165, %dma_start3A_166] : memref<1000000x64xf32, #tpu.memory_space<hbm>> -> memref<1000000x64xf32, #tpu.memory_space<hbm>>
      tpu.enqueue_indirect_dma source(%dma_start3A_167 : memref<1000000x64xf32, #tpu.memory_space<hbm>>) target(%dma_start3A_162 : memref<80x64xf32, #tpu.memory_space<vmem>>) offsets(%dma_start3A_164 : memref<80xi32, #tpu.memory_space<vmem>>) semaphore(%arg11 : memref<!tpu.dma_semaphore, #tpu.memory_space<semaphore_mem>>)
      %dma_start3A_168 = arith.constant 640 : i32
      %dma_start3A_169 = arith.constant 0 : i32
      %dma_start3A_170 = tpu.memref_slice %arg8[%dma_start3A_168, %dma_start3A_169] : memref<800x64xf32, #tpu.memory_space<vmem>> -> memref<80x64xf32, #tpu.memory_space<vmem>>
      %dma_start3A_171 = arith.constant 640 : i32
      %dma_start3A_172 = tpu.memref_slice %arg6[%dma_start3A_171] : memref<800xi32, #tpu.memory_space<vmem>> -> memref<80xi32, #tpu.memory_space<vmem>>
      %dma_start3A_173 = arith.constant 0 : i32
      %dma_start3A_174 = arith.constant 0 : i32
      %dma_start3A_175 = tpu.memref_slice %arg3[%dma_start3A_173, %dma_start3A_174] : memref<1000000x64xf32, #tpu.memory_space<hbm>> -> memref<1000000x64xf32, #tpu.memory_space<hbm>>
      tpu.enqueue_indirect_dma source(%dma_start3A_175 : memref<1000000x64xf32, #tpu.memory_space<hbm>>) target(%dma_start3A_170 : memref<80x64xf32, #tpu.memory_space<vmem>>) offsets(%dma_start3A_172 : memref<80xi32, #tpu.memory_space<vmem>>) semaphore(%arg11 : memref<!tpu.dma_semaphore, #tpu.memory_space<semaphore_mem>>)
      %dma_start3A_176 = arith.constant 720 : i32
      %dma_start3A_177 = arith.constant 0 : i32
      %dma_start3A_178 = tpu.memref_slice %arg8[%dma_start3A_176, %dma_start3A_177] : memref<800x64xf32, #tpu.memory_space<vmem>> -> memref<80x64xf32, #tpu.memory_space<vmem>>
      %dma_start3A_179 = arith.constant 720 : i32
      %dma_start3A_180 = tpu.memref_slice %arg6[%dma_start3A_179] : memref<800xi32, #tpu.memory_space<vmem>> -> memref<80xi32, #tpu.memory_space<vmem>>
      %dma_start3A_181 = arith.constant 0 : i32
      %dma_start3A_182 = arith.constant 0 : i32
      %dma_start3A_183 = tpu.memref_slice %arg3[%dma_start3A_181, %dma_start3A_182] : memref<1000000x64xf32, #tpu.memory_space<hbm>> -> memref<1000000x64xf32, #tpu.memory_space<hbm>>
      tpu.enqueue_indirect_dma source(%dma_start3A_183 : memref<1000000x64xf32, #tpu.memory_space<hbm>>) target(%dma_start3A_178 : memref<80x64xf32, #tpu.memory_space<vmem>>) offsets(%dma_start3A_180 : memref<80xi32, #tpu.memory_space<vmem>>) semaphore(%arg11 : memref<!tpu.dma_semaphore, #tpu.memory_space<semaphore_mem>>)
      %dma_wait3A = arith.constant 0 : i32
      %dma_wait3A_184 = arith.constant 0 : i32
      %dma_wait3A_185 = tpu.memref_slice %arg7[%dma_wait3A, %dma_wait3A_184] : memref<800x64xf32, #tpu.memory_space<vmem>> -> memref<80x64xf32, #tpu.memory_space<vmem>>
      %dma_wait3A_186 = arith.constant 0 : i32
      %dma_wait3A_187 = tpu.memref_slice %arg5[%dma_wait3A_186] : memref<800xi32, #tpu.memory_space<vmem>> -> memref<80xi32, #tpu.memory_space<vmem>>
      %dma_wait3A_188 = arith.constant 0 : i32
      %dma_wait3A_189 = arith.constant 0 : i32
      %dma_wait3A_190 = tpu.memref_slice %arg3[%dma_wait3A_188, %dma_wait3A_189] : memref<1000000x64xf32, #tpu.memory_space<hbm>> -> memref<1000000x64xf32, #tpu.memory_space<hbm>>
      tpu.wait_indirect_dma semaphore(%arg10 : memref<!tpu.dma_semaphore, #tpu.memory_space<semaphore_mem>>) src(%dma_wait3A_190 : memref<1000000x64xf32, #tpu.memory_space<hbm>>) dst(%dma_wait3A_185 : memref<80x64xf32, #tpu.memory_space<vmem>>)
      %dma_wait3A_191 = arith.constant 80 : i32
      %dma_wait3A_192 = arith.constant 0 : i32
      %dma_wait3A_193 = tpu.memref_slice %arg7[%dma_wait3A_191, %dma_wait3A_192] : memref<800x64xf32, #tpu.memory_space<vmem>> -> memref<80x64xf32, #tpu.memory_space<vmem>>
      %dma_wait3A_194 = arith.constant 80 : i32
      %dma_wait3A_195 = tpu.memref_slice %arg5[%dma_wait3A_194] : memref<800xi32, #tpu.memory_space<vmem>> -> memref<80xi32, #tpu.memory_space<vmem>>
      %dma_wait3A_196 = arith.constant 0 : i32
      %dma_wait3A_197 = arith.constant 0 : i32
      %dma_wait3A_198 = tpu.memref_slice %arg3[%dma_wait3A_196, %dma_wait3A_197] : memref<1000000x64xf32, #tpu.memory_space<hbm>> -> memref<1000000x64xf32, #tpu.memory_space<hbm>>
      tpu.wait_indirect_dma semaphore(%arg10 : memref<!tpu.dma_semaphore, #tpu.memory_space<semaphore_mem>>) src(%dma_wait3A_198 : memref<1000000x64xf32, #tpu.memory_space<hbm>>) dst(%dma_wait3A_193 : memref<80x64xf32, #tpu.memory_space<vmem>>)
      %dma_wait3A_199 = arith.constant 160 : i32
      %dma_wait3A_200 = arith.constant 0 : i32
      %dma_wait3A_201 = tpu.memref_slice %arg7[%dma_wait3A_199, %dma_wait3A_200] : memref<800x64xf32, #tpu.memory_space<vmem>> -> memref<80x64xf32, #tpu.memory_space<vmem>>
      %dma_wait3A_202 = arith.constant 160 : i32
      %dma_wait3A_203 = tpu.memref_slice %arg5[%dma_wait3A_202] : memref<800xi32, #tpu.memory_space<vmem>> -> memref<80xi32, #tpu.memory_space<vmem>>
      %dma_wait3A_204 = arith.constant 0 : i32
      %dma_wait3A_205 = arith.constant 0 : i32
      %dma_wait3A_206 = tpu.memref_slice %arg3[%dma_wait3A_204, %dma_wait3A_205] : memref<1000000x64xf32, #tpu.memory_space<hbm>> -> memref<1000000x64xf32, #tpu.memory_space<hbm>>
      tpu.wait_indirect_dma semaphore(%arg10 : memref<!tpu.dma_semaphore, #tpu.memory_space<semaphore_mem>>) src(%dma_wait3A_206 : memref<1000000x64xf32, #tpu.memory_space<hbm>>) dst(%dma_wait3A_201 : memref<80x64xf32, #tpu.memory_space<vmem>>)
      %dma_wait3A_207 = arith.constant 240 : i32
      %dma_wait3A_208 = arith.constant 0 : i32
      %dma_wait3A_209 = tpu.memref_slice %arg7[%dma_wait3A_207, %dma_wait3A_208] : memref<800x64xf32, #tpu.memory_space<vmem>> -> memref<80x64xf32, #tpu.memory_space<vmem>>
      %dma_wait3A_210 = arith.constant 240 : i32
      %dma_wait3A_211 = tpu.memref_slice %arg5[%dma_wait3A_210] : memref<800xi32, #tpu.memory_space<vmem>> -> memref<80xi32, #tpu.memory_space<vmem>>
      %dma_wait3A_212 = arith.constant 0 : i32
      %dma_wait3A_213 = arith.constant 0 : i32
      %dma_wait3A_214 = tpu.memref_slice %arg3[%dma_wait3A_212, %dma_wait3A_213] : memref<1000000x64xf32, #tpu.memory_space<hbm>> -> memref<1000000x64xf32, #tpu.memory_space<hbm>>
      tpu.wait_indirect_dma semaphore(%arg10 : memref<!tpu.dma_semaphore, #tpu.memory_space<semaphore_mem>>) src(%dma_wait3A_214 : memref<1000000x64xf32, #tpu.memory_space<hbm>>) dst(%dma_wait3A_209 : memref<80x64xf32, #tpu.memory_space<vmem>>)
      %dma_wait3A_215 = arith.constant 320 : i32
      %dma_wait3A_216 = arith.constant 0 : i32
      %dma_wait3A_217 = tpu.memref_slice %arg7[%dma_wait3A_215, %dma_wait3A_216] : memref<800x64xf32, #tpu.memory_space<vmem>> -> memref<80x64xf32, #tpu.memory_space<vmem>>
      %dma_wait3A_218 = arith.constant 320 : i32
      %dma_wait3A_219 = tpu.memref_slice %arg5[%dma_wait3A_218] : memref<800xi32, #tpu.memory_space<vmem>> -> memref<80xi32, #tpu.memory_space<vmem>>
      %dma_wait3A_220 = arith.constant 0 : i32
      %dma_wait3A_221 = arith.constant 0 : i32
      %dma_wait3A_222 = tpu.memref_slice %arg3[%dma_wait3A_220, %dma_wait3A_221] : memref<1000000x64xf32, #tpu.memory_space<hbm>> -> memref<1000000x64xf32, #tpu.memory_space<hbm>>
      tpu.wait_indirect_dma semaphore(%arg10 : memref<!tpu.dma_semaphore, #tpu.memory_space<semaphore_mem>>) src(%dma_wait3A_222 : memref<1000000x64xf32, #tpu.memory_space<hbm>>) dst(%dma_wait3A_217 : memref<80x64xf32, #tpu.memory_space<vmem>>)
      %dma_wait3A_223 = arith.constant 400 : i32
      %dma_wait3A_224 = arith.constant 0 : i32
      %dma_wait3A_225 = tpu.memref_slice %arg7[%dma_wait3A_223, %dma_wait3A_224] : memref<800x64xf32, #tpu.memory_space<vmem>> -> memref<80x64xf32, #tpu.memory_space<vmem>>
      %dma_wait3A_226 = arith.constant 400 : i32
      %dma_wait3A_227 = tpu.memref_slice %arg5[%dma_wait3A_226] : memref<800xi32, #tpu.memory_space<vmem>> -> memref<80xi32, #tpu.memory_space<vmem>>
      %dma_wait3A_228 = arith.constant 0 : i32
      %dma_wait3A_229 = arith.constant 0 : i32
      %dma_wait3A_230 = tpu.memref_slice %arg3[%dma_wait3A_228, %dma_wait3A_229] : memref<1000000x64xf32, #tpu.memory_space<hbm>> -> memref<1000000x64xf32, #tpu.memory_space<hbm>>
      tpu.wait_indirect_dma semaphore(%arg10 : memref<!tpu.dma_semaphore, #tpu.memory_space<semaphore_mem>>) src(%dma_wait3A_230 : memref<1000000x64xf32, #tpu.memory_space<hbm>>) dst(%dma_wait3A_225 : memref<80x64xf32, #tpu.memory_space<vmem>>)
      %dma_wait3A_231 = arith.constant 480 : i32
      %dma_wait3A_232 = arith.constant 0 : i32
      %dma_wait3A_233 = tpu.memref_slice %arg7[%dma_wait3A_231, %dma_wait3A_232] : memref<800x64xf32, #tpu.memory_space<vmem>> -> memref<80x64xf32, #tpu.memory_space<vmem>>
      %dma_wait3A_234 = arith.constant 480 : i32
      %dma_wait3A_235 = tpu.memref_slice %arg5[%dma_wait3A_234] : memref<800xi32, #tpu.memory_space<vmem>> -> memref<80xi32, #tpu.memory_space<vmem>>
      %dma_wait3A_236 = arith.constant 0 : i32
      %dma_wait3A_237 = arith.constant 0 : i32
      %dma_wait3A_238 = tpu.memref_slice %arg3[%dma_wait3A_236, %dma_wait3A_237] : memref<1000000x64xf32, #tpu.memory_space<hbm>> -> memref<1000000x64xf32, #tpu.memory_space<hbm>>
      tpu.wait_indirect_dma semaphore(%arg10 : memref<!tpu.dma_semaphore, #tpu.memory_space<semaphore_mem>>) src(%dma_wait3A_238 : memref<1000000x64xf32, #tpu.memory_space<hbm>>) dst(%dma_wait3A_233 : memref<80x64xf32, #tpu.memory_space<vmem>>)
      %dma_wait3A_239 = arith.constant 560 : i32
      %dma_wait3A_240 = arith.constant 0 : i32
      %dma_wait3A_241 = tpu.memref_slice %arg7[%dma_wait3A_239, %dma_wait3A_240] : memref<800x64xf32, #tpu.memory_space<vmem>> -> memref<80x64xf32, #tpu.memory_space<vmem>>
      %dma_wait3A_242 = arith.constant 560 : i32
      %dma_wait3A_243 = tpu.memref_slice %arg5[%dma_wait3A_242] : memref<800xi32, #tpu.memory_space<vmem>> -> memref<80xi32, #tpu.memory_space<vmem>>
      %dma_wait3A_244 = arith.constant 0 : i32
      %dma_wait3A_245 = arith.constant 0 : i32
      %dma_wait3A_246 = tpu.memref_slice %arg3[%dma_wait3A_244, %dma_wait3A_245] : memref<1000000x64xf32, #tpu.memory_space<hbm>> -> memref<1000000x64xf32, #tpu.memory_space<hbm>>
      tpu.wait_indirect_dma semaphore(%arg10 : memref<!tpu.dma_semaphore, #tpu.memory_space<semaphore_mem>>) src(%dma_wait3A_246 : memref<1000000x64xf32, #tpu.memory_space<hbm>>) dst(%dma_wait3A_241 : memref<80x64xf32, #tpu.memory_space<vmem>>)
      %dma_wait3A_247 = arith.constant 640 : i32
      %dma_wait3A_248 = arith.constant 0 : i32
      %dma_wait3A_249 = tpu.memref_slice %arg7[%dma_wait3A_247, %dma_wait3A_248] : memref<800x64xf32, #tpu.memory_space<vmem>> -> memref<80x64xf32, #tpu.memory_space<vmem>>
      %dma_wait3A_250 = arith.constant 640 : i32
      %dma_wait3A_251 = tpu.memref_slice %arg5[%dma_wait3A_250] : memref<800xi32, #tpu.memory_space<vmem>> -> memref<80xi32, #tpu.memory_space<vmem>>
      %dma_wait3A_252 = arith.constant 0 : i32
      %dma_wait3A_253 = arith.constant 0 : i32
      %dma_wait3A_254 = tpu.memref_slice %arg3[%dma_wait3A_252, %dma_wait3A_253] : memref<1000000x64xf32, #tpu.memory_space<hbm>> -> memref<1000000x64xf32, #tpu.memory_space<hbm>>
      tpu.wait_indirect_dma semaphore(%arg10 : memref<!tpu.dma_semaphore, #tpu.memory_space<semaphore_mem>>) src(%dma_wait3A_254 : memref<1000000x64xf32, #tpu.memory_space<hbm>>) dst(%dma_wait3A_249 : memref<80x64xf32, #tpu.memory_space<vmem>>)
      %dma_wait3A_255 = arith.constant 720 : i32
      %dma_wait3A_256 = arith.constant 0 : i32
      %dma_wait3A_257 = tpu.memref_slice %arg7[%dma_wait3A_255, %dma_wait3A_256] : memref<800x64xf32, #tpu.memory_space<vmem>> -> memref<80x64xf32, #tpu.memory_space<vmem>>
      %dma_wait3A_258 = arith.constant 720 : i32
      %dma_wait3A_259 = tpu.memref_slice %arg5[%dma_wait3A_258] : memref<800xi32, #tpu.memory_space<vmem>> -> memref<80xi32, #tpu.memory_space<vmem>>
      %dma_wait3A_260 = arith.constant 0 : i32
      %dma_wait3A_261 = arith.constant 0 : i32
      %dma_wait3A_262 = tpu.memref_slice %arg3[%dma_wait3A_260, %dma_wait3A_261] : memref<1000000x64xf32, #tpu.memory_space<hbm>> -> memref<1000000x64xf32, #tpu.memory_space<hbm>>
      tpu.wait_indirect_dma semaphore(%arg10 : memref<!tpu.dma_semaphore, #tpu.memory_space<semaphore_mem>>) src(%dma_wait3A_262 : memref<1000000x64xf32, #tpu.memory_space<hbm>>) dst(%dma_wait3A_257 : memref<80x64xf32, #tpu.memory_space<vmem>>)
      %jit3A = arith.constant 16 : i32
      %eq3A = arith.constant 0 : i32
      %eq3A_263 = arith.cmpi eq, %jit3A, %eq3A : i32
      %jit3A_264 = arith.constant 1 : i32
      %select_n3A = arith.select %eq3A_263, %jit3A_264, %jit3A : i32
      %rem3A = arith.remsi %mul3A_94, %select_n3A : i32
      %ne3A = arith.constant 0 : i32
      %ne3A_265 = arith.cmpi ne, %rem3A, %ne3A : i32
      %lt3A = arith.constant 0 : i32
      %lt3A_266 = arith.cmpi slt, %rem3A, %lt3A : i32
      %lt3A_267 = arith.constant 0 : i32
      %lt3A_268 = arith.cmpi slt, %select_n3A, %lt3A_267 : i32
      %ne3A_269 = arith.xori %lt3A_266, %lt3A_268 : i1
      %and3A = arith.andi %ne3A_269, %ne3A_265 : i1
      %add3A_270 = arith.addi %rem3A, %select_n3A : i32
      %select_n3A_271 = arith.select %and3A, %add3A_270, %rem3A : i32
      %mul3A_272 = arith.constant 4 : i32
      %mul3A_273 = arith.muli %select_n3A_271, %mul3A_272 : i32
      %broadcast_in_dim3A_274 = arith.constant 0.000000e+00 : f32
      %broadcast_in_dim3A_275 = vector.broadcast %broadcast_in_dim3A_274 : f32 to vector<16xf32>
      %scan3A_276 = arith.constant 0 : i32
      %scan3A_277 = arith.constant 25 : i32
      %scan3A_278 = arith.addi %scan3A_276, %scan3A_277 : i32
      %scan3A_279 = arith.constant 1 : i32
      %scan3A_280:4 = scf.for %scan3A_715 = %scan3A_276 to %scan3A_278 step %scan3A_279 iter_args(%scan3A_716 = %broadcast_in_dim3A_275, %scan3A_717 = %broadcast_in_dim3A_275, %scan3A_718 = %broadcast_in_dim3A_275, %scan3A_719 = %broadcast_in_dim3A_275) -> (vector<16xf32>, vector<16xf32>, vector<16xf32>, vector<16xf32>)  : i32 {
        %mul3A_720 = arith.constant 8 : i32
        %mul3A_721 = arith.muli %scan3A_715, %mul3A_720 : i32
        %add3A_722 = arith.constant 0 : i32
        %add3A_723 = arith.addi %add3A_722, %mul3A_721 : i32
        %add3A_724 = arith.constant 0 : i32
        %add3A_725 = arith.addi %add3A_723, %add3A_724 : i32
        %get3A = arith.index_cast %add3A_725 : i32 to index
        %get3A_726 = arith.constant 0 : index
        %get3A_727 = tpu.vector_load %arg7[%get3A, %get3A_726] {strides = array<i32>} : memref<800x64xf32, #tpu.memory_space<vmem>>, vector<1x16xf32>,
        %get3A_728 = vector.shape_cast %get3A_727 : vector<1x16xf32> to vector<16xf32>
        %add3A_729 = arith.addf %scan3A_716, %get3A_728 : vector<16xf32>
        %add3A_730 = arith.constant 0 : i32
        %add3A_731 = arith.addi %add3A_723, %add3A_730 : i32
        %get3A_732 = arith.index_cast %add3A_731 : i32 to index
        %get3A_733 = arith.constant 16 : index
        %get3A_734 = tpu.vector_load %arg7[%get3A_732, %get3A_733] {strides = array<i32>} : memref<800x64xf32, #tpu.memory_space<vmem>>, vector<1x16xf32>,
        %get3A_735 = vector.shape_cast %get3A_734 : vector<1x16xf32> to vector<16xf32>
        %add3A_736 = arith.addf %scan3A_717, %get3A_735 : vector<16xf32>
        %add3A_737 = arith.constant 0 : i32
        %add3A_738 = arith.addi %add3A_723, %add3A_737 : i32
        %get3A_739 = arith.index_cast %add3A_738 : i32 to index
        %get3A_740 = arith.constant 32 : index
        %get3A_741 = tpu.vector_load %arg7[%get3A_739, %get3A_740] {strides = array<i32>} : memref<800x64xf32, #tpu.memory_space<vmem>>, vector<1x16xf32>,
        %get3A_742 = vector.shape_cast %get3A_741 : vector<1x16xf32> to vector<16xf32>
        %add3A_743 = arith.addf %scan3A_718, %get3A_742 : vector<16xf32>
        %add3A_744 = arith.constant 0 : i32
        %add3A_745 = arith.addi %add3A_723, %add3A_744 : i32
        %get3A_746 = arith.index_cast %add3A_745 : i32 to index
        %get3A_747 = arith.constant 48 : index
        %get3A_748 = tpu.vector_load %arg7[%get3A_746, %get3A_747] {strides = array<i32>} : memref<800x64xf32, #tpu.memory_space<vmem>>, vector<1x16xf32>,
        %get3A_749 = vector.shape_cast %get3A_748 : vector<1x16xf32> to vector<16xf32>
        %add3A_750 = arith.addf %scan3A_719, %get3A_749 : vector<16xf32>
        %add3A_751 = arith.constant 1 : i32
        %add3A_752 = arith.addi %add3A_723, %add3A_751 : i32
        %get3A_753 = arith.index_cast %add3A_752 : i32 to index
        %get3A_754 = arith.constant 0 : index
        %get3A_755 = tpu.vector_load %arg7[%get3A_753, %get3A_754] {strides = array<i32>} : memref<800x64xf32, #tpu.memory_space<vmem>>, vector<1x16xf32>,
        %get3A_756 = vector.shape_cast %get3A_755 : vector<1x16xf32> to vector<16xf32>
        %add3A_757 = arith.addf %add3A_729, %get3A_756 : vector<16xf32>
        %add3A_758 = arith.constant 1 : i32
        %add3A_759 = arith.addi %add3A_723, %add3A_758 : i32
        %get3A_760 = arith.index_cast %add3A_759 : i32 to index
        %get3A_761 = arith.constant 16 : index
        %get3A_762 = tpu.vector_load %arg7[%get3A_760, %get3A_761] {strides = array<i32>} : memref<800x64xf32, #tpu.memory_space<vmem>>, vector<1x16xf32>,
        %get3A_763 = vector.shape_cast %get3A_762 : vector<1x16xf32> to vector<16xf32>
        %add3A_764 = arith.addf %add3A_736, %get3A_763 : vector<16xf32>
        %add3A_765 = arith.constant 1 : i32
        %add3A_766 = arith.addi %add3A_723, %add3A_765 : i32
        %get3A_767 = arith.index_cast %add3A_766 : i32 to index
        %get3A_768 = arith.constant 32 : index
        %get3A_769 = tpu.vector_load %arg7[%get3A_767, %get3A_768] {strides = array<i32>} : memref<800x64xf32, #tpu.memory_space<vmem>>, vector<1x16xf32>,
        %get3A_770 = vector.shape_cast %get3A_769 : vector<1x16xf32> to vector<16xf32>
        %add3A_771 = arith.addf %add3A_743, %get3A_770 : vector<16xf32>
        %add3A_772 = arith.constant 1 : i32
        %add3A_773 = arith.addi %add3A_723, %add3A_772 : i32
        %get3A_774 = arith.index_cast %add3A_773 : i32 to index
        %get3A_775 = arith.constant 48 : index
        %get3A_776 = tpu.vector_load %arg7[%get3A_774, %get3A_775] {strides = array<i32>} : memref<800x64xf32, #tpu.memory_space<vmem>>, vector<1x16xf32>,
        %get3A_777 = vector.shape_cast %get3A_776 : vector<1x16xf32> to vector<16xf32>
        %add3A_778 = arith.addf %add3A_750, %get3A_777 : vector<16xf32>
        %add3A_779 = arith.constant 2 : i32
        %add3A_780 = arith.addi %add3A_723, %add3A_779 : i32
        %get3A_781 = arith.index_cast %add3A_780 : i32 to index
        %get3A_782 = arith.constant 0 : index
        %get3A_783 = tpu.vector_load %arg7[%get3A_781, %get3A_782] {strides = array<i32>} : memref<800x64xf32, #tpu.memory_space<vmem>>, vector<1x16xf32>,
        %get3A_784 = vector.shape_cast %get3A_783 : vector<1x16xf32> to vector<16xf32>
        %add3A_785 = arith.addf %add3A_757, %get3A_784 : vector<16xf32>
        %add3A_786 = arith.constant 2 : i32
        %add3A_787 = arith.addi %add3A_723, %add3A_786 : i32
        %get3A_788 = arith.index_cast %add3A_787 : i32 to index
        %get3A_789 = arith.constant 16 : index
        %get3A_790 = tpu.vector_load %arg7[%get3A_788, %get3A_789] {strides = array<i32>} : memref<800x64xf32, #tpu.memory_space<vmem>>, vector<1x16xf32>,
        %get3A_791 = vector.shape_cast %get3A_790 : vector<1x16xf32> to vector<16xf32>
        %add3A_792 = arith.addf %add3A_764, %get3A_791 : vector<16xf32>
        %add3A_793 = arith.constant 2 : i32
        %add3A_794 = arith.addi %add3A_723, %add3A_793 : i32
        %get3A_795 = arith.index_cast %add3A_794 : i32 to index
        %get3A_796 = arith.constant 32 : index
        %get3A_797 = tpu.vector_load %arg7[%get3A_795, %get3A_796] {strides = array<i32>} : memref<800x64xf32, #tpu.memory_space<vmem>>, vector<1x16xf32>,
        %get3A_798 = vector.shape_cast %get3A_797 : vector<1x16xf32> to vector<16xf32>
        %add3A_799 = arith.addf %add3A_771, %get3A_798 : vector<16xf32>
        %add3A_800 = arith.constant 2 : i32
        %add3A_801 = arith.addi %add3A_723, %add3A_800 : i32
        %get3A_802 = arith.index_cast %add3A_801 : i32 to index
        %get3A_803 = arith.constant 48 : index
        %get3A_804 = tpu.vector_load %arg7[%get3A_802, %get3A_803] {strides = array<i32>} : memref<800x64xf32, #tpu.memory_space<vmem>>, vector<1x16xf32>,
        %get3A_805 = vector.shape_cast %get3A_804 : vector<1x16xf32> to vector<16xf32>
        %add3A_806 = arith.addf %add3A_778, %get3A_805 : vector<16xf32>
        %add3A_807 = arith.constant 3 : i32
        %add3A_808 = arith.addi %add3A_723, %add3A_807 : i32
        %get3A_809 = arith.index_cast %add3A_808 : i32 to index
        %get3A_810 = arith.constant 0 : index
        %get3A_811 = tpu.vector_load %arg7[%get3A_809, %get3A_810] {strides = array<i32>} : memref<800x64xf32, #tpu.memory_space<vmem>>, vector<1x16xf32>,
        %get3A_812 = vector.shape_cast %get3A_811 : vector<1x16xf32> to vector<16xf32>
        %add3A_813 = arith.addf %add3A_785, %get3A_812 : vector<16xf32>
        %add3A_814 = arith.constant 3 : i32
        %add3A_815 = arith.addi %add3A_723, %add3A_814 : i32
        %get3A_816 = arith.index_cast %add3A_815 : i32 to index
        %get3A_817 = arith.constant 16 : index
        %get3A_818 = tpu.vector_load %arg7[%get3A_816, %get3A_817] {strides = array<i32>} : memref<800x64xf32, #tpu.memory_space<vmem>>, vector<1x16xf32>,
        %get3A_819 = vector.shape_cast %get3A_818 : vector<1x16xf32> to vector<16xf32>
        %add3A_820 = arith.addf %add3A_792, %get3A_819 : vector<16xf32>
        %add3A_821 = arith.constant 3 : i32
        %add3A_822 = arith.addi %add3A_723, %add3A_821 : i32
        %get3A_823 = arith.index_cast %add3A_822 : i32 to index
        %get3A_824 = arith.constant 32 : index
        %get3A_825 = tpu.vector_load %arg7[%get3A_823, %get3A_824] {strides = array<i32>} : memref<800x64xf32, #tpu.memory_space<vmem>>, vector<1x16xf32>,
        %get3A_826 = vector.shape_cast %get3A_825 : vector<1x16xf32> to vector<16xf32>
        %add3A_827 = arith.addf %add3A_799, %get3A_826 : vector<16xf32>
        %add3A_828 = arith.constant 3 : i32
        %add3A_829 = arith.addi %add3A_723, %add3A_828 : i32
        %get3A_830 = arith.index_cast %add3A_829 : i32 to index
        %get3A_831 = arith.constant 48 : index
        %get3A_832 = tpu.vector_load %arg7[%get3A_830, %get3A_831] {strides = array<i32>} : memref<800x64xf32, #tpu.memory_space<vmem>>, vector<1x16xf32>,
        %get3A_833 = vector.shape_cast %get3A_832 : vector<1x16xf32> to vector<16xf32>
        %add3A_834 = arith.addf %add3A_806, %get3A_833 : vector<16xf32>
        %add3A_835 = arith.constant 4 : i32
        %add3A_836 = arith.addi %add3A_723, %add3A_835 : i32
        %get3A_837 = arith.index_cast %add3A_836 : i32 to index
        %get3A_838 = arith.constant 0 : index
        %get3A_839 = tpu.vector_load %arg7[%get3A_837, %get3A_838] {strides = array<i32>} : memref<800x64xf32, #tpu.memory_space<vmem>>, vector<1x16xf32>,
        %get3A_840 = vector.shape_cast %get3A_839 : vector<1x16xf32> to vector<16xf32>
        %add3A_841 = arith.addf %add3A_813, %get3A_840 : vector<16xf32>
        %add3A_842 = arith.constant 4 : i32
        %add3A_843 = arith.addi %add3A_723, %add3A_842 : i32
        %get3A_844 = arith.index_cast %add3A_843 : i32 to index
        %get3A_845 = arith.constant 16 : index
        %get3A_846 = tpu.vector_load %arg7[%get3A_844, %get3A_845] {strides = array<i32>} : memref<800x64xf32, #tpu.memory_space<vmem>>, vector<1x16xf32>,
        %get3A_847 = vector.shape_cast %get3A_846 : vector<1x16xf32> to vector<16xf32>
        %add3A_848 = arith.addf %add3A_820, %get3A_847 : vector<16xf32>
        %add3A_849 = arith.constant 4 : i32
        %add3A_850 = arith.addi %add3A_723, %add3A_849 : i32
        %get3A_851 = arith.index_cast %add3A_850 : i32 to index
        %get3A_852 = arith.constant 32 : index
        %get3A_853 = tpu.vector_load %arg7[%get3A_851, %get3A_852] {strides = array<i32>} : memref<800x64xf32, #tpu.memory_space<vmem>>, vector<1x16xf32>,
        %get3A_854 = vector.shape_cast %get3A_853 : vector<1x16xf32> to vector<16xf32>
        %add3A_855 = arith.addf %add3A_827, %get3A_854 : vector<16xf32>
        %add3A_856 = arith.constant 4 : i32
        %add3A_857 = arith.addi %add3A_723, %add3A_856 : i32
        %get3A_858 = arith.index_cast %add3A_857 : i32 to index
        %get3A_859 = arith.constant 48 : index
        %get3A_860 = tpu.vector_load %arg7[%get3A_858, %get3A_859] {strides = array<i32>} : memref<800x64xf32, #tpu.memory_space<vmem>>, vector<1x16xf32>,
        %get3A_861 = vector.shape_cast %get3A_860 : vector<1x16xf32> to vector<16xf32>
        %add3A_862 = arith.addf %add3A_834, %get3A_861 : vector<16xf32>
        %add3A_863 = arith.constant 5 : i32
        %add3A_864 = arith.addi %add3A_723, %add3A_863 : i32
        %get3A_865 = arith.index_cast %add3A_864 : i32 to index
        %get3A_866 = arith.constant 0 : index
        %get3A_867 = tpu.vector_load %arg7[%get3A_865, %get3A_866] {strides = array<i32>} : memref<800x64xf32, #tpu.memory_space<vmem>>, vector<1x16xf32>,
        %get3A_868 = vector.shape_cast %get3A_867 : vector<1x16xf32> to vector<16xf32>
        %add3A_869 = arith.addf %add3A_841, %get3A_868 : vector<16xf32>
        %add3A_870 = arith.constant 5 : i32
        %add3A_871 = arith.addi %add3A_723, %add3A_870 : i32
        %get3A_872 = arith.index_cast %add3A_871 : i32 to index
        %get3A_873 = arith.constant 16 : index
        %get3A_874 = tpu.vector_load %arg7[%get3A_872, %get3A_873] {strides = array<i32>} : memref<800x64xf32, #tpu.memory_space<vmem>>, vector<1x16xf32>,
        %get3A_875 = vector.shape_cast %get3A_874 : vector<1x16xf32> to vector<16xf32>
        %add3A_876 = arith.addf %add3A_848, %get3A_875 : vector<16xf32>
        %add3A_877 = arith.constant 5 : i32
        %add3A_878 = arith.addi %add3A_723, %add3A_877 : i32
        %get3A_879 = arith.index_cast %add3A_878 : i32 to index
        %get3A_880 = arith.constant 32 : index
        %get3A_881 = tpu.vector_load %arg7[%get3A_879, %get3A_880] {strides = array<i32>} : memref<800x64xf32, #tpu.memory_space<vmem>>, vector<1x16xf32>,
        %get3A_882 = vector.shape_cast %get3A_881 : vector<1x16xf32> to vector<16xf32>
        %add3A_883 = arith.addf %add3A_855, %get3A_882 : vector<16xf32>
        %add3A_884 = arith.constant 5 : i32
        %add3A_885 = arith.addi %add3A_723, %add3A_884 : i32
        %get3A_886 = arith.index_cast %add3A_885 : i32 to index
        %get3A_887 = arith.constant 48 : index
        %get3A_888 = tpu.vector_load %arg7[%get3A_886, %get3A_887] {strides = array<i32>} : memref<800x64xf32, #tpu.memory_space<vmem>>, vector<1x16xf32>,
        %get3A_889 = vector.shape_cast %get3A_888 : vector<1x16xf32> to vector<16xf32>
        %add3A_890 = arith.addf %add3A_862, %get3A_889 : vector<16xf32>
        %add3A_891 = arith.constant 6 : i32
        %add3A_892 = arith.addi %add3A_723, %add3A_891 : i32
        %get3A_893 = arith.index_cast %add3A_892 : i32 to index
        %get3A_894 = arith.constant 0 : index
        %get3A_895 = tpu.vector_load %arg7[%get3A_893, %get3A_894] {strides = array<i32>} : memref<800x64xf32, #tpu.memory_space<vmem>>, vector<1x16xf32>,
        %get3A_896 = vector.shape_cast %get3A_895 : vector<1x16xf32> to vector<16xf32>
        %add3A_897 = arith.addf %add3A_869, %get3A_896 : vector<16xf32>
        %add3A_898 = arith.constant 6 : i32
        %add3A_899 = arith.addi %add3A_723, %add3A_898 : i32
        %get3A_900 = arith.index_cast %add3A_899 : i32 to index
        %get3A_901 = arith.constant 16 : index
        %get3A_902 = tpu.vector_load %arg7[%get3A_900, %get3A_901] {strides = array<i32>} : memref<800x64xf32, #tpu.memory_space<vmem>>, vector<1x16xf32>,
        %get3A_903 = vector.shape_cast %get3A_902 : vector<1x16xf32> to vector<16xf32>
        %add3A_904 = arith.addf %add3A_876, %get3A_903 : vector<16xf32>
        %add3A_905 = arith.constant 6 : i32
        %add3A_906 = arith.addi %add3A_723, %add3A_905 : i32
        %get3A_907 = arith.index_cast %add3A_906 : i32 to index
        %get3A_908 = arith.constant 32 : index
        %get3A_909 = tpu.vector_load %arg7[%get3A_907, %get3A_908] {strides = array<i32>} : memref<800x64xf32, #tpu.memory_space<vmem>>, vector<1x16xf32>,
        %get3A_910 = vector.shape_cast %get3A_909 : vector<1x16xf32> to vector<16xf32>
        %add3A_911 = arith.addf %add3A_883, %get3A_910 : vector<16xf32>
        %add3A_912 = arith.constant 6 : i32
        %add3A_913 = arith.addi %add3A_723, %add3A_912 : i32
        %get3A_914 = arith.index_cast %add3A_913 : i32 to index
        %get3A_915 = arith.constant 48 : index
        %get3A_916 = tpu.vector_load %arg7[%get3A_914, %get3A_915] {strides = array<i32>} : memref<800x64xf32, #tpu.memory_space<vmem>>, vector<1x16xf32>,
        %get3A_917 = vector.shape_cast %get3A_916 : vector<1x16xf32> to vector<16xf32>
        %add3A_918 = arith.addf %add3A_890, %get3A_917 : vector<16xf32>
        %add3A_919 = arith.constant 7 : i32
        %add3A_920 = arith.addi %add3A_723, %add3A_919 : i32
        %get3A_921 = arith.index_cast %add3A_920 : i32 to index
        %get3A_922 = arith.constant 0 : index
        %get3A_923 = tpu.vector_load %arg7[%get3A_921, %get3A_922] {strides = array<i32>} : memref<800x64xf32, #tpu.memory_space<vmem>>, vector<1x16xf32>,
        %get3A_924 = vector.shape_cast %get3A_923 : vector<1x16xf32> to vector<16xf32>
        %add3A_925 = arith.addf %add3A_897, %get3A_924 : vector<16xf32>
        %add3A_926 = arith.constant 7 : i32
        %add3A_927 = arith.addi %add3A_723, %add3A_926 : i32
        %get3A_928 = arith.index_cast %add3A_927 : i32 to index
        %get3A_929 = arith.constant 16 : index
        %get3A_930 = tpu.vector_load %arg7[%get3A_928, %get3A_929] {strides = array<i32>} : memref<800x64xf32, #tpu.memory_space<vmem>>, vector<1x16xf32>,
        %get3A_931 = vector.shape_cast %get3A_930 : vector<1x16xf32> to vector<16xf32>
        %add3A_932 = arith.addf %add3A_904, %get3A_931 : vector<16xf32>
        %add3A_933 = arith.constant 7 : i32
        %add3A_934 = arith.addi %add3A_723, %add3A_933 : i32
        %get3A_935 = arith.index_cast %add3A_934 : i32 to index
        %get3A_936 = arith.constant 32 : index
        %get3A_937 = tpu.vector_load %arg7[%get3A_935, %get3A_936] {strides = array<i32>} : memref<800x64xf32, #tpu.memory_space<vmem>>, vector<1x16xf32>,
        %get3A_938 = vector.shape_cast %get3A_937 : vector<1x16xf32> to vector<16xf32>
        %add3A_939 = arith.addf %add3A_911, %get3A_938 : vector<16xf32>
        %add3A_940 = arith.constant 7 : i32
        %add3A_941 = arith.addi %add3A_723, %add3A_940 : i32
        %get3A_942 = arith.index_cast %add3A_941 : i32 to index
        %get3A_943 = arith.constant 48 : index
        %get3A_944 = tpu.vector_load %arg7[%get3A_942, %get3A_943] {strides = array<i32>} : memref<800x64xf32, #tpu.memory_space<vmem>>, vector<1x16xf32>,
        %get3A_945 = vector.shape_cast %get3A_944 : vector<1x16xf32> to vector<16xf32>
        %add3A_946 = arith.addf %add3A_918, %get3A_945 : vector<16xf32>
        scf.yield %add3A_925, %add3A_932, %add3A_939, %add3A_946 : vector<16xf32>, vector<16xf32>, vector<16xf32>, vector<16xf32>
      }
      %scan3A_281 = arith.constant 25 : i32
      %mul3A_282 = arith.mulf %scan3A_280#0, %broadcast_in_dim3A_3 : vector<16xf32>
      %add3A_283 = arith.constant 0 : i32
      %add3A_284 = arith.addi %mul3A_273, %add3A_283 : i32
      %swap3A = arith.index_cast %add3A_284 : i32 to index
      %swap3A_285 = arith.constant 0 : index
      %swap3A_286 = tpu.vector_load %arg9[%swap3A, %swap3A_285] {strides = array<i32>} : memref<64x64xf32, #tpu.memory_space<vmem>>, vector<1x16xf32>,
      %swap3A_287 = vector.shape_cast %swap3A_286 : vector<1x16xf32> to vector<16xf32>
      %swap3A_288 = vector.shape_cast %mul3A_282 : vector<16xf32> to vector<1x16xf32>
      tpu.vector_store %arg9[%swap3A, %swap3A_285], %swap3A_288 {strides = array<i32>} : memref<64x64xf32, #tpu.memory_space<vmem>>, vector<1x16xf32>,
      %mul3A_289 = arith.mulf %scan3A_280#1, %broadcast_in_dim3A_3 : vector<16xf32>
      %add3A_290 = arith.constant 0 : i32
      %add3A_291 = arith.addi %mul3A_273, %add3A_290 : i32
      %swap3A_292 = arith.index_cast %add3A_291 : i32 to index
      %swap3A_293 = arith.constant 16 : index
      %swap3A_294 = tpu.vector_load %arg9[%swap3A_292, %swap3A_293] {strides = array<i32>} : memref<64x64xf32, #tpu.memory_space<vmem>>, vector<1x16xf32>,
      %swap3A_295 = vector.shape_cast %swap3A_294 : vector<1x16xf32> to vector<16xf32>
      %swap3A_296 = vector.shape_cast %mul3A_289 : vector<16xf32> to vector<1x16xf32>
      tpu.vector_store %arg9[%swap3A_292, %swap3A_293], %swap3A_296 {strides = array<i32>} : memref<64x64xf32, #tpu.memory_space<vmem>>, vector<1x16xf32>,
      %mul3A_297 = arith.mulf %scan3A_280#2, %broadcast_in_dim3A_3 : vector<16xf32>
      %add3A_298 = arith.constant 0 : i32
      %add3A_299 = arith.addi %mul3A_273, %add3A_298 : i32
      %swap3A_300 = arith.index_cast %add3A_299 : i32 to index
      %swap3A_301 = arith.constant 32 : index
      %swap3A_302 = tpu.vector_load %arg9[%swap3A_300, %swap3A_301] {strides = array<i32>} : memref<64x64xf32, #tpu.memory_space<vmem>>, vector<1x16xf32>,
      %swap3A_303 = vector.shape_cast %swap3A_302 : vector<1x16xf32> to vector<16xf32>
      %swap3A_304 = vector.shape_cast %mul3A_297 : vector<16xf32> to vector<1x16xf32>
      tpu.vector_store %arg9[%swap3A_300, %swap3A_301], %swap3A_304 {strides = array<i32>} : memref<64x64xf32, #tpu.memory_space<vmem>>, vector<1x16xf32>,
      %mul3A_305 = arith.mulf %scan3A_280#3, %broadcast_in_dim3A_3 : vector<16xf32>
      %add3A_306 = arith.constant 0 : i32
      %add3A_307 = arith.addi %mul3A_273, %add3A_306 : i32
      %swap3A_308 = arith.index_cast %add3A_307 : i32 to index
      %swap3A_309 = arith.constant 48 : index
      %swap3A_310 = tpu.vector_load %arg9[%swap3A_308, %swap3A_309] {strides = array<i32>} : memref<64x64xf32, #tpu.memory_space<vmem>>, vector<1x16xf32>,
      %swap3A_311 = vector.shape_cast %swap3A_310 : vector<1x16xf32> to vector<16xf32>
      %swap3A_312 = vector.shape_cast %mul3A_305 : vector<16xf32> to vector<1x16xf32>
      tpu.vector_store %arg9[%swap3A_308, %swap3A_309], %swap3A_312 {strides = array<i32>} : memref<64x64xf32, #tpu.memory_space<vmem>>, vector<1x16xf32>,
      %broadcast_in_dim3A_313 = arith.constant 0.000000e+00 : f32
      %broadcast_in_dim3A_314 = vector.broadcast %broadcast_in_dim3A_313 : f32 to vector<16xf32>
      %scan3A_315 = arith.constant 0 : i32
      %scan3A_316 = arith.constant 25 : i32
      %scan3A_317 = arith.addi %scan3A_315, %scan3A_316 : i32
      %scan3A_318 = arith.constant 1 : i32
      %scan3A_319:4 = scf.for %scan3A_715 = %scan3A_315 to %scan3A_317 step %scan3A_318 iter_args(%scan3A_716 = %broadcast_in_dim3A_314, %scan3A_717 = %broadcast_in_dim3A_314, %scan3A_718 = %broadcast_in_dim3A_314, %scan3A_719 = %broadcast_in_dim3A_314) -> (vector<16xf32>, vector<16xf32>, vector<16xf32>, vector<16xf32>)  : i32 {
        %mul3A_720 = arith.constant 8 : i32
        %mul3A_721 = arith.muli %scan3A_715, %mul3A_720 : i32
        %add3A_722 = arith.constant 200 : i32
        %add3A_723 = arith.addi %add3A_722, %mul3A_721 : i32
        %add3A_724 = arith.constant 0 : i32
        %add3A_725 = arith.addi %add3A_723, %add3A_724 : i32
        %get3A = arith.index_cast %add3A_725 : i32 to index
        %get3A_726 = arith.constant 0 : index
        %get3A_727 = tpu.vector_load %arg7[%get3A, %get3A_726] {strides = array<i32>} : memref<800x64xf32, #tpu.memory_space<vmem>>, vector<1x16xf32>,
        %get3A_728 = vector.shape_cast %get3A_727 : vector<1x16xf32> to vector<16xf32>
        %add3A_729 = arith.addf %scan3A_716, %get3A_728 : vector<16xf32>
        %add3A_730 = arith.constant 0 : i32
        %add3A_731 = arith.addi %add3A_723, %add3A_730 : i32
        %get3A_732 = arith.index_cast %add3A_731 : i32 to index
        %get3A_733 = arith.constant 16 : index
        %get3A_734 = tpu.vector_load %arg7[%get3A_732, %get3A_733] {strides = array<i32>} : memref<800x64xf32, #tpu.memory_space<vmem>>, vector<1x16xf32>,
        %get3A_735 = vector.shape_cast %get3A_734 : vector<1x16xf32> to vector<16xf32>
        %add3A_736 = arith.addf %scan3A_717, %get3A_735 : vector<16xf32>
        %add3A_737 = arith.constant 0 : i32
        %add3A_738 = arith.addi %add3A_723, %add3A_737 : i32
        %get3A_739 = arith.index_cast %add3A_738 : i32 to index
        %get3A_740 = arith.constant 32 : index
        %get3A_741 = tpu.vector_load %arg7[%get3A_739, %get3A_740] {strides = array<i32>} : memref<800x64xf32, #tpu.memory_space<vmem>>, vector<1x16xf32>,
        %get3A_742 = vector.shape_cast %get3A_741 : vector<1x16xf32> to vector<16xf32>
        %add3A_743 = arith.addf %scan3A_718, %get3A_742 : vector<16xf32>
        %add3A_744 = arith.constant 0 : i32
        %add3A_745 = arith.addi %add3A_723, %add3A_744 : i32
        %get3A_746 = arith.index_cast %add3A_745 : i32 to index
        %get3A_747 = arith.constant 48 : index
        %get3A_748 = tpu.vector_load %arg7[%get3A_746, %get3A_747] {strides = array<i32>} : memref<800x64xf32, #tpu.memory_space<vmem>>, vector<1x16xf32>,
        %get3A_749 = vector.shape_cast %get3A_748 : vector<1x16xf32> to vector<16xf32>
        %add3A_750 = arith.addf %scan3A_719, %get3A_749 : vector<16xf32>
        %add3A_751 = arith.constant 1 : i32
        %add3A_752 = arith.addi %add3A_723, %add3A_751 : i32
        %get3A_753 = arith.index_cast %add3A_752 : i32 to index
        %get3A_754 = arith.constant 0 : index
        %get3A_755 = tpu.vector_load %arg7[%get3A_753, %get3A_754] {strides = array<i32>} : memref<800x64xf32, #tpu.memory_space<vmem>>, vector<1x16xf32>,
        %get3A_756 = vector.shape_cast %get3A_755 : vector<1x16xf32> to vector<16xf32>
        %add3A_757 = arith.addf %add3A_729, %get3A_756 : vector<16xf32>
        %add3A_758 = arith.constant 1 : i32
        %add3A_759 = arith.addi %add3A_723, %add3A_758 : i32
        %get3A_760 = arith.index_cast %add3A_759 : i32 to index
        %get3A_761 = arith.constant 16 : index
        %get3A_762 = tpu.vector_load %arg7[%get3A_760, %get3A_761] {strides = array<i32>} : memref<800x64xf32, #tpu.memory_space<vmem>>, vector<1x16xf32>,
        %get3A_763 = vector.shape_cast %get3A_762 : vector<1x16xf32> to vector<16xf32>
        %add3A_764 = arith.addf %add3A_736, %get3A_763 : vector<16xf32>
        %add3A_765 = arith.constant 1 : i32
        %add3A_766 = arith.addi %add3A_723, %add3A_765 : i32
        %get3A_767 = arith.index_cast %add3A_766 : i32 to index
        %get3A_768 = arith.constant 32 : index
        %get3A_769 = tpu.vector_load %arg7[%get3A_767, %get3A_768] {strides = array<i32>} : memref<800x64xf32, #tpu.memory_space<vmem>>, vector<1x16xf32>,
        %get3A_770 = vector.shape_cast %get3A_769 : vector<1x16xf32> to vector<16xf32>
        %add3A_771 = arith.addf %add3A_743, %get3A_770 : vector<16xf32>
        %add3A_772 = arith.constant 1 : i32
        %add3A_773 = arith.addi %add3A_723, %add3A_772 : i32
        %get3A_774 = arith.index_cast %add3A_773 : i32 to index
        %get3A_775 = arith.constant 48 : index
        %get3A_776 = tpu.vector_load %arg7[%get3A_774, %get3A_775] {strides = array<i32>} : memref<800x64xf32, #tpu.memory_space<vmem>>, vector<1x16xf32>,
        %get3A_777 = vector.shape_cast %get3A_776 : vector<1x16xf32> to vector<16xf32>
        %add3A_778 = arith.addf %add3A_750, %get3A_777 : vector<16xf32>
        %add3A_779 = arith.constant 2 : i32
        %add3A_780 = arith.addi %add3A_723, %add3A_779 : i32
        %get3A_781 = arith.index_cast %add3A_780 : i32 to index
        %get3A_782 = arith.constant 0 : index
        %get3A_783 = tpu.vector_load %arg7[%get3A_781, %get3A_782] {strides = array<i32>} : memref<800x64xf32, #tpu.memory_space<vmem>>, vector<1x16xf32>,
        %get3A_784 = vector.shape_cast %get3A_783 : vector<1x16xf32> to vector<16xf32>
        %add3A_785 = arith.addf %add3A_757, %get3A_784 : vector<16xf32>
        %add3A_786 = arith.constant 2 : i32
        %add3A_787 = arith.addi %add3A_723, %add3A_786 : i32
        %get3A_788 = arith.index_cast %add3A_787 : i32 to index
        %get3A_789 = arith.constant 16 : index
        %get3A_790 = tpu.vector_load %arg7[%get3A_788, %get3A_789] {strides = array<i32>} : memref<800x64xf32, #tpu.memory_space<vmem>>, vector<1x16xf32>,
        %get3A_791 = vector.shape_cast %get3A_790 : vector<1x16xf32> to vector<16xf32>
        %add3A_792 = arith.addf %add3A_764, %get3A_791 : vector<16xf32>
        %add3A_793 = arith.constant 2 : i32
        %add3A_794 = arith.addi %add3A_723, %add3A_793 : i32
        %get3A_795 = arith.index_cast %add3A_794 : i32 to index
        %get3A_796 = arith.constant 32 : index
        %get3A_797 = tpu.vector_load %arg7[%get3A_795, %get3A_796] {strides = array<i32>} : memref<800x64xf32, #tpu.memory_space<vmem>>, vector<1x16xf32>,
        %get3A_798 = vector.shape_cast %get3A_797 : vector<1x16xf32> to vector<16xf32>
        %add3A_799 = arith.addf %add3A_771, %get3A_798 : vector<16xf32>
        %add3A_800 = arith.constant 2 : i32
        %add3A_801 = arith.addi %add3A_723, %add3A_800 : i32
        %get3A_802 = arith.index_cast %add3A_801 : i32 to index
        %get3A_803 = arith.constant 48 : index
        %get3A_804 = tpu.vector_load %arg7[%get3A_802, %get3A_803] {strides = array<i32>} : memref<800x64xf32, #tpu.memory_space<vmem>>, vector<1x16xf32>,
        %get3A_805 = vector.shape_cast %get3A_804 : vector<1x16xf32> to vector<16xf32>
        %add3A_806 = arith.addf %add3A_778, %get3A_805 : vector<16xf32>
        %add3A_807 = arith.constant 3 : i32
        %add3A_808 = arith.addi %add3A_723, %add3A_807 : i32
        %get3A_809 = arith.index_cast %add3A_808 : i32 to index
        %get3A_810 = arith.constant 0 : index
        %get3A_811 = tpu.vector_load %arg7[%get3A_809, %get3A_810] {strides = array<i32>} : memref<800x64xf32, #tpu.memory_space<vmem>>, vector<1x16xf32>,
        %get3A_812 = vector.shape_cast %get3A_811 : vector<1x16xf32> to vector<16xf32>
        %add3A_813 = arith.addf %add3A_785, %get3A_812 : vector<16xf32>
        %add3A_814 = arith.constant 3 : i32
        %add3A_815 = arith.addi %add3A_723, %add3A_814 : i32
        %get3A_816 = arith.index_cast %add3A_815 : i32 to index
        %get3A_817 = arith.constant 16 : index
        %get3A_818 = tpu.vector_load %arg7[%get3A_816, %get3A_817] {strides = array<i32>} : memref<800x64xf32, #tpu.memory_space<vmem>>, vector<1x16xf32>,
        %get3A_819 = vector.shape_cast %get3A_818 : vector<1x16xf32> to vector<16xf32>
        %add3A_820 = arith.addf %add3A_792, %get3A_819 : vector<16xf32>
        %add3A_821 = arith.constant 3 : i32
        %add3A_822 = arith.addi %add3A_723, %add3A_821 : i32
        %get3A_823 = arith.index_cast %add3A_822 : i32 to index
        %get3A_824 = arith.constant 32 : index
        %get3A_825 = tpu.vector_load %arg7[%get3A_823, %get3A_824] {strides = array<i32>} : memref<800x64xf32, #tpu.memory_space<vmem>>, vector<1x16xf32>,
        %get3A_826 = vector.shape_cast %get3A_825 : vector<1x16xf32> to vector<16xf32>
        %add3A_827 = arith.addf %add3A_799, %get3A_826 : vector<16xf32>
        %add3A_828 = arith.constant 3 : i32
        %add3A_829 = arith.addi %add3A_723, %add3A_828 : i32
        %get3A_830 = arith.index_cast %add3A_829 : i32 to index
        %get3A_831 = arith.constant 48 : index
        %get3A_832 = tpu.vector_load %arg7[%get3A_830, %get3A_831] {strides = array<i32>} : memref<800x64xf32, #tpu.memory_space<vmem>>, vector<1x16xf32>,
        %get3A_833 = vector.shape_cast %get3A_832 : vector<1x16xf32> to vector<16xf32>
        %add3A_834 = arith.addf %add3A_806, %get3A_833 : vector<16xf32>
        %add3A_835 = arith.constant 4 : i32
        %add3A_836 = arith.addi %add3A_723, %add3A_835 : i32
        %get3A_837 = arith.index_cast %add3A_836 : i32 to index
        %get3A_838 = arith.constant 0 : index
        %get3A_839 = tpu.vector_load %arg7[%get3A_837, %get3A_838] {strides = array<i32>} : memref<800x64xf32, #tpu.memory_space<vmem>>, vector<1x16xf32>,
        %get3A_840 = vector.shape_cast %get3A_839 : vector<1x16xf32> to vector<16xf32>
        %add3A_841 = arith.addf %add3A_813, %get3A_840 : vector<16xf32>
        %add3A_842 = arith.constant 4 : i32
        %add3A_843 = arith.addi %add3A_723, %add3A_842 : i32
        %get3A_844 = arith.index_cast %add3A_843 : i32 to index
        %get3A_845 = arith.constant 16 : index
        %get3A_846 = tpu.vector_load %arg7[%get3A_844, %get3A_845] {strides = array<i32>} : memref<800x64xf32, #tpu.memory_space<vmem>>, vector<1x16xf32>,
        %get3A_847 = vector.shape_cast %get3A_846 : vector<1x16xf32> to vector<16xf32>
        %add3A_848 = arith.addf %add3A_820, %get3A_847 : vector<16xf32>
        %add3A_849 = arith.constant 4 : i32
        %add3A_850 = arith.addi %add3A_723, %add3A_849 : i32
        %get3A_851 = arith.index_cast %add3A_850 : i32 to index
        %get3A_852 = arith.constant 32 : index
        %get3A_853 = tpu.vector_load %arg7[%get3A_851, %get3A_852] {strides = array<i32>} : memref<800x64xf32, #tpu.memory_space<vmem>>, vector<1x16xf32>,
        %get3A_854 = vector.shape_cast %get3A_853 : vector<1x16xf32> to vector<16xf32>
        %add3A_855 = arith.addf %add3A_827, %get3A_854 : vector<16xf32>
        %add3A_856 = arith.constant 4 : i32
        %add3A_857 = arith.addi %add3A_723, %add3A_856 : i32
        %get3A_858 = arith.index_cast %add3A_857 : i32 to index
        %get3A_859 = arith.constant 48 : index
        %get3A_860 = tpu.vector_load %arg7[%get3A_858, %get3A_859] {strides = array<i32>} : memref<800x64xf32, #tpu.memory_space<vmem>>, vector<1x16xf32>,
        %get3A_861 = vector.shape_cast %get3A_860 : vector<1x16xf32> to vector<16xf32>
        %add3A_862 = arith.addf %add3A_834, %get3A_861 : vector<16xf32>
        %add3A_863 = arith.constant 5 : i32
        %add3A_864 = arith.addi %add3A_723, %add3A_863 : i32
        %get3A_865 = arith.index_cast %add3A_864 : i32 to index
        %get3A_866 = arith.constant 0 : index
        %get3A_867 = tpu.vector_load %arg7[%get3A_865, %get3A_866] {strides = array<i32>} : memref<800x64xf32, #tpu.memory_space<vmem>>, vector<1x16xf32>,
        %get3A_868 = vector.shape_cast %get3A_867 : vector<1x16xf32> to vector<16xf32>
        %add3A_869 = arith.addf %add3A_841, %get3A_868 : vector<16xf32>
        %add3A_870 = arith.constant 5 : i32
        %add3A_871 = arith.addi %add3A_723, %add3A_870 : i32
        %get3A_872 = arith.index_cast %add3A_871 : i32 to index
        %get3A_873 = arith.constant 16 : index
        %get3A_874 = tpu.vector_load %arg7[%get3A_872, %get3A_873] {strides = array<i32>} : memref<800x64xf32, #tpu.memory_space<vmem>>, vector<1x16xf32>,
        %get3A_875 = vector.shape_cast %get3A_874 : vector<1x16xf32> to vector<16xf32>
        %add3A_876 = arith.addf %add3A_848, %get3A_875 : vector<16xf32>
        %add3A_877 = arith.constant 5 : i32
        %add3A_878 = arith.addi %add3A_723, %add3A_877 : i32
        %get3A_879 = arith.index_cast %add3A_878 : i32 to index
        %get3A_880 = arith.constant 32 : index
        %get3A_881 = tpu.vector_load %arg7[%get3A_879, %get3A_880] {strides = array<i32>} : memref<800x64xf32, #tpu.memory_space<vmem>>, vector<1x16xf32>,
        %get3A_882 = vector.shape_cast %get3A_881 : vector<1x16xf32> to vector<16xf32>
        %add3A_883 = arith.addf %add3A_855, %get3A_882 : vector<16xf32>
        %add3A_884 = arith.constant 5 : i32
        %add3A_885 = arith.addi %add3A_723, %add3A_884 : i32
        %get3A_886 = arith.index_cast %add3A_885 : i32 to index
        %get3A_887 = arith.constant 48 : index
        %get3A_888 = tpu.vector_load %arg7[%get3A_886, %get3A_887] {strides = array<i32>} : memref<800x64xf32, #tpu.memory_space<vmem>>, vector<1x16xf32>,
        %get3A_889 = vector.shape_cast %get3A_888 : vector<1x16xf32> to vector<16xf32>
        %add3A_890 = arith.addf %add3A_862, %get3A_889 : vector<16xf32>
        %add3A_891 = arith.constant 6 : i32
        %add3A_892 = arith.addi %add3A_723, %add3A_891 : i32
        %get3A_893 = arith.index_cast %add3A_892 : i32 to index
        %get3A_894 = arith.constant 0 : index
        %get3A_895 = tpu.vector_load %arg7[%get3A_893, %get3A_894] {strides = array<i32>} : memref<800x64xf32, #tpu.memory_space<vmem>>, vector<1x16xf32>,
        %get3A_896 = vector.shape_cast %get3A_895 : vector<1x16xf32> to vector<16xf32>
        %add3A_897 = arith.addf %add3A_869, %get3A_896 : vector<16xf32>
        %add3A_898 = arith.constant 6 : i32
        %add3A_899 = arith.addi %add3A_723, %add3A_898 : i32
        %get3A_900 = arith.index_cast %add3A_899 : i32 to index
        %get3A_901 = arith.constant 16 : index
        %get3A_902 = tpu.vector_load %arg7[%get3A_900, %get3A_901] {strides = array<i32>} : memref<800x64xf32, #tpu.memory_space<vmem>>, vector<1x16xf32>,
        %get3A_903 = vector.shape_cast %get3A_902 : vector<1x16xf32> to vector<16xf32>
        %add3A_904 = arith.addf %add3A_876, %get3A_903 : vector<16xf32>
        %add3A_905 = arith.constant 6 : i32
        %add3A_906 = arith.addi %add3A_723, %add3A_905 : i32
        %get3A_907 = arith.index_cast %add3A_906 : i32 to index
        %get3A_908 = arith.constant 32 : index
        %get3A_909 = tpu.vector_load %arg7[%get3A_907, %get3A_908] {strides = array<i32>} : memref<800x64xf32, #tpu.memory_space<vmem>>, vector<1x16xf32>,
        %get3A_910 = vector.shape_cast %get3A_909 : vector<1x16xf32> to vector<16xf32>
        %add3A_911 = arith.addf %add3A_883, %get3A_910 : vector<16xf32>
        %add3A_912 = arith.constant 6 : i32
        %add3A_913 = arith.addi %add3A_723, %add3A_912 : i32
        %get3A_914 = arith.index_cast %add3A_913 : i32 to index
        %get3A_915 = arith.constant 48 : index
        %get3A_916 = tpu.vector_load %arg7[%get3A_914, %get3A_915] {strides = array<i32>} : memref<800x64xf32, #tpu.memory_space<vmem>>, vector<1x16xf32>,
        %get3A_917 = vector.shape_cast %get3A_916 : vector<1x16xf32> to vector<16xf32>
        %add3A_918 = arith.addf %add3A_890, %get3A_917 : vector<16xf32>
        %add3A_919 = arith.constant 7 : i32
        %add3A_920 = arith.addi %add3A_723, %add3A_919 : i32
        %get3A_921 = arith.index_cast %add3A_920 : i32 to index
        %get3A_922 = arith.constant 0 : index
        %get3A_923 = tpu.vector_load %arg7[%get3A_921, %get3A_922] {strides = array<i32>} : memref<800x64xf32, #tpu.memory_space<vmem>>, vector<1x16xf32>,
        %get3A_924 = vector.shape_cast %get3A_923 : vector<1x16xf32> to vector<16xf32>
        %add3A_925 = arith.addf %add3A_897, %get3A_924 : vector<16xf32>
        %add3A_926 = arith.constant 7 : i32
        %add3A_927 = arith.addi %add3A_723, %add3A_926 : i32
        %get3A_928 = arith.index_cast %add3A_927 : i32 to index
        %get3A_929 = arith.constant 16 : index
        %get3A_930 = tpu.vector_load %arg7[%get3A_928, %get3A_929] {strides = array<i32>} : memref<800x64xf32, #tpu.memory_space<vmem>>, vector<1x16xf32>,
        %get3A_931 = vector.shape_cast %get3A_930 : vector<1x16xf32> to vector<16xf32>
        %add3A_932 = arith.addf %add3A_904, %get3A_931 : vector<16xf32>
        %add3A_933 = arith.constant 7 : i32
        %add3A_934 = arith.addi %add3A_723, %add3A_933 : i32
        %get3A_935 = arith.index_cast %add3A_934 : i32 to index
        %get3A_936 = arith.constant 32 : index
        %get3A_937 = tpu.vector_load %arg7[%get3A_935, %get3A_936] {strides = array<i32>} : memref<800x64xf32, #tpu.memory_space<vmem>>, vector<1x16xf32>,
        %get3A_938 = vector.shape_cast %get3A_937 : vector<1x16xf32> to vector<16xf32>
        %add3A_939 = arith.addf %add3A_911, %get3A_938 : vector<16xf32>
        %add3A_940 = arith.constant 7 : i32
        %add3A_941 = arith.addi %add3A_723, %add3A_940 : i32
        %get3A_942 = arith.index_cast %add3A_941 : i32 to index
        %get3A_943 = arith.constant 48 : index
        %get3A_944 = tpu.vector_load %arg7[%get3A_942, %get3A_943] {strides = array<i32>} : memref<800x64xf32, #tpu.memory_space<vmem>>, vector<1x16xf32>,
        %get3A_945 = vector.shape_cast %get3A_944 : vector<1x16xf32> to vector<16xf32>
        %add3A_946 = arith.addf %add3A_918, %get3A_945 : vector<16xf32>
        scf.yield %add3A_925, %add3A_932, %add3A_939, %add3A_946 : vector<16xf32>, vector<16xf32>, vector<16xf32>, vector<16xf32>
      }
      %scan3A_320 = arith.constant 25 : i32
      %mul3A_321 = arith.mulf %scan3A_319#0, %broadcast_in_dim3A_3 : vector<16xf32>
      %add3A_322 = arith.constant 1 : i32
      %add3A_323 = arith.addi %mul3A_273, %add3A_322 : i32
      %swap3A_324 = arith.index_cast %add3A_323 : i32 to index
      %swap3A_325 = arith.constant 0 : index
      %swap3A_326 = tpu.vector_load %arg9[%swap3A_324, %swap3A_325] {strides = array<i32>} : memref<64x64xf32, #tpu.memory_space<vmem>>, vector<1x16xf32>,
      %swap3A_327 = vector.shape_cast %swap3A_326 : vector<1x16xf32> to vector<16xf32>
      %swap3A_328 = vector.shape_cast %mul3A_321 : vector<16xf32> to vector<1x16xf32>
      tpu.vector_store %arg9[%swap3A_324, %swap3A_325], %swap3A_328 {strides = array<i32>} : memref<64x64xf32, #tpu.memory_space<vmem>>, vector<1x16xf32>,
      %mul3A_329 = arith.mulf %scan3A_319#1, %broadcast_in_dim3A_3 : vector<16xf32>
      %add3A_330 = arith.constant 1 : i32
      %add3A_331 = arith.addi %mul3A_273, %add3A_330 : i32
      %swap3A_332 = arith.index_cast %add3A_331 : i32 to index
      %swap3A_333 = arith.constant 16 : index
      %swap3A_334 = tpu.vector_load %arg9[%swap3A_332, %swap3A_333] {strides = array<i32>} : memref<64x64xf32, #tpu.memory_space<vmem>>, vector<1x16xf32>,
      %swap3A_335 = vector.shape_cast %swap3A_334 : vector<1x16xf32> to vector<16xf32>
      %swap3A_336 = vector.shape_cast %mul3A_329 : vector<16xf32> to vector<1x16xf32>
      tpu.vector_store %arg9[%swap3A_332, %swap3A_333], %swap3A_336 {strides = array<i32>} : memref<64x64xf32, #tpu.memory_space<vmem>>, vector<1x16xf32>,
      %mul3A_337 = arith.mulf %scan3A_319#2, %broadcast_in_dim3A_3 : vector<16xf32>
      %add3A_338 = arith.constant 1 : i32
      %add3A_339 = arith.addi %mul3A_273, %add3A_338 : i32
      %swap3A_340 = arith.index_cast %add3A_339 : i32 to index
      %swap3A_341 = arith.constant 32 : index
      %swap3A_342 = tpu.vector_load %arg9[%swap3A_340, %swap3A_341] {strides = array<i32>} : memref<64x64xf32, #tpu.memory_space<vmem>>, vector<1x16xf32>,
      %swap3A_343 = vector.shape_cast %swap3A_342 : vector<1x16xf32> to vector<16xf32>
      %swap3A_344 = vector.shape_cast %mul3A_337 : vector<16xf32> to vector<1x16xf32>
      tpu.vector_store %arg9[%swap3A_340, %swap3A_341], %swap3A_344 {strides = array<i32>} : memref<64x64xf32, #tpu.memory_space<vmem>>, vector<1x16xf32>,
      %mul3A_345 = arith.mulf %scan3A_319#3, %broadcast_in_dim3A_3 : vector<16xf32>
      %add3A_346 = arith.constant 1 : i32
      %add3A_347 = arith.addi %mul3A_273, %add3A_346 : i32
      %swap3A_348 = arith.index_cast %add3A_347 : i32 to index
      %swap3A_349 = arith.constant 48 : index
      %swap3A_350 = tpu.vector_load %arg9[%swap3A_348, %swap3A_349] {strides = array<i32>} : memref<64x64xf32, #tpu.memory_space<vmem>>, vector<1x16xf32>,
      %swap3A_351 = vector.shape_cast %swap3A_350 : vector<1x16xf32> to vector<16xf32>
      %swap3A_352 = vector.shape_cast %mul3A_345 : vector<16xf32> to vector<1x16xf32>
      tpu.vector_store %arg9[%swap3A_348, %swap3A_349], %swap3A_352 {strides = array<i32>} : memref<64x64xf32, #tpu.memory_space<vmem>>, vector<1x16xf32>,
      %broadcast_in_dim3A_353 = arith.constant 0.000000e+00 : f32
      %broadcast_in_dim3A_354 = vector.broadcast %broadcast_in_dim3A_353 : f32 to vector<16xf32>
      %scan3A_355 = arith.constant 0 : i32
      %scan3A_356 = arith.constant 25 : i32
      %scan3A_357 = arith.addi %scan3A_355, %scan3A_356 : i32
      %scan3A_358 = arith.constant 1 : i32
      %scan3A_359:4 = scf.for %scan3A_715 = %scan3A_355 to %scan3A_357 step %scan3A_358 iter_args(%scan3A_716 = %broadcast_in_dim3A_354, %scan3A_717 = %broadcast_in_dim3A_354, %scan3A_718 = %broadcast_in_dim3A_354, %scan3A_719 = %broadcast_in_dim3A_354) -> (vector<16xf32>, vector<16xf32>, vector<16xf32>, vector<16xf32>)  : i32 {
        %mul3A_720 = arith.constant 8 : i32
        %mul3A_721 = arith.muli %scan3A_715, %mul3A_720 : i32
        %add3A_722 = arith.constant 400 : i32
        %add3A_723 = arith.addi %add3A_722, %mul3A_721 : i32
        %add3A_724 = arith.constant 0 : i32
        %add3A_725 = arith.addi %add3A_723, %add3A_724 : i32
        %get3A = arith.index_cast %add3A_725 : i32 to index
        %get3A_726 = arith.constant 0 : index
        %get3A_727 = tpu.vector_load %arg7[%get3A, %get3A_726] {strides = array<i32>} : memref<800x64xf32, #tpu.memory_space<vmem>>, vector<1x16xf32>,
        %get3A_728 = vector.shape_cast %get3A_727 : vector<1x16xf32> to vector<16xf32>
        %add3A_729 = arith.addf %scan3A_716, %get3A_728 : vector<16xf32>
        %add3A_730 = arith.constant 0 : i32
        %add3A_731 = arith.addi %add3A_723, %add3A_730 : i32
        %get3A_732 = arith.index_cast %add3A_731 : i32 to index
        %get3A_733 = arith.constant 16 : index
        %get3A_734 = tpu.vector_load %arg7[%get3A_732, %get3A_733] {strides = array<i32>} : memref<800x64xf32, #tpu.memory_space<vmem>>, vector<1x16xf32>,
        %get3A_735 = vector.shape_cast %get3A_734 : vector<1x16xf32> to vector<16xf32>
        %add3A_736 = arith.addf %scan3A_717, %get3A_735 : vector<16xf32>
        %add3A_737 = arith.constant 0 : i32
        %add3A_738 = arith.addi %add3A_723, %add3A_737 : i32
        %get3A_739 = arith.index_cast %add3A_738 : i32 to index
        %get3A_740 = arith.constant 32 : index
        %get3A_741 = tpu.vector_load %arg7[%get3A_739, %get3A_740] {strides = array<i32>} : memref<800x64xf32, #tpu.memory_space<vmem>>, vector<1x16xf32>,
        %get3A_742 = vector.shape_cast %get3A_741 : vector<1x16xf32> to vector<16xf32>
        %add3A_743 = arith.addf %scan3A_718, %get3A_742 : vector<16xf32>
        %add3A_744 = arith.constant 0 : i32
        %add3A_745 = arith.addi %add3A_723, %add3A_744 : i32
        %get3A_746 = arith.index_cast %add3A_745 : i32 to index
        %get3A_747 = arith.constant 48 : index
        %get3A_748 = tpu.vector_load %arg7[%get3A_746, %get3A_747] {strides = array<i32>} : memref<800x64xf32, #tpu.memory_space<vmem>>, vector<1x16xf32>,
        %get3A_749 = vector.shape_cast %get3A_748 : vector<1x16xf32> to vector<16xf32>
        %add3A_750 = arith.addf %scan3A_719, %get3A_749 : vector<16xf32>
        %add3A_751 = arith.constant 1 : i32
        %add3A_752 = arith.addi %add3A_723, %add3A_751 : i32
        %get3A_753 = arith.index_cast %add3A_752 : i32 to index
        %get3A_754 = arith.constant 0 : index
        %get3A_755 = tpu.vector_load %arg7[%get3A_753, %get3A_754] {strides = array<i32>} : memref<800x64xf32, #tpu.memory_space<vmem>>, vector<1x16xf32>,
        %get3A_756 = vector.shape_cast %get3A_755 : vector<1x16xf32> to vector<16xf32>
        %add3A_757 = arith.addf %add3A_729, %get3A_756 : vector<16xf32>
        %add3A_758 = arith.constant 1 : i32
        %add3A_759 = arith.addi %add3A_723, %add3A_758 : i32
        %get3A_760 = arith.index_cast %add3A_759 : i32 to index
        %get3A_761 = arith.constant 16 : index
        %get3A_762 = tpu.vector_load %arg7[%get3A_760, %get3A_761] {strides = array<i32>} : memref<800x64xf32, #tpu.memory_space<vmem>>, vector<1x16xf32>,
        %get3A_763 = vector.shape_cast %get3A_762 : vector<1x16xf32> to vector<16xf32>
        %add3A_764 = arith.addf %add3A_736, %get3A_763 : vector<16xf32>
        %add3A_765 = arith.constant 1 : i32
        %add3A_766 = arith.addi %add3A_723, %add3A_765 : i32
        %get3A_767 = arith.index_cast %add3A_766 : i32 to index
        %get3A_768 = arith.constant 32 : index
        %get3A_769 = tpu.vector_load %arg7[%get3A_767, %get3A_768] {strides = array<i32>} : memref<800x64xf32, #tpu.memory_space<vmem>>, vector<1x16xf32>,
        %get3A_770 = vector.shape_cast %get3A_769 : vector<1x16xf32> to vector<16xf32>
        %add3A_771 = arith.addf %add3A_743, %get3A_770 : vector<16xf32>
        %add3A_772 = arith.constant 1 : i32
        %add3A_773 = arith.addi %add3A_723, %add3A_772 : i32
        %get3A_774 = arith.index_cast %add3A_773 : i32 to index
        %get3A_775 = arith.constant 48 : index
        %get3A_776 = tpu.vector_load %arg7[%get3A_774, %get3A_775] {strides = array<i32>} : memref<800x64xf32, #tpu.memory_space<vmem>>, vector<1x16xf32>,
        %get3A_777 = vector.shape_cast %get3A_776 : vector<1x16xf32> to vector<16xf32>
        %add3A_778 = arith.addf %add3A_750, %get3A_777 : vector<16xf32>
        %add3A_779 = arith.constant 2 : i32
        %add3A_780 = arith.addi %add3A_723, %add3A_779 : i32
        %get3A_781 = arith.index_cast %add3A_780 : i32 to index
        %get3A_782 = arith.constant 0 : index
        %get3A_783 = tpu.vector_load %arg7[%get3A_781, %get3A_782] {strides = array<i32>} : memref<800x64xf32, #tpu.memory_space<vmem>>, vector<1x16xf32>,
        %get3A_784 = vector.shape_cast %get3A_783 : vector<1x16xf32> to vector<16xf32>
        %add3A_785 = arith.addf %add3A_757, %get3A_784 : vector<16xf32>
        %add3A_786 = arith.constant 2 : i32
        %add3A_787 = arith.addi %add3A_723, %add3A_786 : i32
        %get3A_788 = arith.index_cast %add3A_787 : i32 to index
        %get3A_789 = arith.constant 16 : index
        %get3A_790 = tpu.vector_load %arg7[%get3A_788, %get3A_789] {strides = array<i32>} : memref<800x64xf32, #tpu.memory_space<vmem>>, vector<1x16xf32>,
        %get3A_791 = vector.shape_cast %get3A_790 : vector<1x16xf32> to vector<16xf32>
        %add3A_792 = arith.addf %add3A_764, %get3A_791 : vector<16xf32>
        %add3A_793 = arith.constant 2 : i32
        %add3A_794 = arith.addi %add3A_723, %add3A_793 : i32
        %get3A_795 = arith.index_cast %add3A_794 : i32 to index
        %get3A_796 = arith.constant 32 : index
        %get3A_797 = tpu.vector_load %arg7[%get3A_795, %get3A_796] {strides = array<i32>} : memref<800x64xf32, #tpu.memory_space<vmem>>, vector<1x16xf32>,
        %get3A_798 = vector.shape_cast %get3A_797 : vector<1x16xf32> to vector<16xf32>
        %add3A_799 = arith.addf %add3A_771, %get3A_798 : vector<16xf32>
        %add3A_800 = arith.constant 2 : i32
        %add3A_801 = arith.addi %add3A_723, %add3A_800 : i32
        %get3A_802 = arith.index_cast %add3A_801 : i32 to index
        %get3A_803 = arith.constant 48 : index
        %get3A_804 = tpu.vector_load %arg7[%get3A_802, %get3A_803] {strides = array<i32>} : memref<800x64xf32, #tpu.memory_space<vmem>>, vector<1x16xf32>,
        %get3A_805 = vector.shape_cast %get3A_804 : vector<1x16xf32> to vector<16xf32>
        %add3A_806 = arith.addf %add3A_778, %get3A_805 : vector<16xf32>
        %add3A_807 = arith.constant 3 : i32
        %add3A_808 = arith.addi %add3A_723, %add3A_807 : i32
        %get3A_809 = arith.index_cast %add3A_808 : i32 to index
        %get3A_810 = arith.constant 0 : index
        %get3A_811 = tpu.vector_load %arg7[%get3A_809, %get3A_810] {strides = array<i32>} : memref<800x64xf32, #tpu.memory_space<vmem>>, vector<1x16xf32>,
        %get3A_812 = vector.shape_cast %get3A_811 : vector<1x16xf32> to vector<16xf32>
        %add3A_813 = arith.addf %add3A_785, %get3A_812 : vector<16xf32>
        %add3A_814 = arith.constant 3 : i32
        %add3A_815 = arith.addi %add3A_723, %add3A_814 : i32
        %get3A_816 = arith.index_cast %add3A_815 : i32 to index
        %get3A_817 = arith.constant 16 : index
        %get3A_818 = tpu.vector_load %arg7[%get3A_816, %get3A_817] {strides = array<i32>} : memref<800x64xf32, #tpu.memory_space<vmem>>, vector<1x16xf32>,
        %get3A_819 = vector.shape_cast %get3A_818 : vector<1x16xf32> to vector<16xf32>
        %add3A_820 = arith.addf %add3A_792, %get3A_819 : vector<16xf32>
        %add3A_821 = arith.constant 3 : i32
        %add3A_822 = arith.addi %add3A_723, %add3A_821 : i32
        %get3A_823 = arith.index_cast %add3A_822 : i32 to index
        %get3A_824 = arith.constant 32 : index
        %get3A_825 = tpu.vector_load %arg7[%get3A_823, %get3A_824] {strides = array<i32>} : memref<800x64xf32, #tpu.memory_space<vmem>>, vector<1x16xf32>,
        %get3A_826 = vector.shape_cast %get3A_825 : vector<1x16xf32> to vector<16xf32>
        %add3A_827 = arith.addf %add3A_799, %get3A_826 : vector<16xf32>
        %add3A_828 = arith.constant 3 : i32
        %add3A_829 = arith.addi %add3A_723, %add3A_828 : i32
        %get3A_830 = arith.index_cast %add3A_829 : i32 to index
        %get3A_831 = arith.constant 48 : index
        %get3A_832 = tpu.vector_load %arg7[%get3A_830, %get3A_831] {strides = array<i32>} : memref<800x64xf32, #tpu.memory_space<vmem>>, vector<1x16xf32>,
        %get3A_833 = vector.shape_cast %get3A_832 : vector<1x16xf32> to vector<16xf32>
        %add3A_834 = arith.addf %add3A_806, %get3A_833 : vector<16xf32>
        %add3A_835 = arith.constant 4 : i32
        %add3A_836 = arith.addi %add3A_723, %add3A_835 : i32
        %get3A_837 = arith.index_cast %add3A_836 : i32 to index
        %get3A_838 = arith.constant 0 : index
        %get3A_839 = tpu.vector_load %arg7[%get3A_837, %get3A_838] {strides = array<i32>} : memref<800x64xf32, #tpu.memory_space<vmem>>, vector<1x16xf32>,
        %get3A_840 = vector.shape_cast %get3A_839 : vector<1x16xf32> to vector<16xf32>
        %add3A_841 = arith.addf %add3A_813, %get3A_840 : vector<16xf32>
        %add3A_842 = arith.constant 4 : i32
        %add3A_843 = arith.addi %add3A_723, %add3A_842 : i32
        %get3A_844 = arith.index_cast %add3A_843 : i32 to index
        %get3A_845 = arith.constant 16 : index
        %get3A_846 = tpu.vector_load %arg7[%get3A_844, %get3A_845] {strides = array<i32>} : memref<800x64xf32, #tpu.memory_space<vmem>>, vector<1x16xf32>,
        %get3A_847 = vector.shape_cast %get3A_846 : vector<1x16xf32> to vector<16xf32>
        %add3A_848 = arith.addf %add3A_820, %get3A_847 : vector<16xf32>
        %add3A_849 = arith.constant 4 : i32
        %add3A_850 = arith.addi %add3A_723, %add3A_849 : i32
        %get3A_851 = arith.index_cast %add3A_850 : i32 to index
        %get3A_852 = arith.constant 32 : index
        %get3A_853 = tpu.vector_load %arg7[%get3A_851, %get3A_852] {strides = array<i32>} : memref<800x64xf32, #tpu.memory_space<vmem>>, vector<1x16xf32>,
        %get3A_854 = vector.shape_cast %get3A_853 : vector<1x16xf32> to vector<16xf32>
        %add3A_855 = arith.addf %add3A_827, %get3A_854 : vector<16xf32>
        %add3A_856 = arith.constant 4 : i32
        %add3A_857 = arith.addi %add3A_723, %add3A_856 : i32
        %get3A_858 = arith.index_cast %add3A_857 : i32 to index
        %get3A_859 = arith.constant 48 : index
        %get3A_860 = tpu.vector_load %arg7[%get3A_858, %get3A_859] {strides = array<i32>} : memref<800x64xf32, #tpu.memory_space<vmem>>, vector<1x16xf32>,
        %get3A_861 = vector.shape_cast %get3A_860 : vector<1x16xf32> to vector<16xf32>
        %add3A_862 = arith.addf %add3A_834, %get3A_861 : vector<16xf32>
        %add3A_863 = arith.constant 5 : i32
        %add3A_864 = arith.addi %add3A_723, %add3A_863 : i32
        %get3A_865 = arith.index_cast %add3A_864 : i32 to index
        %get3A_866 = arith.constant 0 : index
        %get3A_867 = tpu.vector_load %arg7[%get3A_865, %get3A_866] {strides = array<i32>} : memref<800x64xf32, #tpu.memory_space<vmem>>, vector<1x16xf32>,
        %get3A_868 = vector.shape_cast %get3A_867 : vector<1x16xf32> to vector<16xf32>
        %add3A_869 = arith.addf %add3A_841, %get3A_868 : vector<16xf32>
        %add3A_870 = arith.constant 5 : i32
        %add3A_871 = arith.addi %add3A_723, %add3A_870 : i32
        %get3A_872 = arith.index_cast %add3A_871 : i32 to index
        %get3A_873 = arith.constant 16 : index
        %get3A_874 = tpu.vector_load %arg7[%get3A_872, %get3A_873] {strides = array<i32>} : memref<800x64xf32, #tpu.memory_space<vmem>>, vector<1x16xf32>,
        %get3A_875 = vector.shape_cast %get3A_874 : vector<1x16xf32> to vector<16xf32>
        %add3A_876 = arith.addf %add3A_848, %get3A_875 : vector<16xf32>
        %add3A_877 = arith.constant 5 : i32
        %add3A_878 = arith.addi %add3A_723, %add3A_877 : i32
        %get3A_879 = arith.index_cast %add3A_878 : i32 to index
        %get3A_880 = arith.constant 32 : index
        %get3A_881 = tpu.vector_load %arg7[%get3A_879, %get3A_880] {strides = array<i32>} : memref<800x64xf32, #tpu.memory_space<vmem>>, vector<1x16xf32>,
        %get3A_882 = vector.shape_cast %get3A_881 : vector<1x16xf32> to vector<16xf32>
        %add3A_883 = arith.addf %add3A_855, %get3A_882 : vector<16xf32>
        %add3A_884 = arith.constant 5 : i32
        %add3A_885 = arith.addi %add3A_723, %add3A_884 : i32
        %get3A_886 = arith.index_cast %add3A_885 : i32 to index
        %get3A_887 = arith.constant 48 : index
        %get3A_888 = tpu.vector_load %arg7[%get3A_886, %get3A_887] {strides = array<i32>} : memref<800x64xf32, #tpu.memory_space<vmem>>, vector<1x16xf32>,
        %get3A_889 = vector.shape_cast %get3A_888 : vector<1x16xf32> to vector<16xf32>
        %add3A_890 = arith.addf %add3A_862, %get3A_889 : vector<16xf32>
        %add3A_891 = arith.constant 6 : i32
        %add3A_892 = arith.addi %add3A_723, %add3A_891 : i32
        %get3A_893 = arith.index_cast %add3A_892 : i32 to index
        %get3A_894 = arith.constant 0 : index
        %get3A_895 = tpu.vector_load %arg7[%get3A_893, %get3A_894] {strides = array<i32>} : memref<800x64xf32, #tpu.memory_space<vmem>>, vector<1x16xf32>,
        %get3A_896 = vector.shape_cast %get3A_895 : vector<1x16xf32> to vector<16xf32>
        %add3A_897 = arith.addf %add3A_869, %get3A_896 : vector<16xf32>
        %add3A_898 = arith.constant 6 : i32
        %add3A_899 = arith.addi %add3A_723, %add3A_898 : i32
        %get3A_900 = arith.index_cast %add3A_899 : i32 to index
        %get3A_901 = arith.constant 16 : index
        %get3A_902 = tpu.vector_load %arg7[%get3A_900, %get3A_901] {strides = array<i32>} : memref<800x64xf32, #tpu.memory_space<vmem>>, vector<1x16xf32>,
        %get3A_903 = vector.shape_cast %get3A_902 : vector<1x16xf32> to vector<16xf32>
        %add3A_904 = arith.addf %add3A_876, %get3A_903 : vector<16xf32>
        %add3A_905 = arith.constant 6 : i32
        %add3A_906 = arith.addi %add3A_723, %add3A_905 : i32
        %get3A_907 = arith.index_cast %add3A_906 : i32 to index
        %get3A_908 = arith.constant 32 : index
        %get3A_909 = tpu.vector_load %arg7[%get3A_907, %get3A_908] {strides = array<i32>} : memref<800x64xf32, #tpu.memory_space<vmem>>, vector<1x16xf32>,
        %get3A_910 = vector.shape_cast %get3A_909 : vector<1x16xf32> to vector<16xf32>
        %add3A_911 = arith.addf %add3A_883, %get3A_910 : vector<16xf32>
        %add3A_912 = arith.constant 6 : i32
        %add3A_913 = arith.addi %add3A_723, %add3A_912 : i32
        %get3A_914 = arith.index_cast %add3A_913 : i32 to index
        %get3A_915 = arith.constant 48 : index
        %get3A_916 = tpu.vector_load %arg7[%get3A_914, %get3A_915] {strides = array<i32>} : memref<800x64xf32, #tpu.memory_space<vmem>>, vector<1x16xf32>,
        %get3A_917 = vector.shape_cast %get3A_916 : vector<1x16xf32> to vector<16xf32>
        %add3A_918 = arith.addf %add3A_890, %get3A_917 : vector<16xf32>
        %add3A_919 = arith.constant 7 : i32
        %add3A_920 = arith.addi %add3A_723, %add3A_919 : i32
        %get3A_921 = arith.index_cast %add3A_920 : i32 to index
        %get3A_922 = arith.constant 0 : index
        %get3A_923 = tpu.vector_load %arg7[%get3A_921, %get3A_922] {strides = array<i32>} : memref<800x64xf32, #tpu.memory_space<vmem>>, vector<1x16xf32>,
        %get3A_924 = vector.shape_cast %get3A_923 : vector<1x16xf32> to vector<16xf32>
        %add3A_925 = arith.addf %add3A_897, %get3A_924 : vector<16xf32>
        %add3A_926 = arith.constant 7 : i32
        %add3A_927 = arith.addi %add3A_723, %add3A_926 : i32
        %get3A_928 = arith.index_cast %add3A_927 : i32 to index
        %get3A_929 = arith.constant 16 : index
        %get3A_930 = tpu.vector_load %arg7[%get3A_928, %get3A_929] {strides = array<i32>} : memref<800x64xf32, #tpu.memory_space<vmem>>, vector<1x16xf32>,
        %get3A_931 = vector.shape_cast %get3A_930 : vector<1x16xf32> to vector<16xf32>
        %add3A_932 = arith.addf %add3A_904, %get3A_931 : vector<16xf32>
        %add3A_933 = arith.constant 7 : i32
        %add3A_934 = arith.addi %add3A_723, %add3A_933 : i32
        %get3A_935 = arith.index_cast %add3A_934 : i32 to index
        %get3A_936 = arith.constant 32 : index
        %get3A_937 = tpu.vector_load %arg7[%get3A_935, %get3A_936] {strides = array<i32>} : memref<800x64xf32, #tpu.memory_space<vmem>>, vector<1x16xf32>,
        %get3A_938 = vector.shape_cast %get3A_937 : vector<1x16xf32> to vector<16xf32>
        %add3A_939 = arith.addf %add3A_911, %get3A_938 : vector<16xf32>
        %add3A_940 = arith.constant 7 : i32
        %add3A_941 = arith.addi %add3A_723, %add3A_940 : i32
        %get3A_942 = arith.index_cast %add3A_941 : i32 to index
        %get3A_943 = arith.constant 48 : index
        %get3A_944 = tpu.vector_load %arg7[%get3A_942, %get3A_943] {strides = array<i32>} : memref<800x64xf32, #tpu.memory_space<vmem>>, vector<1x16xf32>,
        %get3A_945 = vector.shape_cast %get3A_944 : vector<1x16xf32> to vector<16xf32>
        %add3A_946 = arith.addf %add3A_918, %get3A_945 : vector<16xf32>
        scf.yield %add3A_925, %add3A_932, %add3A_939, %add3A_946 : vector<16xf32>, vector<16xf32>, vector<16xf32>, vector<16xf32>
      }
      %scan3A_360 = arith.constant 25 : i32
      %mul3A_361 = arith.mulf %scan3A_359#0, %broadcast_in_dim3A_3 : vector<16xf32>
      %add3A_362 = arith.constant 2 : i32
      %add3A_363 = arith.addi %mul3A_273, %add3A_362 : i32
      %swap3A_364 = arith.index_cast %add3A_363 : i32 to index
      %swap3A_365 = arith.constant 0 : index
      %swap3A_366 = tpu.vector_load %arg9[%swap3A_364, %swap3A_365] {strides = array<i32>} : memref<64x64xf32, #tpu.memory_space<vmem>>, vector<1x16xf32>,
      %swap3A_367 = vector.shape_cast %swap3A_366 : vector<1x16xf32> to vector<16xf32>
      %swap3A_368 = vector.shape_cast %mul3A_361 : vector<16xf32> to vector<1x16xf32>
      tpu.vector_store %arg9[%swap3A_364, %swap3A_365], %swap3A_368 {strides = array<i32>} : memref<64x64xf32, #tpu.memory_space<vmem>>, vector<1x16xf32>,
      %mul3A_369 = arith.mulf %scan3A_359#1, %broadcast_in_dim3A_3 : vector<16xf32>
      %add3A_370 = arith.constant 2 : i32
      %add3A_371 = arith.addi %mul3A_273, %add3A_370 : i32
      %swap3A_372 = arith.index_cast %add3A_371 : i32 to index
      %swap3A_373 = arith.constant 16 : index
      %swap3A_374 = tpu.vector_load %arg9[%swap3A_372, %swap3A_373] {strides = array<i32>} : memref<64x64xf32, #tpu.memory_space<vmem>>, vector<1x16xf32>,
      %swap3A_375 = vector.shape_cast %swap3A_374 : vector<1x16xf32> to vector<16xf32>
      %swap3A_376 = vector.shape_cast %mul3A_369 : vector<16xf32> to vector<1x16xf32>
      tpu.vector_store %arg9[%swap3A_372, %swap3A_373], %swap3A_376 {strides = array<i32>} : memref<64x64xf32, #tpu.memory_space<vmem>>, vector<1x16xf32>,
      %mul3A_377 = arith.mulf %scan3A_359#2, %broadcast_in_dim3A_3 : vector<16xf32>
      %add3A_378 = arith.constant 2 : i32
      %add3A_379 = arith.addi %mul3A_273, %add3A_378 : i32
      %swap3A_380 = arith.index_cast %add3A_379 : i32 to index
      %swap3A_381 = arith.constant 32 : index
      %swap3A_382 = tpu.vector_load %arg9[%swap3A_380, %swap3A_381] {strides = array<i32>} : memref<64x64xf32, #tpu.memory_space<vmem>>, vector<1x16xf32>,
      %swap3A_383 = vector.shape_cast %swap3A_382 : vector<1x16xf32> to vector<16xf32>
      %swap3A_384 = vector.shape_cast %mul3A_377 : vector<16xf32> to vector<1x16xf32>
      tpu.vector_store %arg9[%swap3A_380, %swap3A_381], %swap3A_384 {strides = array<i32>} : memref<64x64xf32, #tpu.memory_space<vmem>>, vector<1x16xf32>,
      %mul3A_385 = arith.mulf %scan3A_359#3, %broadcast_in_dim3A_3 : vector<16xf32>
      %add3A_386 = arith.constant 2 : i32
      %add3A_387 = arith.addi %mul3A_273, %add3A_386 : i32
      %swap3A_388 = arith.index_cast %add3A_387 : i32 to index
      %swap3A_389 = arith.constant 48 : index
      %swap3A_390 = tpu.vector_load %arg9[%swap3A_388, %swap3A_389] {strides = array<i32>} : memref<64x64xf32, #tpu.memory_space<vmem>>, vector<1x16xf32>,
      %swap3A_391 = vector.shape_cast %swap3A_390 : vector<1x16xf32> to vector<16xf32>
      %swap3A_392 = vector.shape_cast %mul3A_385 : vector<16xf32> to vector<1x16xf32>
      tpu.vector_store %arg9[%swap3A_388, %swap3A_389], %swap3A_392 {strides = array<i32>} : memref<64x64xf32, #tpu.memory_space<vmem>>, vector<1x16xf32>,
      %broadcast_in_dim3A_393 = arith.constant 0.000000e+00 : f32
      %broadcast_in_dim3A_394 = vector.broadcast %broadcast_in_dim3A_393 : f32 to vector<16xf32>
      %scan3A_395 = arith.constant 0 : i32
      %scan3A_396 = arith.constant 25 : i32
      %scan3A_397 = arith.addi %scan3A_395, %scan3A_396 : i32
      %scan3A_398 = arith.constant 1 : i32
      %scan3A_399:4 = scf.for %scan3A_715 = %scan3A_395 to %scan3A_397 step %scan3A_398 iter_args(%scan3A_716 = %broadcast_in_dim3A_394, %scan3A_717 = %broadcast_in_dim3A_394, %scan3A_718 = %broadcast_in_dim3A_394, %scan3A_719 = %broadcast_in_dim3A_394) -> (vector<16xf32>, vector<16xf32>, vector<16xf32>, vector<16xf32>)  : i32 {
        %mul3A_720 = arith.constant 8 : i32
        %mul3A_721 = arith.muli %scan3A_715, %mul3A_720 : i32
        %add3A_722 = arith.constant 600 : i32
        %add3A_723 = arith.addi %add3A_722, %mul3A_721 : i32
        %add3A_724 = arith.constant 0 : i32
        %add3A_725 = arith.addi %add3A_723, %add3A_724 : i32
        %get3A = arith.index_cast %add3A_725 : i32 to index
        %get3A_726 = arith.constant 0 : index
        %get3A_727 = tpu.vector_load %arg7[%get3A, %get3A_726] {strides = array<i32>} : memref<800x64xf32, #tpu.memory_space<vmem>>, vector<1x16xf32>,
        %get3A_728 = vector.shape_cast %get3A_727 : vector<1x16xf32> to vector<16xf32>
        %add3A_729 = arith.addf %scan3A_716, %get3A_728 : vector<16xf32>
        %add3A_730 = arith.constant 0 : i32
        %add3A_731 = arith.addi %add3A_723, %add3A_730 : i32
        %get3A_732 = arith.index_cast %add3A_731 : i32 to index
        %get3A_733 = arith.constant 16 : index
        %get3A_734 = tpu.vector_load %arg7[%get3A_732, %get3A_733] {strides = array<i32>} : memref<800x64xf32, #tpu.memory_space<vmem>>, vector<1x16xf32>,
        %get3A_735 = vector.shape_cast %get3A_734 : vector<1x16xf32> to vector<16xf32>
        %add3A_736 = arith.addf %scan3A_717, %get3A_735 : vector<16xf32>
        %add3A_737 = arith.constant 0 : i32
        %add3A_738 = arith.addi %add3A_723, %add3A_737 : i32
        %get3A_739 = arith.index_cast %add3A_738 : i32 to index
        %get3A_740 = arith.constant 32 : index
        %get3A_741 = tpu.vector_load %arg7[%get3A_739, %get3A_740] {strides = array<i32>} : memref<800x64xf32, #tpu.memory_space<vmem>>, vector<1x16xf32>,
        %get3A_742 = vector.shape_cast %get3A_741 : vector<1x16xf32> to vector<16xf32>
        %add3A_743 = arith.addf %scan3A_718, %get3A_742 : vector<16xf32>
        %add3A_744 = arith.constant 0 : i32
        %add3A_745 = arith.addi %add3A_723, %add3A_744 : i32
        %get3A_746 = arith.index_cast %add3A_745 : i32 to index
        %get3A_747 = arith.constant 48 : index
        %get3A_748 = tpu.vector_load %arg7[%get3A_746, %get3A_747] {strides = array<i32>} : memref<800x64xf32, #tpu.memory_space<vmem>>, vector<1x16xf32>,
        %get3A_749 = vector.shape_cast %get3A_748 : vector<1x16xf32> to vector<16xf32>
        %add3A_750 = arith.addf %scan3A_719, %get3A_749 : vector<16xf32>
        %add3A_751 = arith.constant 1 : i32
        %add3A_752 = arith.addi %add3A_723, %add3A_751 : i32
        %get3A_753 = arith.index_cast %add3A_752 : i32 to index
        %get3A_754 = arith.constant 0 : index
        %get3A_755 = tpu.vector_load %arg7[%get3A_753, %get3A_754] {strides = array<i32>} : memref<800x64xf32, #tpu.memory_space<vmem>>, vector<1x16xf32>,
        %get3A_756 = vector.shape_cast %get3A_755 : vector<1x16xf32> to vector<16xf32>
        %add3A_757 = arith.addf %add3A_729, %get3A_756 : vector<16xf32>
        %add3A_758 = arith.constant 1 : i32
        %add3A_759 = arith.addi %add3A_723, %add3A_758 : i32
        %get3A_760 = arith.index_cast %add3A_759 : i32 to index
        %get3A_761 = arith.constant 16 : index
        %get3A_762 = tpu.vector_load %arg7[%get3A_760, %get3A_761] {strides = array<i32>} : memref<800x64xf32, #tpu.memory_space<vmem>>, vector<1x16xf32>,
        %get3A_763 = vector.shape_cast %get3A_762 : vector<1x16xf32> to vector<16xf32>
        %add3A_764 = arith.addf %add3A_736, %get3A_763 : vector<16xf32>
        %add3A_765 = arith.constant 1 : i32
        %add3A_766 = arith.addi %add3A_723, %add3A_765 : i32
        %get3A_767 = arith.index_cast %add3A_766 : i32 to index
        %get3A_768 = arith.constant 32 : index
        %get3A_769 = tpu.vector_load %arg7[%get3A_767, %get3A_768] {strides = array<i32>} : memref<800x64xf32, #tpu.memory_space<vmem>>, vector<1x16xf32>,
        %get3A_770 = vector.shape_cast %get3A_769 : vector<1x16xf32> to vector<16xf32>
        %add3A_771 = arith.addf %add3A_743, %get3A_770 : vector<16xf32>
        %add3A_772 = arith.constant 1 : i32
        %add3A_773 = arith.addi %add3A_723, %add3A_772 : i32
        %get3A_774 = arith.index_cast %add3A_773 : i32 to index
        %get3A_775 = arith.constant 48 : index
        %get3A_776 = tpu.vector_load %arg7[%get3A_774, %get3A_775] {strides = array<i32>} : memref<800x64xf32, #tpu.memory_space<vmem>>, vector<1x16xf32>,
        %get3A_777 = vector.shape_cast %get3A_776 : vector<1x16xf32> to vector<16xf32>
        %add3A_778 = arith.addf %add3A_750, %get3A_777 : vector<16xf32>
        %add3A_779 = arith.constant 2 : i32
        %add3A_780 = arith.addi %add3A_723, %add3A_779 : i32
        %get3A_781 = arith.index_cast %add3A_780 : i32 to index
        %get3A_782 = arith.constant 0 : index
        %get3A_783 = tpu.vector_load %arg7[%get3A_781, %get3A_782] {strides = array<i32>} : memref<800x64xf32, #tpu.memory_space<vmem>>, vector<1x16xf32>,
        %get3A_784 = vector.shape_cast %get3A_783 : vector<1x16xf32> to vector<16xf32>
        %add3A_785 = arith.addf %add3A_757, %get3A_784 : vector<16xf32>
        %add3A_786 = arith.constant 2 : i32
        %add3A_787 = arith.addi %add3A_723, %add3A_786 : i32
        %get3A_788 = arith.index_cast %add3A_787 : i32 to index
        %get3A_789 = arith.constant 16 : index
        %get3A_790 = tpu.vector_load %arg7[%get3A_788, %get3A_789] {strides = array<i32>} : memref<800x64xf32, #tpu.memory_space<vmem>>, vector<1x16xf32>,
        %get3A_791 = vector.shape_cast %get3A_790 : vector<1x16xf32> to vector<16xf32>
        %add3A_792 = arith.addf %add3A_764, %get3A_791 : vector<16xf32>
        %add3A_793 = arith.constant 2 : i32
        %add3A_794 = arith.addi %add3A_723, %add3A_793 : i32
        %get3A_795 = arith.index_cast %add3A_794 : i32 to index
        %get3A_796 = arith.constant 32 : index
        %get3A_797 = tpu.vector_load %arg7[%get3A_795, %get3A_796] {strides = array<i32>} : memref<800x64xf32, #tpu.memory_space<vmem>>, vector<1x16xf32>,
        %get3A_798 = vector.shape_cast %get3A_797 : vector<1x16xf32> to vector<16xf32>
        %add3A_799 = arith.addf %add3A_771, %get3A_798 : vector<16xf32>
        %add3A_800 = arith.constant 2 : i32
        %add3A_801 = arith.addi %add3A_723, %add3A_800 : i32
        %get3A_802 = arith.index_cast %add3A_801 : i32 to index
        %get3A_803 = arith.constant 48 : index
        %get3A_804 = tpu.vector_load %arg7[%get3A_802, %get3A_803] {strides = array<i32>} : memref<800x64xf32, #tpu.memory_space<vmem>>, vector<1x16xf32>,
        %get3A_805 = vector.shape_cast %get3A_804 : vector<1x16xf32> to vector<16xf32>
        %add3A_806 = arith.addf %add3A_778, %get3A_805 : vector<16xf32>
        %add3A_807 = arith.constant 3 : i32
        %add3A_808 = arith.addi %add3A_723, %add3A_807 : i32
        %get3A_809 = arith.index_cast %add3A_808 : i32 to index
        %get3A_810 = arith.constant 0 : index
        %get3A_811 = tpu.vector_load %arg7[%get3A_809, %get3A_810] {strides = array<i32>} : memref<800x64xf32, #tpu.memory_space<vmem>>, vector<1x16xf32>,
        %get3A_812 = vector.shape_cast %get3A_811 : vector<1x16xf32> to vector<16xf32>
        %add3A_813 = arith.addf %add3A_785, %get3A_812 : vector<16xf32>
        %add3A_814 = arith.constant 3 : i32
        %add3A_815 = arith.addi %add3A_723, %add3A_814 : i32
        %get3A_816 = arith.index_cast %add3A_815 : i32 to index
        %get3A_817 = arith.constant 16 : index
        %get3A_818 = tpu.vector_load %arg7[%get3A_816, %get3A_817] {strides = array<i32>} : memref<800x64xf32, #tpu.memory_space<vmem>>, vector<1x16xf32>,
        %get3A_819 = vector.shape_cast %get3A_818 : vector<1x16xf32> to vector<16xf32>
        %add3A_820 = arith.addf %add3A_792, %get3A_819 : vector<16xf32>
        %add3A_821 = arith.constant 3 : i32
        %add3A_822 = arith.addi %add3A_723, %add3A_821 : i32
        %get3A_823 = arith.index_cast %add3A_822 : i32 to index
        %get3A_824 = arith.constant 32 : index
        %get3A_825 = tpu.vector_load %arg7[%get3A_823, %get3A_824] {strides = array<i32>} : memref<800x64xf32, #tpu.memory_space<vmem>>, vector<1x16xf32>,
        %get3A_826 = vector.shape_cast %get3A_825 : vector<1x16xf32> to vector<16xf32>
        %add3A_827 = arith.addf %add3A_799, %get3A_826 : vector<16xf32>
        %add3A_828 = arith.constant 3 : i32
        %add3A_829 = arith.addi %add3A_723, %add3A_828 : i32
        %get3A_830 = arith.index_cast %add3A_829 : i32 to index
        %get3A_831 = arith.constant 48 : index
        %get3A_832 = tpu.vector_load %arg7[%get3A_830, %get3A_831] {strides = array<i32>} : memref<800x64xf32, #tpu.memory_space<vmem>>, vector<1x16xf32>,
        %get3A_833 = vector.shape_cast %get3A_832 : vector<1x16xf32> to vector<16xf32>
        %add3A_834 = arith.addf %add3A_806, %get3A_833 : vector<16xf32>
        %add3A_835 = arith.constant 4 : i32
        %add3A_836 = arith.addi %add3A_723, %add3A_835 : i32
        %get3A_837 = arith.index_cast %add3A_836 : i32 to index
        %get3A_838 = arith.constant 0 : index
        %get3A_839 = tpu.vector_load %arg7[%get3A_837, %get3A_838] {strides = array<i32>} : memref<800x64xf32, #tpu.memory_space<vmem>>, vector<1x16xf32>,
        %get3A_840 = vector.shape_cast %get3A_839 : vector<1x16xf32> to vector<16xf32>
        %add3A_841 = arith.addf %add3A_813, %get3A_840 : vector<16xf32>
        %add3A_842 = arith.constant 4 : i32
        %add3A_843 = arith.addi %add3A_723, %add3A_842 : i32
        %get3A_844 = arith.index_cast %add3A_843 : i32 to index
        %get3A_845 = arith.constant 16 : index
        %get3A_846 = tpu.vector_load %arg7[%get3A_844, %get3A_845] {strides = array<i32>} : memref<800x64xf32, #tpu.memory_space<vmem>>, vector<1x16xf32>,
        %get3A_847 = vector.shape_cast %get3A_846 : vector<1x16xf32> to vector<16xf32>
        %add3A_848 = arith.addf %add3A_820, %get3A_847 : vector<16xf32>
        %add3A_849 = arith.constant 4 : i32
        %add3A_850 = arith.addi %add3A_723, %add3A_849 : i32
        %get3A_851 = arith.index_cast %add3A_850 : i32 to index
        %get3A_852 = arith.constant 32 : index
        %get3A_853 = tpu.vector_load %arg7[%get3A_851, %get3A_852] {strides = array<i32>} : memref<800x64xf32, #tpu.memory_space<vmem>>, vector<1x16xf32>,
        %get3A_854 = vector.shape_cast %get3A_853 : vector<1x16xf32> to vector<16xf32>
        %add3A_855 = arith.addf %add3A_827, %get3A_854 : vector<16xf32>
        %add3A_856 = arith.constant 4 : i32
        %add3A_857 = arith.addi %add3A_723, %add3A_856 : i32
        %get3A_858 = arith.index_cast %add3A_857 : i32 to index
        %get3A_859 = arith.constant 48 : index
        %get3A_860 = tpu.vector_load %arg7[%get3A_858, %get3A_859] {strides = array<i32>} : memref<800x64xf32, #tpu.memory_space<vmem>>, vector<1x16xf32>,
        %get3A_861 = vector.shape_cast %get3A_860 : vector<1x16xf32> to vector<16xf32>
        %add3A_862 = arith.addf %add3A_834, %get3A_861 : vector<16xf32>
        %add3A_863 = arith.constant 5 : i32
        %add3A_864 = arith.addi %add3A_723, %add3A_863 : i32
        %get3A_865 = arith.index_cast %add3A_864 : i32 to index
        %get3A_866 = arith.constant 0 : index
        %get3A_867 = tpu.vector_load %arg7[%get3A_865, %get3A_866] {strides = array<i32>} : memref<800x64xf32, #tpu.memory_space<vmem>>, vector<1x16xf32>,
        %get3A_868 = vector.shape_cast %get3A_867 : vector<1x16xf32> to vector<16xf32>
        %add3A_869 = arith.addf %add3A_841, %get3A_868 : vector<16xf32>
        %add3A_870 = arith.constant 5 : i32
        %add3A_871 = arith.addi %add3A_723, %add3A_870 : i32
        %get3A_872 = arith.index_cast %add3A_871 : i32 to index
        %get3A_873 = arith.constant 16 : index
        %get3A_874 = tpu.vector_load %arg7[%get3A_872, %get3A_873] {strides = array<i32>} : memref<800x64xf32, #tpu.memory_space<vmem>>, vector<1x16xf32>,
        %get3A_875 = vector.shape_cast %get3A_874 : vector<1x16xf32> to vector<16xf32>
        %add3A_876 = arith.addf %add3A_848, %get3A_875 : vector<16xf32>
        %add3A_877 = arith.constant 5 : i32
        %add3A_878 = arith.addi %add3A_723, %add3A_877 : i32
        %get3A_879 = arith.index_cast %add3A_878 : i32 to index
        %get3A_880 = arith.constant 32 : index
        %get3A_881 = tpu.vector_load %arg7[%get3A_879, %get3A_880] {strides = array<i32>} : memref<800x64xf32, #tpu.memory_space<vmem>>, vector<1x16xf32>,
        %get3A_882 = vector.shape_cast %get3A_881 : vector<1x16xf32> to vector<16xf32>
        %add3A_883 = arith.addf %add3A_855, %get3A_882 : vector<16xf32>
        %add3A_884 = arith.constant 5 : i32
        %add3A_885 = arith.addi %add3A_723, %add3A_884 : i32
        %get3A_886 = arith.index_cast %add3A_885 : i32 to index
        %get3A_887 = arith.constant 48 : index
        %get3A_888 = tpu.vector_load %arg7[%get3A_886, %get3A_887] {strides = array<i32>} : memref<800x64xf32, #tpu.memory_space<vmem>>, vector<1x16xf32>,
        %get3A_889 = vector.shape_cast %get3A_888 : vector<1x16xf32> to vector<16xf32>
        %add3A_890 = arith.addf %add3A_862, %get3A_889 : vector<16xf32>
        %add3A_891 = arith.constant 6 : i32
        %add3A_892 = arith.addi %add3A_723, %add3A_891 : i32
        %get3A_893 = arith.index_cast %add3A_892 : i32 to index
        %get3A_894 = arith.constant 0 : index
        %get3A_895 = tpu.vector_load %arg7[%get3A_893, %get3A_894] {strides = array<i32>} : memref<800x64xf32, #tpu.memory_space<vmem>>, vector<1x16xf32>,
        %get3A_896 = vector.shape_cast %get3A_895 : vector<1x16xf32> to vector<16xf32>
        %add3A_897 = arith.addf %add3A_869, %get3A_896 : vector<16xf32>
        %add3A_898 = arith.constant 6 : i32
        %add3A_899 = arith.addi %add3A_723, %add3A_898 : i32
        %get3A_900 = arith.index_cast %add3A_899 : i32 to index
        %get3A_901 = arith.constant 16 : index
        %get3A_902 = tpu.vector_load %arg7[%get3A_900, %get3A_901] {strides = array<i32>} : memref<800x64xf32, #tpu.memory_space<vmem>>, vector<1x16xf32>,
        %get3A_903 = vector.shape_cast %get3A_902 : vector<1x16xf32> to vector<16xf32>
        %add3A_904 = arith.addf %add3A_876, %get3A_903 : vector<16xf32>
        %add3A_905 = arith.constant 6 : i32
        %add3A_906 = arith.addi %add3A_723, %add3A_905 : i32
        %get3A_907 = arith.index_cast %add3A_906 : i32 to index
        %get3A_908 = arith.constant 32 : index
        %get3A_909 = tpu.vector_load %arg7[%get3A_907, %get3A_908] {strides = array<i32>} : memref<800x64xf32, #tpu.memory_space<vmem>>, vector<1x16xf32>,
        %get3A_910 = vector.shape_cast %get3A_909 : vector<1x16xf32> to vector<16xf32>
        %add3A_911 = arith.addf %add3A_883, %get3A_910 : vector<16xf32>
        %add3A_912 = arith.constant 6 : i32
        %add3A_913 = arith.addi %add3A_723, %add3A_912 : i32
        %get3A_914 = arith.index_cast %add3A_913 : i32 to index
        %get3A_915 = arith.constant 48 : index
        %get3A_916 = tpu.vector_load %arg7[%get3A_914, %get3A_915] {strides = array<i32>} : memref<800x64xf32, #tpu.memory_space<vmem>>, vector<1x16xf32>,
        %get3A_917 = vector.shape_cast %get3A_916 : vector<1x16xf32> to vector<16xf32>
        %add3A_918 = arith.addf %add3A_890, %get3A_917 : vector<16xf32>
        %add3A_919 = arith.constant 7 : i32
        %add3A_920 = arith.addi %add3A_723, %add3A_919 : i32
        %get3A_921 = arith.index_cast %add3A_920 : i32 to index
        %get3A_922 = arith.constant 0 : index
        %get3A_923 = tpu.vector_load %arg7[%get3A_921, %get3A_922] {strides = array<i32>} : memref<800x64xf32, #tpu.memory_space<vmem>>, vector<1x16xf32>,
        %get3A_924 = vector.shape_cast %get3A_923 : vector<1x16xf32> to vector<16xf32>
        %add3A_925 = arith.addf %add3A_897, %get3A_924 : vector<16xf32>
        %add3A_926 = arith.constant 7 : i32
        %add3A_927 = arith.addi %add3A_723, %add3A_926 : i32
        %get3A_928 = arith.index_cast %add3A_927 : i32 to index
        %get3A_929 = arith.constant 16 : index
        %get3A_930 = tpu.vector_load %arg7[%get3A_928, %get3A_929] {strides = array<i32>} : memref<800x64xf32, #tpu.memory_space<vmem>>, vector<1x16xf32>,
        %get3A_931 = vector.shape_cast %get3A_930 : vector<1x16xf32> to vector<16xf32>
        %add3A_932 = arith.addf %add3A_904, %get3A_931 : vector<16xf32>
        %add3A_933 = arith.constant 7 : i32
        %add3A_934 = arith.addi %add3A_723, %add3A_933 : i32
        %get3A_935 = arith.index_cast %add3A_934 : i32 to index
        %get3A_936 = arith.constant 32 : index
        %get3A_937 = tpu.vector_load %arg7[%get3A_935, %get3A_936] {strides = array<i32>} : memref<800x64xf32, #tpu.memory_space<vmem>>, vector<1x16xf32>,
        %get3A_938 = vector.shape_cast %get3A_937 : vector<1x16xf32> to vector<16xf32>
        %add3A_939 = arith.addf %add3A_911, %get3A_938 : vector<16xf32>
        %add3A_940 = arith.constant 7 : i32
        %add3A_941 = arith.addi %add3A_723, %add3A_940 : i32
        %get3A_942 = arith.index_cast %add3A_941 : i32 to index
        %get3A_943 = arith.constant 48 : index
        %get3A_944 = tpu.vector_load %arg7[%get3A_942, %get3A_943] {strides = array<i32>} : memref<800x64xf32, #tpu.memory_space<vmem>>, vector<1x16xf32>,
        %get3A_945 = vector.shape_cast %get3A_944 : vector<1x16xf32> to vector<16xf32>
        %add3A_946 = arith.addf %add3A_918, %get3A_945 : vector<16xf32>
        scf.yield %add3A_925, %add3A_932, %add3A_939, %add3A_946 : vector<16xf32>, vector<16xf32>, vector<16xf32>, vector<16xf32>
      }
      %scan3A_400 = arith.constant 25 : i32
      %mul3A_401 = arith.mulf %scan3A_399#0, %broadcast_in_dim3A_3 : vector<16xf32>
      %add3A_402 = arith.constant 3 : i32
      %add3A_403 = arith.addi %mul3A_273, %add3A_402 : i32
      %swap3A_404 = arith.index_cast %add3A_403 : i32 to index
      %swap3A_405 = arith.constant 0 : index
      %swap3A_406 = tpu.vector_load %arg9[%swap3A_404, %swap3A_405] {strides = array<i32>} : memref<64x64xf32, #tpu.memory_space<vmem>>, vector<1x16xf32>,
      %swap3A_407 = vector.shape_cast %swap3A_406 : vector<1x16xf32> to vector<16xf32>
      %swap3A_408 = vector.shape_cast %mul3A_401 : vector<16xf32> to vector<1x16xf32>
      tpu.vector_store %arg9[%swap3A_404, %swap3A_405], %swap3A_408 {strides = array<i32>} : memref<64x64xf32, #tpu.memory_space<vmem>>, vector<1x16xf32>,
      %mul3A_409 = arith.mulf %scan3A_399#1, %broadcast_in_dim3A_3 : vector<16xf32>
      %add3A_410 = arith.constant 3 : i32
      %add3A_411 = arith.addi %mul3A_273, %add3A_410 : i32
      %swap3A_412 = arith.index_cast %add3A_411 : i32 to index
      %swap3A_413 = arith.constant 16 : index
      %swap3A_414 = tpu.vector_load %arg9[%swap3A_412, %swap3A_413] {strides = array<i32>} : memref<64x64xf32, #tpu.memory_space<vmem>>, vector<1x16xf32>,
      %swap3A_415 = vector.shape_cast %swap3A_414 : vector<1x16xf32> to vector<16xf32>
      %swap3A_416 = vector.shape_cast %mul3A_409 : vector<16xf32> to vector<1x16xf32>
      tpu.vector_store %arg9[%swap3A_412, %swap3A_413], %swap3A_416 {strides = array<i32>} : memref<64x64xf32, #tpu.memory_space<vmem>>, vector<1x16xf32>,
      %mul3A_417 = arith.mulf %scan3A_399#2, %broadcast_in_dim3A_3 : vector<16xf32>
      %add3A_418 = arith.constant 3 : i32
      %add3A_419 = arith.addi %mul3A_273, %add3A_418 : i32
      %swap3A_420 = arith.index_cast %add3A_419 : i32 to index
      %swap3A_421 = arith.constant 32 : index
      %swap3A_422 = tpu.vector_load %arg9[%swap3A_420, %swap3A_421] {strides = array<i32>} : memref<64x64xf32, #tpu.memory_space<vmem>>, vector<1x16xf32>,
      %swap3A_423 = vector.shape_cast %swap3A_422 : vector<1x16xf32> to vector<16xf32>
      %swap3A_424 = vector.shape_cast %mul3A_417 : vector<16xf32> to vector<1x16xf32>
      tpu.vector_store %arg9[%swap3A_420, %swap3A_421], %swap3A_424 {strides = array<i32>} : memref<64x64xf32, #tpu.memory_space<vmem>>, vector<1x16xf32>,
      %mul3A_425 = arith.mulf %scan3A_399#3, %broadcast_in_dim3A_3 : vector<16xf32>
      %add3A_426 = arith.constant 3 : i32
      %add3A_427 = arith.addi %mul3A_273, %add3A_426 : i32
      %swap3A_428 = arith.index_cast %add3A_427 : i32 to index
      %swap3A_429 = arith.constant 48 : index
      %swap3A_430 = tpu.vector_load %arg9[%swap3A_428, %swap3A_429] {strides = array<i32>} : memref<64x64xf32, #tpu.memory_space<vmem>>, vector<1x16xf32>,
      %swap3A_431 = vector.shape_cast %swap3A_430 : vector<1x16xf32> to vector<16xf32>
      %swap3A_432 = vector.shape_cast %mul3A_425 : vector<16xf32> to vector<1x16xf32>
      tpu.vector_store %arg9[%swap3A_428, %swap3A_429], %swap3A_432 {strides = array<i32>} : memref<64x64xf32, #tpu.memory_space<vmem>>, vector<1x16xf32>,
      %lt3A_433 = arith.constant 63 : i32
      %lt3A_434 = arith.cmpi slt, %scan3A_92, %lt3A_433 : i32
      %convert_element_type3A = arith.extui %lt3A_434 : i1 to i32
      %cond3A = arith.constant 0 : i32
      %cond3A_435 = arith.cmpi ne, %convert_element_type3A, %cond3A : i32
      scf.if %cond3A_435 {
        %add3A_715 = arith.constant 2 : i32
        %add3A_716 = arith.addi %mul3A_94, %add3A_715 : i32
        %mul3A_717 = arith.constant 4 : i32
        %mul3A_718 = arith.muli %add3A_716, %mul3A_717 : i32
        %add3A_719 = arith.addi %mul3A_2, %mul3A_718 : i32
        %mul3A_720 = arith.constant 200 : i32
        %mul3A_721 = arith.muli %add3A_719, %mul3A_720 : i32
        "tpu.region"() ({
          %run_scoped3A = tpu.sem_alloc : memref<!tpu.dma_semaphore, #tpu.memory_space<semaphore_mem>>
          %dma_start3A_802 = tpu.memref_slice %arg2[%mul3A_721] : memref<3276800xi32, #tpu.memory_space<hbm>> -> memref<800xi32, #tpu.memory_space<hbm>>
          %dma_start3A_803 = tpu.memref_slice %arg2[%mul3A_721] : memref<3276800xi32, #tpu.memory_space<hbm>> -> memref<800xi32, #tpu.memory_space<hbm>>
          tpu.enqueue_dma source(%dma_start3A_803 : memref<800xi32, #tpu.memory_space<hbm>>) target(%arg5 : memref<800xi32, #tpu.memory_space<vmem>>) target_semaphore(%run_scoped3A : memref<!tpu.dma_semaphore, #tpu.memory_space<semaphore_mem>>)
          %dma_wait3A_804 = tpu.memref_slice %arg2[%mul3A_721] : memref<3276800xi32, #tpu.memory_space<hbm>> -> memref<800xi32, #tpu.memory_space<hbm>>
          %dma_wait3A_805 = tpu.memref_slice %arg2[%mul3A_721] : memref<3276800xi32, #tpu.memory_space<hbm>> -> memref<800xi32, #tpu.memory_space<hbm>>
          tpu.wait_dma2 semaphore(%run_scoped3A : memref<!tpu.dma_semaphore, #tpu.memory_space<semaphore_mem>>) src(%dma_wait3A_805 : memref<800xi32, #tpu.memory_space<hbm>>) dst(%arg5 : memref<800xi32, #tpu.memory_space<vmem>>)
          tpu.yield
        }) : () -> ()
        %dma_start3A_722 = arith.constant 0 : i32
        %dma_start3A_723 = arith.constant 0 : i32
        %dma_start3A_724 = tpu.memref_slice %arg7[%dma_start3A_722, %dma_start3A_723] : memref<800x64xf32, #tpu.memory_space<vmem>> -> memref<80x64xf32, #tpu.memory_space<vmem>>
        %dma_start3A_725 = arith.constant 0 : i32
        %dma_start3A_726 = tpu.memref_slice %arg5[%dma_start3A_725] : memref<800xi32, #tpu.memory_space<vmem>> -> memref<80xi32, #tpu.memory_space<vmem>>
        %dma_start3A_727 = arith.constant 0 : i32
        %dma_start3A_728 = arith.constant 0 : i32
        %dma_start3A_729 = tpu.memref_slice %arg3[%dma_start3A_727, %dma_start3A_728] : memref<1000000x64xf32, #tpu.memory_space<hbm>> -> memref<1000000x64xf32, #tpu.memory_space<hbm>>
        tpu.enqueue_indirect_dma source(%dma_start3A_729 : memref<1000000x64xf32, #tpu.memory_space<hbm>>) target(%dma_start3A_724 : memref<80x64xf32, #tpu.memory_space<vmem>>) offsets(%dma_start3A_726 : memref<80xi32, #tpu.memory_space<vmem>>) semaphore(%arg10 : memref<!tpu.dma_semaphore, #tpu.memory_space<semaphore_mem>>)
        %dma_start3A_730 = arith.constant 80 : i32
        %dma_start3A_731 = arith.constant 0 : i32
        %dma_start3A_732 = tpu.memref_slice %arg7[%dma_start3A_730, %dma_start3A_731] : memref<800x64xf32, #tpu.memory_space<vmem>> -> memref<80x64xf32, #tpu.memory_space<vmem>>
        %dma_start3A_733 = arith.constant 80 : i32
        %dma_start3A_734 = tpu.memref_slice %arg5[%dma_start3A_733] : memref<800xi32, #tpu.memory_space<vmem>> -> memref<80xi32, #tpu.memory_space<vmem>>
        %dma_start3A_735 = arith.constant 0 : i32
        %dma_start3A_736 = arith.constant 0 : i32
        %dma_start3A_737 = tpu.memref_slice %arg3[%dma_start3A_735, %dma_start3A_736] : memref<1000000x64xf32, #tpu.memory_space<hbm>> -> memref<1000000x64xf32, #tpu.memory_space<hbm>>
        tpu.enqueue_indirect_dma source(%dma_start3A_737 : memref<1000000x64xf32, #tpu.memory_space<hbm>>) target(%dma_start3A_732 : memref<80x64xf32, #tpu.memory_space<vmem>>) offsets(%dma_start3A_734 : memref<80xi32, #tpu.memory_space<vmem>>) semaphore(%arg10 : memref<!tpu.dma_semaphore, #tpu.memory_space<semaphore_mem>>)
        %dma_start3A_738 = arith.constant 160 : i32
        %dma_start3A_739 = arith.constant 0 : i32
        %dma_start3A_740 = tpu.memref_slice %arg7[%dma_start3A_738, %dma_start3A_739] : memref<800x64xf32, #tpu.memory_space<vmem>> -> memref<80x64xf32, #tpu.memory_space<vmem>>
        %dma_start3A_741 = arith.constant 160 : i32
        %dma_start3A_742 = tpu.memref_slice %arg5[%dma_start3A_741] : memref<800xi32, #tpu.memory_space<vmem>> -> memref<80xi32, #tpu.memory_space<vmem>>
        %dma_start3A_743 = arith.constant 0 : i32
        %dma_start3A_744 = arith.constant 0 : i32
        %dma_start3A_745 = tpu.memref_slice %arg3[%dma_start3A_743, %dma_start3A_744] : memref<1000000x64xf32, #tpu.memory_space<hbm>> -> memref<1000000x64xf32, #tpu.memory_space<hbm>>
        tpu.enqueue_indirect_dma source(%dma_start3A_745 : memref<1000000x64xf32, #tpu.memory_space<hbm>>) target(%dma_start3A_740 : memref<80x64xf32, #tpu.memory_space<vmem>>) offsets(%dma_start3A_742 : memref<80xi32, #tpu.memory_space<vmem>>) semaphore(%arg10 : memref<!tpu.dma_semaphore, #tpu.memory_space<semaphore_mem>>)
        %dma_start3A_746 = arith.constant 240 : i32
        %dma_start3A_747 = arith.constant 0 : i32
        %dma_start3A_748 = tpu.memref_slice %arg7[%dma_start3A_746, %dma_start3A_747] : memref<800x64xf32, #tpu.memory_space<vmem>> -> memref<80x64xf32, #tpu.memory_space<vmem>>
        %dma_start3A_749 = arith.constant 240 : i32
        %dma_start3A_750 = tpu.memref_slice %arg5[%dma_start3A_749] : memref<800xi32, #tpu.memory_space<vmem>> -> memref<80xi32, #tpu.memory_space<vmem>>
        %dma_start3A_751 = arith.constant 0 : i32
        %dma_start3A_752 = arith.constant 0 : i32
        %dma_start3A_753 = tpu.memref_slice %arg3[%dma_start3A_751, %dma_start3A_752] : memref<1000000x64xf32, #tpu.memory_space<hbm>> -> memref<1000000x64xf32, #tpu.memory_space<hbm>>
        tpu.enqueue_indirect_dma source(%dma_start3A_753 : memref<1000000x64xf32, #tpu.memory_space<hbm>>) target(%dma_start3A_748 : memref<80x64xf32, #tpu.memory_space<vmem>>) offsets(%dma_start3A_750 : memref<80xi32, #tpu.memory_space<vmem>>) semaphore(%arg10 : memref<!tpu.dma_semaphore, #tpu.memory_space<semaphore_mem>>)
        %dma_start3A_754 = arith.constant 320 : i32
        %dma_start3A_755 = arith.constant 0 : i32
        %dma_start3A_756 = tpu.memref_slice %arg7[%dma_start3A_754, %dma_start3A_755] : memref<800x64xf32, #tpu.memory_space<vmem>> -> memref<80x64xf32, #tpu.memory_space<vmem>>
        %dma_start3A_757 = arith.constant 320 : i32
        %dma_start3A_758 = tpu.memref_slice %arg5[%dma_start3A_757] : memref<800xi32, #tpu.memory_space<vmem>> -> memref<80xi32, #tpu.memory_space<vmem>>
        %dma_start3A_759 = arith.constant 0 : i32
        %dma_start3A_760 = arith.constant 0 : i32
        %dma_start3A_761 = tpu.memref_slice %arg3[%dma_start3A_759, %dma_start3A_760] : memref<1000000x64xf32, #tpu.memory_space<hbm>> -> memref<1000000x64xf32, #tpu.memory_space<hbm>>
        tpu.enqueue_indirect_dma source(%dma_start3A_761 : memref<1000000x64xf32, #tpu.memory_space<hbm>>) target(%dma_start3A_756 : memref<80x64xf32, #tpu.memory_space<vmem>>) offsets(%dma_start3A_758 : memref<80xi32, #tpu.memory_space<vmem>>) semaphore(%arg10 : memref<!tpu.dma_semaphore, #tpu.memory_space<semaphore_mem>>)
        %dma_start3A_762 = arith.constant 400 : i32
        %dma_start3A_763 = arith.constant 0 : i32
        %dma_start3A_764 = tpu.memref_slice %arg7[%dma_start3A_762, %dma_start3A_763] : memref<800x64xf32, #tpu.memory_space<vmem>> -> memref<80x64xf32, #tpu.memory_space<vmem>>
        %dma_start3A_765 = arith.constant 400 : i32
        %dma_start3A_766 = tpu.memref_slice %arg5[%dma_start3A_765] : memref<800xi32, #tpu.memory_space<vmem>> -> memref<80xi32, #tpu.memory_space<vmem>>
        %dma_start3A_767 = arith.constant 0 : i32
        %dma_start3A_768 = arith.constant 0 : i32
        %dma_start3A_769 = tpu.memref_slice %arg3[%dma_start3A_767, %dma_start3A_768] : memref<1000000x64xf32, #tpu.memory_space<hbm>> -> memref<1000000x64xf32, #tpu.memory_space<hbm>>
        tpu.enqueue_indirect_dma source(%dma_start3A_769 : memref<1000000x64xf32, #tpu.memory_space<hbm>>) target(%dma_start3A_764 : memref<80x64xf32, #tpu.memory_space<vmem>>) offsets(%dma_start3A_766 : memref<80xi32, #tpu.memory_space<vmem>>) semaphore(%arg10 : memref<!tpu.dma_semaphore, #tpu.memory_space<semaphore_mem>>)
        %dma_start3A_770 = arith.constant 480 : i32
        %dma_start3A_771 = arith.constant 0 : i32
        %dma_start3A_772 = tpu.memref_slice %arg7[%dma_start3A_770, %dma_start3A_771] : memref<800x64xf32, #tpu.memory_space<vmem>> -> memref<80x64xf32, #tpu.memory_space<vmem>>
        %dma_start3A_773 = arith.constant 480 : i32
        %dma_start3A_774 = tpu.memref_slice %arg5[%dma_start3A_773] : memref<800xi32, #tpu.memory_space<vmem>> -> memref<80xi32, #tpu.memory_space<vmem>>
        %dma_start3A_775 = arith.constant 0 : i32
        %dma_start3A_776 = arith.constant 0 : i32
        %dma_start3A_777 = tpu.memref_slice %arg3[%dma_start3A_775, %dma_start3A_776] : memref<1000000x64xf32, #tpu.memory_space<hbm>> -> memref<1000000x64xf32, #tpu.memory_space<hbm>>
        tpu.enqueue_indirect_dma source(%dma_start3A_777 : memref<1000000x64xf32, #tpu.memory_space<hbm>>) target(%dma_start3A_772 : memref<80x64xf32, #tpu.memory_space<vmem>>) offsets(%dma_start3A_774 : memref<80xi32, #tpu.memory_space<vmem>>) semaphore(%arg10 : memref<!tpu.dma_semaphore, #tpu.memory_space<semaphore_mem>>)
        %dma_start3A_778 = arith.constant 560 : i32
        %dma_start3A_779 = arith.constant 0 : i32
        %dma_start3A_780 = tpu.memref_slice %arg7[%dma_start3A_778, %dma_start3A_779] : memref<800x64xf32, #tpu.memory_space<vmem>> -> memref<80x64xf32, #tpu.memory_space<vmem>>
        %dma_start3A_781 = arith.constant 560 : i32
        %dma_start3A_782 = tpu.memref_slice %arg5[%dma_start3A_781] : memref<800xi32, #tpu.memory_space<vmem>> -> memref<80xi32, #tpu.memory_space<vmem>>
        %dma_start3A_783 = arith.constant 0 : i32
        %dma_start3A_784 = arith.constant 0 : i32
        %dma_start3A_785 = tpu.memref_slice %arg3[%dma_start3A_783, %dma_start3A_784] : memref<1000000x64xf32, #tpu.memory_space<hbm>> -> memref<1000000x64xf32, #tpu.memory_space<hbm>>
        tpu.enqueue_indirect_dma source(%dma_start3A_785 : memref<1000000x64xf32, #tpu.memory_space<hbm>>) target(%dma_start3A_780 : memref<80x64xf32, #tpu.memory_space<vmem>>) offsets(%dma_start3A_782 : memref<80xi32, #tpu.memory_space<vmem>>) semaphore(%arg10 : memref<!tpu.dma_semaphore, #tpu.memory_space<semaphore_mem>>)
        %dma_start3A_786 = arith.constant 640 : i32
        %dma_start3A_787 = arith.constant 0 : i32
        %dma_start3A_788 = tpu.memref_slice %arg7[%dma_start3A_786, %dma_start3A_787] : memref<800x64xf32, #tpu.memory_space<vmem>> -> memref<80x64xf32, #tpu.memory_space<vmem>>
        %dma_start3A_789 = arith.constant 640 : i32
        %dma_start3A_790 = tpu.memref_slice %arg5[%dma_start3A_789] : memref<800xi32, #tpu.memory_space<vmem>> -> memref<80xi32, #tpu.memory_space<vmem>>
        %dma_start3A_791 = arith.constant 0 : i32
        %dma_start3A_792 = arith.constant 0 : i32
        %dma_start3A_793 = tpu.memref_slice %arg3[%dma_start3A_791, %dma_start3A_792] : memref<1000000x64xf32, #tpu.memory_space<hbm>> -> memref<1000000x64xf32, #tpu.memory_space<hbm>>
        tpu.enqueue_indirect_dma source(%dma_start3A_793 : memref<1000000x64xf32, #tpu.memory_space<hbm>>) target(%dma_start3A_788 : memref<80x64xf32, #tpu.memory_space<vmem>>) offsets(%dma_start3A_790 : memref<80xi32, #tpu.memory_space<vmem>>) semaphore(%arg10 : memref<!tpu.dma_semaphore, #tpu.memory_space<semaphore_mem>>)
        %dma_start3A_794 = arith.constant 720 : i32
        %dma_start3A_795 = arith.constant 0 : i32
        %dma_start3A_796 = tpu.memref_slice %arg7[%dma_start3A_794, %dma_start3A_795] : memref<800x64xf32, #tpu.memory_space<vmem>> -> memref<80x64xf32, #tpu.memory_space<vmem>>
        %dma_start3A_797 = arith.constant 720 : i32
        %dma_start3A_798 = tpu.memref_slice %arg5[%dma_start3A_797] : memref<800xi32, #tpu.memory_space<vmem>> -> memref<80xi32, #tpu.memory_space<vmem>>
        %dma_start3A_799 = arith.constant 0 : i32
        %dma_start3A_800 = arith.constant 0 : i32
        %dma_start3A_801 = tpu.memref_slice %arg3[%dma_start3A_799, %dma_start3A_800] : memref<1000000x64xf32, #tpu.memory_space<hbm>> -> memref<1000000x64xf32, #tpu.memory_space<hbm>>
        tpu.enqueue_indirect_dma source(%dma_start3A_801 : memref<1000000x64xf32, #tpu.memory_space<hbm>>) target(%dma_start3A_796 : memref<80x64xf32, #tpu.memory_space<vmem>>) offsets(%dma_start3A_798 : memref<80xi32, #tpu.memory_space<vmem>>) semaphore(%arg10 : memref<!tpu.dma_semaphore, #tpu.memory_space<semaphore_mem>>)
      } else {
      }
      %dma_wait3A_436 = arith.constant 0 : i32
      %dma_wait3A_437 = arith.constant 0 : i32
      %dma_wait3A_438 = tpu.memref_slice %arg8[%dma_wait3A_436, %dma_wait3A_437] : memref<800x64xf32, #tpu.memory_space<vmem>> -> memref<80x64xf32, #tpu.memory_space<vmem>>
      %dma_wait3A_439 = arith.constant 0 : i32
      %dma_wait3A_440 = tpu.memref_slice %arg6[%dma_wait3A_439] : memref<800xi32, #tpu.memory_space<vmem>> -> memref<80xi32, #tpu.memory_space<vmem>>
      %dma_wait3A_441 = arith.constant 0 : i32
      %dma_wait3A_442 = arith.constant 0 : i32
      %dma_wait3A_443 = tpu.memref_slice %arg3[%dma_wait3A_441, %dma_wait3A_442] : memref<1000000x64xf32, #tpu.memory_space<hbm>> -> memref<1000000x64xf32, #tpu.memory_space<hbm>>
      tpu.wait_indirect_dma semaphore(%arg11 : memref<!tpu.dma_semaphore, #tpu.memory_space<semaphore_mem>>) src(%dma_wait3A_443 : memref<1000000x64xf32, #tpu.memory_space<hbm>>) dst(%dma_wait3A_438 : memref<80x64xf32, #tpu.memory_space<vmem>>)
      %dma_wait3A_444 = arith.constant 80 : i32
      %dma_wait3A_445 = arith.constant 0 : i32
      %dma_wait3A_446 = tpu.memref_slice %arg8[%dma_wait3A_444, %dma_wait3A_445] : memref<800x64xf32, #tpu.memory_space<vmem>> -> memref<80x64xf32, #tpu.memory_space<vmem>>
      %dma_wait3A_447 = arith.constant 80 : i32
      %dma_wait3A_448 = tpu.memref_slice %arg6[%dma_wait3A_447] : memref<800xi32, #tpu.memory_space<vmem>> -> memref<80xi32, #tpu.memory_space<vmem>>
      %dma_wait3A_449 = arith.constant 0 : i32
      %dma_wait3A_450 = arith.constant 0 : i32
      %dma_wait3A_451 = tpu.memref_slice %arg3[%dma_wait3A_449, %dma_wait3A_450] : memref<1000000x64xf32, #tpu.memory_space<hbm>> -> memref<1000000x64xf32, #tpu.memory_space<hbm>>
      tpu.wait_indirect_dma semaphore(%arg11 : memref<!tpu.dma_semaphore, #tpu.memory_space<semaphore_mem>>) src(%dma_wait3A_451 : memref<1000000x64xf32, #tpu.memory_space<hbm>>) dst(%dma_wait3A_446 : memref<80x64xf32, #tpu.memory_space<vmem>>)
      %dma_wait3A_452 = arith.constant 160 : i32
      %dma_wait3A_453 = arith.constant 0 : i32
      %dma_wait3A_454 = tpu.memref_slice %arg8[%dma_wait3A_452, %dma_wait3A_453] : memref<800x64xf32, #tpu.memory_space<vmem>> -> memref<80x64xf32, #tpu.memory_space<vmem>>
      %dma_wait3A_455 = arith.constant 160 : i32
      %dma_wait3A_456 = tpu.memref_slice %arg6[%dma_wait3A_455] : memref<800xi32, #tpu.memory_space<vmem>> -> memref<80xi32, #tpu.memory_space<vmem>>
      %dma_wait3A_457 = arith.constant 0 : i32
      %dma_wait3A_458 = arith.constant 0 : i32
      %dma_wait3A_459 = tpu.memref_slice %arg3[%dma_wait3A_457, %dma_wait3A_458] : memref<1000000x64xf32, #tpu.memory_space<hbm>> -> memref<1000000x64xf32, #tpu.memory_space<hbm>>
      tpu.wait_indirect_dma semaphore(%arg11 : memref<!tpu.dma_semaphore, #tpu.memory_space<semaphore_mem>>) src(%dma_wait3A_459 : memref<1000000x64xf32, #tpu.memory_space<hbm>>) dst(%dma_wait3A_454 : memref<80x64xf32, #tpu.memory_space<vmem>>)
      %dma_wait3A_460 = arith.constant 240 : i32
      %dma_wait3A_461 = arith.constant 0 : i32
      %dma_wait3A_462 = tpu.memref_slice %arg8[%dma_wait3A_460, %dma_wait3A_461] : memref<800x64xf32, #tpu.memory_space<vmem>> -> memref<80x64xf32, #tpu.memory_space<vmem>>
      %dma_wait3A_463 = arith.constant 240 : i32
      %dma_wait3A_464 = tpu.memref_slice %arg6[%dma_wait3A_463] : memref<800xi32, #tpu.memory_space<vmem>> -> memref<80xi32, #tpu.memory_space<vmem>>
      %dma_wait3A_465 = arith.constant 0 : i32
      %dma_wait3A_466 = arith.constant 0 : i32
      %dma_wait3A_467 = tpu.memref_slice %arg3[%dma_wait3A_465, %dma_wait3A_466] : memref<1000000x64xf32, #tpu.memory_space<hbm>> -> memref<1000000x64xf32, #tpu.memory_space<hbm>>
      tpu.wait_indirect_dma semaphore(%arg11 : memref<!tpu.dma_semaphore, #tpu.memory_space<semaphore_mem>>) src(%dma_wait3A_467 : memref<1000000x64xf32, #tpu.memory_space<hbm>>) dst(%dma_wait3A_462 : memref<80x64xf32, #tpu.memory_space<vmem>>)
      %dma_wait3A_468 = arith.constant 320 : i32
      %dma_wait3A_469 = arith.constant 0 : i32
      %dma_wait3A_470 = tpu.memref_slice %arg8[%dma_wait3A_468, %dma_wait3A_469] : memref<800x64xf32, #tpu.memory_space<vmem>> -> memref<80x64xf32, #tpu.memory_space<vmem>>
      %dma_wait3A_471 = arith.constant 320 : i32
      %dma_wait3A_472 = tpu.memref_slice %arg6[%dma_wait3A_471] : memref<800xi32, #tpu.memory_space<vmem>> -> memref<80xi32, #tpu.memory_space<vmem>>
      %dma_wait3A_473 = arith.constant 0 : i32
      %dma_wait3A_474 = arith.constant 0 : i32
      %dma_wait3A_475 = tpu.memref_slice %arg3[%dma_wait3A_473, %dma_wait3A_474] : memref<1000000x64xf32, #tpu.memory_space<hbm>> -> memref<1000000x64xf32, #tpu.memory_space<hbm>>
      tpu.wait_indirect_dma semaphore(%arg11 : memref<!tpu.dma_semaphore, #tpu.memory_space<semaphore_mem>>) src(%dma_wait3A_475 : memref<1000000x64xf32, #tpu.memory_space<hbm>>) dst(%dma_wait3A_470 : memref<80x64xf32, #tpu.memory_space<vmem>>)
      %dma_wait3A_476 = arith.constant 400 : i32
      %dma_wait3A_477 = arith.constant 0 : i32
      %dma_wait3A_478 = tpu.memref_slice %arg8[%dma_wait3A_476, %dma_wait3A_477] : memref<800x64xf32, #tpu.memory_space<vmem>> -> memref<80x64xf32, #tpu.memory_space<vmem>>
      %dma_wait3A_479 = arith.constant 400 : i32
      %dma_wait3A_480 = tpu.memref_slice %arg6[%dma_wait3A_479] : memref<800xi32, #tpu.memory_space<vmem>> -> memref<80xi32, #tpu.memory_space<vmem>>
      %dma_wait3A_481 = arith.constant 0 : i32
      %dma_wait3A_482 = arith.constant 0 : i32
      %dma_wait3A_483 = tpu.memref_slice %arg3[%dma_wait3A_481, %dma_wait3A_482] : memref<1000000x64xf32, #tpu.memory_space<hbm>> -> memref<1000000x64xf32, #tpu.memory_space<hbm>>
      tpu.wait_indirect_dma semaphore(%arg11 : memref<!tpu.dma_semaphore, #tpu.memory_space<semaphore_mem>>) src(%dma_wait3A_483 : memref<1000000x64xf32, #tpu.memory_space<hbm>>) dst(%dma_wait3A_478 : memref<80x64xf32, #tpu.memory_space<vmem>>)
      %dma_wait3A_484 = arith.constant 480 : i32
      %dma_wait3A_485 = arith.constant 0 : i32
      %dma_wait3A_486 = tpu.memref_slice %arg8[%dma_wait3A_484, %dma_wait3A_485] : memref<800x64xf32, #tpu.memory_space<vmem>> -> memref<80x64xf32, #tpu.memory_space<vmem>>
      %dma_wait3A_487 = arith.constant 480 : i32
      %dma_wait3A_488 = tpu.memref_slice %arg6[%dma_wait3A_487] : memref<800xi32, #tpu.memory_space<vmem>> -> memref<80xi32, #tpu.memory_space<vmem>>
      %dma_wait3A_489 = arith.constant 0 : i32
      %dma_wait3A_490 = arith.constant 0 : i32
      %dma_wait3A_491 = tpu.memref_slice %arg3[%dma_wait3A_489, %dma_wait3A_490] : memref<1000000x64xf32, #tpu.memory_space<hbm>> -> memref<1000000x64xf32, #tpu.memory_space<hbm>>
      tpu.wait_indirect_dma semaphore(%arg11 : memref<!tpu.dma_semaphore, #tpu.memory_space<semaphore_mem>>) src(%dma_wait3A_491 : memref<1000000x64xf32, #tpu.memory_space<hbm>>) dst(%dma_wait3A_486 : memref<80x64xf32, #tpu.memory_space<vmem>>)
      %dma_wait3A_492 = arith.constant 560 : i32
      %dma_wait3A_493 = arith.constant 0 : i32
      %dma_wait3A_494 = tpu.memref_slice %arg8[%dma_wait3A_492, %dma_wait3A_493] : memref<800x64xf32, #tpu.memory_space<vmem>> -> memref<80x64xf32, #tpu.memory_space<vmem>>
      %dma_wait3A_495 = arith.constant 560 : i32
      %dma_wait3A_496 = tpu.memref_slice %arg6[%dma_wait3A_495] : memref<800xi32, #tpu.memory_space<vmem>> -> memref<80xi32, #tpu.memory_space<vmem>>
      %dma_wait3A_497 = arith.constant 0 : i32
      %dma_wait3A_498 = arith.constant 0 : i32
      %dma_wait3A_499 = tpu.memref_slice %arg3[%dma_wait3A_497, %dma_wait3A_498] : memref<1000000x64xf32, #tpu.memory_space<hbm>> -> memref<1000000x64xf32, #tpu.memory_space<hbm>>
      tpu.wait_indirect_dma semaphore(%arg11 : memref<!tpu.dma_semaphore, #tpu.memory_space<semaphore_mem>>) src(%dma_wait3A_499 : memref<1000000x64xf32, #tpu.memory_space<hbm>>) dst(%dma_wait3A_494 : memref<80x64xf32, #tpu.memory_space<vmem>>)
      %dma_wait3A_500 = arith.constant 640 : i32
      %dma_wait3A_501 = arith.constant 0 : i32
      %dma_wait3A_502 = tpu.memref_slice %arg8[%dma_wait3A_500, %dma_wait3A_501] : memref<800x64xf32, #tpu.memory_space<vmem>> -> memref<80x64xf32, #tpu.memory_space<vmem>>
      %dma_wait3A_503 = arith.constant 640 : i32
      %dma_wait3A_504 = tpu.memref_slice %arg6[%dma_wait3A_503] : memref<800xi32, #tpu.memory_space<vmem>> -> memref<80xi32, #tpu.memory_space<vmem>>
      %dma_wait3A_505 = arith.constant 0 : i32
      %dma_wait3A_506 = arith.constant 0 : i32
      %dma_wait3A_507 = tpu.memref_slice %arg3[%dma_wait3A_505, %dma_wait3A_506] : memref<1000000x64xf32, #tpu.memory_space<hbm>> -> memref<1000000x64xf32, #tpu.memory_space<hbm>>
      tpu.wait_indirect_dma semaphore(%arg11 : memref<!tpu.dma_semaphore, #tpu.memory_space<semaphore_mem>>) src(%dma_wait3A_507 : memref<1000000x64xf32, #tpu.memory_space<hbm>>) dst(%dma_wait3A_502 : memref<80x64xf32, #tpu.memory_space<vmem>>)
      %dma_wait3A_508 = arith.constant 720 : i32
      %dma_wait3A_509 = arith.constant 0 : i32
      %dma_wait3A_510 = tpu.memref_slice %arg8[%dma_wait3A_508, %dma_wait3A_509] : memref<800x64xf32, #tpu.memory_space<vmem>> -> memref<80x64xf32, #tpu.memory_space<vmem>>
      %dma_wait3A_511 = arith.constant 720 : i32
      %dma_wait3A_512 = tpu.memref_slice %arg6[%dma_wait3A_511] : memref<800xi32, #tpu.memory_space<vmem>> -> memref<80xi32, #tpu.memory_space<vmem>>
      %dma_wait3A_513 = arith.constant 0 : i32
      %dma_wait3A_514 = arith.constant 0 : i32
      %dma_wait3A_515 = tpu.memref_slice %arg3[%dma_wait3A_513, %dma_wait3A_514] : memref<1000000x64xf32, #tpu.memory_space<hbm>> -> memref<1000000x64xf32, #tpu.memory_space<hbm>>
      tpu.wait_indirect_dma semaphore(%arg11 : memref<!tpu.dma_semaphore, #tpu.memory_space<semaphore_mem>>) src(%dma_wait3A_515 : memref<1000000x64xf32, #tpu.memory_space<hbm>>) dst(%dma_wait3A_510 : memref<80x64xf32, #tpu.memory_space<vmem>>)
      %jit3A_516 = arith.constant 16 : i32
      %eq3A_517 = arith.constant 0 : i32
      %eq3A_518 = arith.cmpi eq, %jit3A_516, %eq3A_517 : i32
      %jit3A_519 = arith.constant 1 : i32
      %select_n3A_520 = arith.select %eq3A_518, %jit3A_519, %jit3A_516 : i32
      %rem3A_521 = arith.remsi %add3A_98, %select_n3A_520 : i32
      %ne3A_522 = arith.constant 0 : i32
      %ne3A_523 = arith.cmpi ne, %rem3A_521, %ne3A_522 : i32
      %lt3A_524 = arith.constant 0 : i32
      %lt3A_525 = arith.cmpi slt, %rem3A_521, %lt3A_524 : i32
      %lt3A_526 = arith.constant 0 : i32
      %lt3A_527 = arith.cmpi slt, %select_n3A_520, %lt3A_526 : i32
      %ne3A_528 = arith.xori %lt3A_525, %lt3A_527 : i1
      %and3A_529 = arith.andi %ne3A_528, %ne3A_523 : i1
      %add3A_530 = arith.addi %rem3A_521, %select_n3A_520 : i32
      %select_n3A_531 = arith.select %and3A_529, %add3A_530, %rem3A_521 : i32
      %mul3A_532 = arith.constant 4 : i32
      %mul3A_533 = arith.muli %select_n3A_531, %mul3A_532 : i32
      %broadcast_in_dim3A_534 = arith.constant 0.000000e+00 : f32
      %broadcast_in_dim3A_535 = vector.broadcast %broadcast_in_dim3A_534 : f32 to vector<16xf32>
      %scan3A_536 = arith.constant 0 : i32
      %scan3A_537 = arith.constant 25 : i32
      %scan3A_538 = arith.addi %scan3A_536, %scan3A_537 : i32
      %scan3A_539 = arith.constant 1 : i32
      %scan3A_540:4 = scf.for %scan3A_715 = %scan3A_536 to %scan3A_538 step %scan3A_539 iter_args(%scan3A_716 = %broadcast_in_dim3A_535, %scan3A_717 = %broadcast_in_dim3A_535, %scan3A_718 = %broadcast_in_dim3A_535, %scan3A_719 = %broadcast_in_dim3A_535) -> (vector<16xf32>, vector<16xf32>, vector<16xf32>, vector<16xf32>)  : i32 {
        %mul3A_720 = arith.constant 8 : i32
        %mul3A_721 = arith.muli %scan3A_715, %mul3A_720 : i32
        %add3A_722 = arith.constant 0 : i32
        %add3A_723 = arith.addi %add3A_722, %mul3A_721 : i32
        %add3A_724 = arith.constant 0 : i32
        %add3A_725 = arith.addi %add3A_723, %add3A_724 : i32
        %get3A = arith.index_cast %add3A_725 : i32 to index
        %get3A_726 = arith.constant 0 : index
        %get3A_727 = tpu.vector_load %arg8[%get3A, %get3A_726] {strides = array<i32>} : memref<800x64xf32, #tpu.memory_space<vmem>>, vector<1x16xf32>,
        %get3A_728 = vector.shape_cast %get3A_727 : vector<1x16xf32> to vector<16xf32>
        %add3A_729 = arith.addf %scan3A_716, %get3A_728 : vector<16xf32>
        %add3A_730 = arith.constant 0 : i32
        %add3A_731 = arith.addi %add3A_723, %add3A_730 : i32
        %get3A_732 = arith.index_cast %add3A_731 : i32 to index
        %get3A_733 = arith.constant 16 : index
        %get3A_734 = tpu.vector_load %arg8[%get3A_732, %get3A_733] {strides = array<i32>} : memref<800x64xf32, #tpu.memory_space<vmem>>, vector<1x16xf32>,
        %get3A_735 = vector.shape_cast %get3A_734 : vector<1x16xf32> to vector<16xf32>
        %add3A_736 = arith.addf %scan3A_717, %get3A_735 : vector<16xf32>
        %add3A_737 = arith.constant 0 : i32
        %add3A_738 = arith.addi %add3A_723, %add3A_737 : i32
        %get3A_739 = arith.index_cast %add3A_738 : i32 to index
        %get3A_740 = arith.constant 32 : index
        %get3A_741 = tpu.vector_load %arg8[%get3A_739, %get3A_740] {strides = array<i32>} : memref<800x64xf32, #tpu.memory_space<vmem>>, vector<1x16xf32>,
        %get3A_742 = vector.shape_cast %get3A_741 : vector<1x16xf32> to vector<16xf32>
        %add3A_743 = arith.addf %scan3A_718, %get3A_742 : vector<16xf32>
        %add3A_744 = arith.constant 0 : i32
        %add3A_745 = arith.addi %add3A_723, %add3A_744 : i32
        %get3A_746 = arith.index_cast %add3A_745 : i32 to index
        %get3A_747 = arith.constant 48 : index
        %get3A_748 = tpu.vector_load %arg8[%get3A_746, %get3A_747] {strides = array<i32>} : memref<800x64xf32, #tpu.memory_space<vmem>>, vector<1x16xf32>,
        %get3A_749 = vector.shape_cast %get3A_748 : vector<1x16xf32> to vector<16xf32>
        %add3A_750 = arith.addf %scan3A_719, %get3A_749 : vector<16xf32>
        %add3A_751 = arith.constant 1 : i32
        %add3A_752 = arith.addi %add3A_723, %add3A_751 : i32
        %get3A_753 = arith.index_cast %add3A_752 : i32 to index
        %get3A_754 = arith.constant 0 : index
        %get3A_755 = tpu.vector_load %arg8[%get3A_753, %get3A_754] {strides = array<i32>} : memref<800x64xf32, #tpu.memory_space<vmem>>, vector<1x16xf32>,
        %get3A_756 = vector.shape_cast %get3A_755 : vector<1x16xf32> to vector<16xf32>
        %add3A_757 = arith.addf %add3A_729, %get3A_756 : vector<16xf32>
        %add3A_758 = arith.constant 1 : i32
        %add3A_759 = arith.addi %add3A_723, %add3A_758 : i32
        %get3A_760 = arith.index_cast %add3A_759 : i32 to index
        %get3A_761 = arith.constant 16 : index
        %get3A_762 = tpu.vector_load %arg8[%get3A_760, %get3A_761] {strides = array<i32>} : memref<800x64xf32, #tpu.memory_space<vmem>>, vector<1x16xf32>,
        %get3A_763 = vector.shape_cast %get3A_762 : vector<1x16xf32> to vector<16xf32>
        %add3A_764 = arith.addf %add3A_736, %get3A_763 : vector<16xf32>
        %add3A_765 = arith.constant 1 : i32
        %add3A_766 = arith.addi %add3A_723, %add3A_765 : i32
        %get3A_767 = arith.index_cast %add3A_766 : i32 to index
        %get3A_768 = arith.constant 32 : index
        %get3A_769 = tpu.vector_load %arg8[%get3A_767, %get3A_768] {strides = array<i32>} : memref<800x64xf32, #tpu.memory_space<vmem>>, vector<1x16xf32>,
        %get3A_770 = vector.shape_cast %get3A_769 : vector<1x16xf32> to vector<16xf32>
        %add3A_771 = arith.addf %add3A_743, %get3A_770 : vector<16xf32>
        %add3A_772 = arith.constant 1 : i32
        %add3A_773 = arith.addi %add3A_723, %add3A_772 : i32
        %get3A_774 = arith.index_cast %add3A_773 : i32 to index
        %get3A_775 = arith.constant 48 : index
        %get3A_776 = tpu.vector_load %arg8[%get3A_774, %get3A_775] {strides = array<i32>} : memref<800x64xf32, #tpu.memory_space<vmem>>, vector<1x16xf32>,
        %get3A_777 = vector.shape_cast %get3A_776 : vector<1x16xf32> to vector<16xf32>
        %add3A_778 = arith.addf %add3A_750, %get3A_777 : vector<16xf32>
        %add3A_779 = arith.constant 2 : i32
        %add3A_780 = arith.addi %add3A_723, %add3A_779 : i32
        %get3A_781 = arith.index_cast %add3A_780 : i32 to index
        %get3A_782 = arith.constant 0 : index
        %get3A_783 = tpu.vector_load %arg8[%get3A_781, %get3A_782] {strides = array<i32>} : memref<800x64xf32, #tpu.memory_space<vmem>>, vector<1x16xf32>,
        %get3A_784 = vector.shape_cast %get3A_783 : vector<1x16xf32> to vector<16xf32>
        %add3A_785 = arith.addf %add3A_757, %get3A_784 : vector<16xf32>
        %add3A_786 = arith.constant 2 : i32
        %add3A_787 = arith.addi %add3A_723, %add3A_786 : i32
        %get3A_788 = arith.index_cast %add3A_787 : i32 to index
        %get3A_789 = arith.constant 16 : index
        %get3A_790 = tpu.vector_load %arg8[%get3A_788, %get3A_789] {strides = array<i32>} : memref<800x64xf32, #tpu.memory_space<vmem>>, vector<1x16xf32>,
        %get3A_791 = vector.shape_cast %get3A_790 : vector<1x16xf32> to vector<16xf32>
        %add3A_792 = arith.addf %add3A_764, %get3A_791 : vector<16xf32>
        %add3A_793 = arith.constant 2 : i32
        %add3A_794 = arith.addi %add3A_723, %add3A_793 : i32
        %get3A_795 = arith.index_cast %add3A_794 : i32 to index
        %get3A_796 = arith.constant 32 : index
        %get3A_797 = tpu.vector_load %arg8[%get3A_795, %get3A_796] {strides = array<i32>} : memref<800x64xf32, #tpu.memory_space<vmem>>, vector<1x16xf32>,
        %get3A_798 = vector.shape_cast %get3A_797 : vector<1x16xf32> to vector<16xf32>
        %add3A_799 = arith.addf %add3A_771, %get3A_798 : vector<16xf32>
        %add3A_800 = arith.constant 2 : i32
        %add3A_801 = arith.addi %add3A_723, %add3A_800 : i32
        %get3A_802 = arith.index_cast %add3A_801 : i32 to index
        %get3A_803 = arith.constant 48 : index
        %get3A_804 = tpu.vector_load %arg8[%get3A_802, %get3A_803] {strides = array<i32>} : memref<800x64xf32, #tpu.memory_space<vmem>>, vector<1x16xf32>,
        %get3A_805 = vector.shape_cast %get3A_804 : vector<1x16xf32> to vector<16xf32>
        %add3A_806 = arith.addf %add3A_778, %get3A_805 : vector<16xf32>
        %add3A_807 = arith.constant 3 : i32
        %add3A_808 = arith.addi %add3A_723, %add3A_807 : i32
        %get3A_809 = arith.index_cast %add3A_808 : i32 to index
        %get3A_810 = arith.constant 0 : index
        %get3A_811 = tpu.vector_load %arg8[%get3A_809, %get3A_810] {strides = array<i32>} : memref<800x64xf32, #tpu.memory_space<vmem>>, vector<1x16xf32>,
        %get3A_812 = vector.shape_cast %get3A_811 : vector<1x16xf32> to vector<16xf32>
        %add3A_813 = arith.addf %add3A_785, %get3A_812 : vector<16xf32>
        %add3A_814 = arith.constant 3 : i32
        %add3A_815 = arith.addi %add3A_723, %add3A_814 : i32
        %get3A_816 = arith.index_cast %add3A_815 : i32 to index
        %get3A_817 = arith.constant 16 : index
        %get3A_818 = tpu.vector_load %arg8[%get3A_816, %get3A_817] {strides = array<i32>} : memref<800x64xf32, #tpu.memory_space<vmem>>, vector<1x16xf32>,
        %get3A_819 = vector.shape_cast %get3A_818 : vector<1x16xf32> to vector<16xf32>
        %add3A_820 = arith.addf %add3A_792, %get3A_819 : vector<16xf32>
        %add3A_821 = arith.constant 3 : i32
        %add3A_822 = arith.addi %add3A_723, %add3A_821 : i32
        %get3A_823 = arith.index_cast %add3A_822 : i32 to index
        %get3A_824 = arith.constant 32 : index
        %get3A_825 = tpu.vector_load %arg8[%get3A_823, %get3A_824] {strides = array<i32>} : memref<800x64xf32, #tpu.memory_space<vmem>>, vector<1x16xf32>,
        %get3A_826 = vector.shape_cast %get3A_825 : vector<1x16xf32> to vector<16xf32>
        %add3A_827 = arith.addf %add3A_799, %get3A_826 : vector<16xf32>
        %add3A_828 = arith.constant 3 : i32
        %add3A_829 = arith.addi %add3A_723, %add3A_828 : i32
        %get3A_830 = arith.index_cast %add3A_829 : i32 to index
        %get3A_831 = arith.constant 48 : index
        %get3A_832 = tpu.vector_load %arg8[%get3A_830, %get3A_831] {strides = array<i32>} : memref<800x64xf32, #tpu.memory_space<vmem>>, vector<1x16xf32>,
        %get3A_833 = vector.shape_cast %get3A_832 : vector<1x16xf32> to vector<16xf32>
        %add3A_834 = arith.addf %add3A_806, %get3A_833 : vector<16xf32>
        %add3A_835 = arith.constant 4 : i32
        %add3A_836 = arith.addi %add3A_723, %add3A_835 : i32
        %get3A_837 = arith.index_cast %add3A_836 : i32 to index
        %get3A_838 = arith.constant 0 : index
        %get3A_839 = tpu.vector_load %arg8[%get3A_837, %get3A_838] {strides = array<i32>} : memref<800x64xf32, #tpu.memory_space<vmem>>, vector<1x16xf32>,
        %get3A_840 = vector.shape_cast %get3A_839 : vector<1x16xf32> to vector<16xf32>
        %add3A_841 = arith.addf %add3A_813, %get3A_840 : vector<16xf32>
        %add3A_842 = arith.constant 4 : i32
        %add3A_843 = arith.addi %add3A_723, %add3A_842 : i32
        %get3A_844 = arith.index_cast %add3A_843 : i32 to index
        %get3A_845 = arith.constant 16 : index
        %get3A_846 = tpu.vector_load %arg8[%get3A_844, %get3A_845] {strides = array<i32>} : memref<800x64xf32, #tpu.memory_space<vmem>>, vector<1x16xf32>,
        %get3A_847 = vector.shape_cast %get3A_846 : vector<1x16xf32> to vector<16xf32>
        %add3A_848 = arith.addf %add3A_820, %get3A_847 : vector<16xf32>
        %add3A_849 = arith.constant 4 : i32
        %add3A_850 = arith.addi %add3A_723, %add3A_849 : i32
        %get3A_851 = arith.index_cast %add3A_850 : i32 to index
        %get3A_852 = arith.constant 32 : index
        %get3A_853 = tpu.vector_load %arg8[%get3A_851, %get3A_852] {strides = array<i32>} : memref<800x64xf32, #tpu.memory_space<vmem>>, vector<1x16xf32>,
        %get3A_854 = vector.shape_cast %get3A_853 : vector<1x16xf32> to vector<16xf32>
        %add3A_855 = arith.addf %add3A_827, %get3A_854 : vector<16xf32>
        %add3A_856 = arith.constant 4 : i32
        %add3A_857 = arith.addi %add3A_723, %add3A_856 : i32
        %get3A_858 = arith.index_cast %add3A_857 : i32 to index
        %get3A_859 = arith.constant 48 : index
        %get3A_860 = tpu.vector_load %arg8[%get3A_858, %get3A_859] {strides = array<i32>} : memref<800x64xf32, #tpu.memory_space<vmem>>, vector<1x16xf32>,
        %get3A_861 = vector.shape_cast %get3A_860 : vector<1x16xf32> to vector<16xf32>
        %add3A_862 = arith.addf %add3A_834, %get3A_861 : vector<16xf32>
        %add3A_863 = arith.constant 5 : i32
        %add3A_864 = arith.addi %add3A_723, %add3A_863 : i32
        %get3A_865 = arith.index_cast %add3A_864 : i32 to index
        %get3A_866 = arith.constant 0 : index
        %get3A_867 = tpu.vector_load %arg8[%get3A_865, %get3A_866] {strides = array<i32>} : memref<800x64xf32, #tpu.memory_space<vmem>>, vector<1x16xf32>,
        %get3A_868 = vector.shape_cast %get3A_867 : vector<1x16xf32> to vector<16xf32>
        %add3A_869 = arith.addf %add3A_841, %get3A_868 : vector<16xf32>
        %add3A_870 = arith.constant 5 : i32
        %add3A_871 = arith.addi %add3A_723, %add3A_870 : i32
        %get3A_872 = arith.index_cast %add3A_871 : i32 to index
        %get3A_873 = arith.constant 16 : index
        %get3A_874 = tpu.vector_load %arg8[%get3A_872, %get3A_873] {strides = array<i32>} : memref<800x64xf32, #tpu.memory_space<vmem>>, vector<1x16xf32>,
        %get3A_875 = vector.shape_cast %get3A_874 : vector<1x16xf32> to vector<16xf32>
        %add3A_876 = arith.addf %add3A_848, %get3A_875 : vector<16xf32>
        %add3A_877 = arith.constant 5 : i32
        %add3A_878 = arith.addi %add3A_723, %add3A_877 : i32
        %get3A_879 = arith.index_cast %add3A_878 : i32 to index
        %get3A_880 = arith.constant 32 : index
        %get3A_881 = tpu.vector_load %arg8[%get3A_879, %get3A_880] {strides = array<i32>} : memref<800x64xf32, #tpu.memory_space<vmem>>, vector<1x16xf32>,
        %get3A_882 = vector.shape_cast %get3A_881 : vector<1x16xf32> to vector<16xf32>
        %add3A_883 = arith.addf %add3A_855, %get3A_882 : vector<16xf32>
        %add3A_884 = arith.constant 5 : i32
        %add3A_885 = arith.addi %add3A_723, %add3A_884 : i32
        %get3A_886 = arith.index_cast %add3A_885 : i32 to index
        %get3A_887 = arith.constant 48 : index
        %get3A_888 = tpu.vector_load %arg8[%get3A_886, %get3A_887] {strides = array<i32>} : memref<800x64xf32, #tpu.memory_space<vmem>>, vector<1x16xf32>,
        %get3A_889 = vector.shape_cast %get3A_888 : vector<1x16xf32> to vector<16xf32>
        %add3A_890 = arith.addf %add3A_862, %get3A_889 : vector<16xf32>
        %add3A_891 = arith.constant 6 : i32
        %add3A_892 = arith.addi %add3A_723, %add3A_891 : i32
        %get3A_893 = arith.index_cast %add3A_892 : i32 to index
        %get3A_894 = arith.constant 0 : index
        %get3A_895 = tpu.vector_load %arg8[%get3A_893, %get3A_894] {strides = array<i32>} : memref<800x64xf32, #tpu.memory_space<vmem>>, vector<1x16xf32>,
        %get3A_896 = vector.shape_cast %get3A_895 : vector<1x16xf32> to vector<16xf32>
        %add3A_897 = arith.addf %add3A_869, %get3A_896 : vector<16xf32>
        %add3A_898 = arith.constant 6 : i32
        %add3A_899 = arith.addi %add3A_723, %add3A_898 : i32
        %get3A_900 = arith.index_cast %add3A_899 : i32 to index
        %get3A_901 = arith.constant 16 : index
        %get3A_902 = tpu.vector_load %arg8[%get3A_900, %get3A_901] {strides = array<i32>} : memref<800x64xf32, #tpu.memory_space<vmem>>, vector<1x16xf32>,
        %get3A_903 = vector.shape_cast %get3A_902 : vector<1x16xf32> to vector<16xf32>
        %add3A_904 = arith.addf %add3A_876, %get3A_903 : vector<16xf32>
        %add3A_905 = arith.constant 6 : i32
        %add3A_906 = arith.addi %add3A_723, %add3A_905 : i32
        %get3A_907 = arith.index_cast %add3A_906 : i32 to index
        %get3A_908 = arith.constant 32 : index
        %get3A_909 = tpu.vector_load %arg8[%get3A_907, %get3A_908] {strides = array<i32>} : memref<800x64xf32, #tpu.memory_space<vmem>>, vector<1x16xf32>,
        %get3A_910 = vector.shape_cast %get3A_909 : vector<1x16xf32> to vector<16xf32>
        %add3A_911 = arith.addf %add3A_883, %get3A_910 : vector<16xf32>
        %add3A_912 = arith.constant 6 : i32
        %add3A_913 = arith.addi %add3A_723, %add3A_912 : i32
        %get3A_914 = arith.index_cast %add3A_913 : i32 to index
        %get3A_915 = arith.constant 48 : index
        %get3A_916 = tpu.vector_load %arg8[%get3A_914, %get3A_915] {strides = array<i32>} : memref<800x64xf32, #tpu.memory_space<vmem>>, vector<1x16xf32>,
        %get3A_917 = vector.shape_cast %get3A_916 : vector<1x16xf32> to vector<16xf32>
        %add3A_918 = arith.addf %add3A_890, %get3A_917 : vector<16xf32>
        %add3A_919 = arith.constant 7 : i32
        %add3A_920 = arith.addi %add3A_723, %add3A_919 : i32
        %get3A_921 = arith.index_cast %add3A_920 : i32 to index
        %get3A_922 = arith.constant 0 : index
        %get3A_923 = tpu.vector_load %arg8[%get3A_921, %get3A_922] {strides = array<i32>} : memref<800x64xf32, #tpu.memory_space<vmem>>, vector<1x16xf32>,
        %get3A_924 = vector.shape_cast %get3A_923 : vector<1x16xf32> to vector<16xf32>
        %add3A_925 = arith.addf %add3A_897, %get3A_924 : vector<16xf32>
        %add3A_926 = arith.constant 7 : i32
        %add3A_927 = arith.addi %add3A_723, %add3A_926 : i32
        %get3A_928 = arith.index_cast %add3A_927 : i32 to index
        %get3A_929 = arith.constant 16 : index
        %get3A_930 = tpu.vector_load %arg8[%get3A_928, %get3A_929] {strides = array<i32>} : memref<800x64xf32, #tpu.memory_space<vmem>>, vector<1x16xf32>,
        %get3A_931 = vector.shape_cast %get3A_930 : vector<1x16xf32> to vector<16xf32>
        %add3A_932 = arith.addf %add3A_904, %get3A_931 : vector<16xf32>
        %add3A_933 = arith.constant 7 : i32
        %add3A_934 = arith.addi %add3A_723, %add3A_933 : i32
        %get3A_935 = arith.index_cast %add3A_934 : i32 to index
        %get3A_936 = arith.constant 32 : index
        %get3A_937 = tpu.vector_load %arg8[%get3A_935, %get3A_936] {strides = array<i32>} : memref<800x64xf32, #tpu.memory_space<vmem>>, vector<1x16xf32>,
        %get3A_938 = vector.shape_cast %get3A_937 : vector<1x16xf32> to vector<16xf32>
        %add3A_939 = arith.addf %add3A_911, %get3A_938 : vector<16xf32>
        %add3A_940 = arith.constant 7 : i32
        %add3A_941 = arith.addi %add3A_723, %add3A_940 : i32
        %get3A_942 = arith.index_cast %add3A_941 : i32 to index
        %get3A_943 = arith.constant 48 : index
        %get3A_944 = tpu.vector_load %arg8[%get3A_942, %get3A_943] {strides = array<i32>} : memref<800x64xf32, #tpu.memory_space<vmem>>, vector<1x16xf32>,
        %get3A_945 = vector.shape_cast %get3A_944 : vector<1x16xf32> to vector<16xf32>
        %add3A_946 = arith.addf %add3A_918, %get3A_945 : vector<16xf32>
        scf.yield %add3A_925, %add3A_932, %add3A_939, %add3A_946 : vector<16xf32>, vector<16xf32>, vector<16xf32>, vector<16xf32>
      }
      %scan3A_541 = arith.constant 25 : i32
      %mul3A_542 = arith.mulf %scan3A_540#0, %broadcast_in_dim3A_3 : vector<16xf32>
      %add3A_543 = arith.constant 0 : i32
      %add3A_544 = arith.addi %mul3A_533, %add3A_543 : i32
      %swap3A_545 = arith.index_cast %add3A_544 : i32 to index
      %swap3A_546 = arith.constant 0 : index
      %swap3A_547 = tpu.vector_load %arg9[%swap3A_545, %swap3A_546] {strides = array<i32>} : memref<64x64xf32, #tpu.memory_space<vmem>>, vector<1x16xf32>,
      %swap3A_548 = vector.shape_cast %swap3A_547 : vector<1x16xf32> to vector<16xf32>
      %swap3A_549 = vector.shape_cast %mul3A_542 : vector<16xf32> to vector<1x16xf32>
      tpu.vector_store %arg9[%swap3A_545, %swap3A_546], %swap3A_549 {strides = array<i32>} : memref<64x64xf32, #tpu.memory_space<vmem>>, vector<1x16xf32>,
      %mul3A_550 = arith.mulf %scan3A_540#1, %broadcast_in_dim3A_3 : vector<16xf32>
      %add3A_551 = arith.constant 0 : i32
      %add3A_552 = arith.addi %mul3A_533, %add3A_551 : i32
      %swap3A_553 = arith.index_cast %add3A_552 : i32 to index
      %swap3A_554 = arith.constant 16 : index
      %swap3A_555 = tpu.vector_load %arg9[%swap3A_553, %swap3A_554] {strides = array<i32>} : memref<64x64xf32, #tpu.memory_space<vmem>>, vector<1x16xf32>,
      %swap3A_556 = vector.shape_cast %swap3A_555 : vector<1x16xf32> to vector<16xf32>
      %swap3A_557 = vector.shape_cast %mul3A_550 : vector<16xf32> to vector<1x16xf32>
      tpu.vector_store %arg9[%swap3A_553, %swap3A_554], %swap3A_557 {strides = array<i32>} : memref<64x64xf32, #tpu.memory_space<vmem>>, vector<1x16xf32>,
      %mul3A_558 = arith.mulf %scan3A_540#2, %broadcast_in_dim3A_3 : vector<16xf32>
      %add3A_559 = arith.constant 0 : i32
      %add3A_560 = arith.addi %mul3A_533, %add3A_559 : i32
      %swap3A_561 = arith.index_cast %add3A_560 : i32 to index
      %swap3A_562 = arith.constant 32 : index
      %swap3A_563 = tpu.vector_load %arg9[%swap3A_561, %swap3A_562] {strides = array<i32>} : memref<64x64xf32, #tpu.memory_space<vmem>>, vector<1x16xf32>,
      %swap3A_564 = vector.shape_cast %swap3A_563 : vector<1x16xf32> to vector<16xf32>
      %swap3A_565 = vector.shape_cast %mul3A_558 : vector<16xf32> to vector<1x16xf32>
      tpu.vector_store %arg9[%swap3A_561, %swap3A_562], %swap3A_565 {strides = array<i32>} : memref<64x64xf32, #tpu.memory_space<vmem>>, vector<1x16xf32>,
      %mul3A_566 = arith.mulf %scan3A_540#3, %broadcast_in_dim3A_3 : vector<16xf32>
      %add3A_567 = arith.constant 0 : i32
      %add3A_568 = arith.addi %mul3A_533, %add3A_567 : i32
      %swap3A_569 = arith.index_cast %add3A_568 : i32 to index
      %swap3A_570 = arith.constant 48 : index
      %swap3A_571 = tpu.vector_load %arg9[%swap3A_569, %swap3A_570] {strides = array<i32>} : memref<64x64xf32, #tpu.memory_space<vmem>>, vector<1x16xf32>,
      %swap3A_572 = vector.shape_cast %swap3A_571 : vector<1x16xf32> to vector<16xf32>
      %swap3A_573 = vector.shape_cast %mul3A_566 : vector<16xf32> to vector<1x16xf32>
      tpu.vector_store %arg9[%swap3A_569, %swap3A_570], %swap3A_573 {strides = array<i32>} : memref<64x64xf32, #tpu.memory_space<vmem>>, vector<1x16xf32>,
      %broadcast_in_dim3A_574 = arith.constant 0.000000e+00 : f32
      %broadcast_in_dim3A_575 = vector.broadcast %broadcast_in_dim3A_574 : f32 to vector<16xf32>
      %scan3A_576 = arith.constant 0 : i32
      %scan3A_577 = arith.constant 25 : i32
      %scan3A_578 = arith.addi %scan3A_576, %scan3A_577 : i32
      %scan3A_579 = arith.constant 1 : i32
      %scan3A_580:4 = scf.for %scan3A_715 = %scan3A_576 to %scan3A_578 step %scan3A_579 iter_args(%scan3A_716 = %broadcast_in_dim3A_575, %scan3A_717 = %broadcast_in_dim3A_575, %scan3A_718 = %broadcast_in_dim3A_575, %scan3A_719 = %broadcast_in_dim3A_575) -> (vector<16xf32>, vector<16xf32>, vector<16xf32>, vector<16xf32>)  : i32 {
        %mul3A_720 = arith.constant 8 : i32
        %mul3A_721 = arith.muli %scan3A_715, %mul3A_720 : i32
        %add3A_722 = arith.constant 200 : i32
        %add3A_723 = arith.addi %add3A_722, %mul3A_721 : i32
        %add3A_724 = arith.constant 0 : i32
        %add3A_725 = arith.addi %add3A_723, %add3A_724 : i32
        %get3A = arith.index_cast %add3A_725 : i32 to index
        %get3A_726 = arith.constant 0 : index
        %get3A_727 = tpu.vector_load %arg8[%get3A, %get3A_726] {strides = array<i32>} : memref<800x64xf32, #tpu.memory_space<vmem>>, vector<1x16xf32>,
        %get3A_728 = vector.shape_cast %get3A_727 : vector<1x16xf32> to vector<16xf32>
        %add3A_729 = arith.addf %scan3A_716, %get3A_728 : vector<16xf32>
        %add3A_730 = arith.constant 0 : i32
        %add3A_731 = arith.addi %add3A_723, %add3A_730 : i32
        %get3A_732 = arith.index_cast %add3A_731 : i32 to index
        %get3A_733 = arith.constant 16 : index
        %get3A_734 = tpu.vector_load %arg8[%get3A_732, %get3A_733] {strides = array<i32>} : memref<800x64xf32, #tpu.memory_space<vmem>>, vector<1x16xf32>,
        %get3A_735 = vector.shape_cast %get3A_734 : vector<1x16xf32> to vector<16xf32>
        %add3A_736 = arith.addf %scan3A_717, %get3A_735 : vector<16xf32>
        %add3A_737 = arith.constant 0 : i32
        %add3A_738 = arith.addi %add3A_723, %add3A_737 : i32
        %get3A_739 = arith.index_cast %add3A_738 : i32 to index
        %get3A_740 = arith.constant 32 : index
        %get3A_741 = tpu.vector_load %arg8[%get3A_739, %get3A_740] {strides = array<i32>} : memref<800x64xf32, #tpu.memory_space<vmem>>, vector<1x16xf32>,
        %get3A_742 = vector.shape_cast %get3A_741 : vector<1x16xf32> to vector<16xf32>
        %add3A_743 = arith.addf %scan3A_718, %get3A_742 : vector<16xf32>
        %add3A_744 = arith.constant 0 : i32
        %add3A_745 = arith.addi %add3A_723, %add3A_744 : i32
        %get3A_746 = arith.index_cast %add3A_745 : i32 to index
        %get3A_747 = arith.constant 48 : index
        %get3A_748 = tpu.vector_load %arg8[%get3A_746, %get3A_747] {strides = array<i32>} : memref<800x64xf32, #tpu.memory_space<vmem>>, vector<1x16xf32>,
        %get3A_749 = vector.shape_cast %get3A_748 : vector<1x16xf32> to vector<16xf32>
        %add3A_750 = arith.addf %scan3A_719, %get3A_749 : vector<16xf32>
        %add3A_751 = arith.constant 1 : i32
        %add3A_752 = arith.addi %add3A_723, %add3A_751 : i32
        %get3A_753 = arith.index_cast %add3A_752 : i32 to index
        %get3A_754 = arith.constant 0 : index
        %get3A_755 = tpu.vector_load %arg8[%get3A_753, %get3A_754] {strides = array<i32>} : memref<800x64xf32, #tpu.memory_space<vmem>>, vector<1x16xf32>,
        %get3A_756 = vector.shape_cast %get3A_755 : vector<1x16xf32> to vector<16xf32>
        %add3A_757 = arith.addf %add3A_729, %get3A_756 : vector<16xf32>
        %add3A_758 = arith.constant 1 : i32
        %add3A_759 = arith.addi %add3A_723, %add3A_758 : i32
        %get3A_760 = arith.index_cast %add3A_759 : i32 to index
        %get3A_761 = arith.constant 16 : index
        %get3A_762 = tpu.vector_load %arg8[%get3A_760, %get3A_761] {strides = array<i32>} : memref<800x64xf32, #tpu.memory_space<vmem>>, vector<1x16xf32>,
        %get3A_763 = vector.shape_cast %get3A_762 : vector<1x16xf32> to vector<16xf32>
        %add3A_764 = arith.addf %add3A_736, %get3A_763 : vector<16xf32>
        %add3A_765 = arith.constant 1 : i32
        %add3A_766 = arith.addi %add3A_723, %add3A_765 : i32
        %get3A_767 = arith.index_cast %add3A_766 : i32 to index
        %get3A_768 = arith.constant 32 : index
        %get3A_769 = tpu.vector_load %arg8[%get3A_767, %get3A_768] {strides = array<i32>} : memref<800x64xf32, #tpu.memory_space<vmem>>, vector<1x16xf32>,
        %get3A_770 = vector.shape_cast %get3A_769 : vector<1x16xf32> to vector<16xf32>
        %add3A_771 = arith.addf %add3A_743, %get3A_770 : vector<16xf32>
        %add3A_772 = arith.constant 1 : i32
        %add3A_773 = arith.addi %add3A_723, %add3A_772 : i32
        %get3A_774 = arith.index_cast %add3A_773 : i32 to index
        %get3A_775 = arith.constant 48 : index
        %get3A_776 = tpu.vector_load %arg8[%get3A_774, %get3A_775] {strides = array<i32>} : memref<800x64xf32, #tpu.memory_space<vmem>>, vector<1x16xf32>,
        %get3A_777 = vector.shape_cast %get3A_776 : vector<1x16xf32> to vector<16xf32>
        %add3A_778 = arith.addf %add3A_750, %get3A_777 : vector<16xf32>
        %add3A_779 = arith.constant 2 : i32
        %add3A_780 = arith.addi %add3A_723, %add3A_779 : i32
        %get3A_781 = arith.index_cast %add3A_780 : i32 to index
        %get3A_782 = arith.constant 0 : index
        %get3A_783 = tpu.vector_load %arg8[%get3A_781, %get3A_782] {strides = array<i32>} : memref<800x64xf32, #tpu.memory_space<vmem>>, vector<1x16xf32>,
        %get3A_784 = vector.shape_cast %get3A_783 : vector<1x16xf32> to vector<16xf32>
        %add3A_785 = arith.addf %add3A_757, %get3A_784 : vector<16xf32>
        %add3A_786 = arith.constant 2 : i32
        %add3A_787 = arith.addi %add3A_723, %add3A_786 : i32
        %get3A_788 = arith.index_cast %add3A_787 : i32 to index
        %get3A_789 = arith.constant 16 : index
        %get3A_790 = tpu.vector_load %arg8[%get3A_788, %get3A_789] {strides = array<i32>} : memref<800x64xf32, #tpu.memory_space<vmem>>, vector<1x16xf32>,
        %get3A_791 = vector.shape_cast %get3A_790 : vector<1x16xf32> to vector<16xf32>
        %add3A_792 = arith.addf %add3A_764, %get3A_791 : vector<16xf32>
        %add3A_793 = arith.constant 2 : i32
        %add3A_794 = arith.addi %add3A_723, %add3A_793 : i32
        %get3A_795 = arith.index_cast %add3A_794 : i32 to index
        %get3A_796 = arith.constant 32 : index
        %get3A_797 = tpu.vector_load %arg8[%get3A_795, %get3A_796] {strides = array<i32>} : memref<800x64xf32, #tpu.memory_space<vmem>>, vector<1x16xf32>,
        %get3A_798 = vector.shape_cast %get3A_797 : vector<1x16xf32> to vector<16xf32>
        %add3A_799 = arith.addf %add3A_771, %get3A_798 : vector<16xf32>
        %add3A_800 = arith.constant 2 : i32
        %add3A_801 = arith.addi %add3A_723, %add3A_800 : i32
        %get3A_802 = arith.index_cast %add3A_801 : i32 to index
        %get3A_803 = arith.constant 48 : index
        %get3A_804 = tpu.vector_load %arg8[%get3A_802, %get3A_803] {strides = array<i32>} : memref<800x64xf32, #tpu.memory_space<vmem>>, vector<1x16xf32>,
        %get3A_805 = vector.shape_cast %get3A_804 : vector<1x16xf32> to vector<16xf32>
        %add3A_806 = arith.addf %add3A_778, %get3A_805 : vector<16xf32>
        %add3A_807 = arith.constant 3 : i32
        %add3A_808 = arith.addi %add3A_723, %add3A_807 : i32
        %get3A_809 = arith.index_cast %add3A_808 : i32 to index
        %get3A_810 = arith.constant 0 : index
        %get3A_811 = tpu.vector_load %arg8[%get3A_809, %get3A_810] {strides = array<i32>} : memref<800x64xf32, #tpu.memory_space<vmem>>, vector<1x16xf32>,
        %get3A_812 = vector.shape_cast %get3A_811 : vector<1x16xf32> to vector<16xf32>
        %add3A_813 = arith.addf %add3A_785, %get3A_812 : vector<16xf32>
        %add3A_814 = arith.constant 3 : i32
        %add3A_815 = arith.addi %add3A_723, %add3A_814 : i32
        %get3A_816 = arith.index_cast %add3A_815 : i32 to index
        %get3A_817 = arith.constant 16 : index
        %get3A_818 = tpu.vector_load %arg8[%get3A_816, %get3A_817] {strides = array<i32>} : memref<800x64xf32, #tpu.memory_space<vmem>>, vector<1x16xf32>,
        %get3A_819 = vector.shape_cast %get3A_818 : vector<1x16xf32> to vector<16xf32>
        %add3A_820 = arith.addf %add3A_792, %get3A_819 : vector<16xf32>
        %add3A_821 = arith.constant 3 : i32
        %add3A_822 = arith.addi %add3A_723, %add3A_821 : i32
        %get3A_823 = arith.index_cast %add3A_822 : i32 to index
        %get3A_824 = arith.constant 32 : index
        %get3A_825 = tpu.vector_load %arg8[%get3A_823, %get3A_824] {strides = array<i32>} : memref<800x64xf32, #tpu.memory_space<vmem>>, vector<1x16xf32>,
        %get3A_826 = vector.shape_cast %get3A_825 : vector<1x16xf32> to vector<16xf32>
        %add3A_827 = arith.addf %add3A_799, %get3A_826 : vector<16xf32>
        %add3A_828 = arith.constant 3 : i32
        %add3A_829 = arith.addi %add3A_723, %add3A_828 : i32
        %get3A_830 = arith.index_cast %add3A_829 : i32 to index
        %get3A_831 = arith.constant 48 : index
        %get3A_832 = tpu.vector_load %arg8[%get3A_830, %get3A_831] {strides = array<i32>} : memref<800x64xf32, #tpu.memory_space<vmem>>, vector<1x16xf32>,
        %get3A_833 = vector.shape_cast %get3A_832 : vector<1x16xf32> to vector<16xf32>
        %add3A_834 = arith.addf %add3A_806, %get3A_833 : vector<16xf32>
        %add3A_835 = arith.constant 4 : i32
        %add3A_836 = arith.addi %add3A_723, %add3A_835 : i32
        %get3A_837 = arith.index_cast %add3A_836 : i32 to index
        %get3A_838 = arith.constant 0 : index
        %get3A_839 = tpu.vector_load %arg8[%get3A_837, %get3A_838] {strides = array<i32>} : memref<800x64xf32, #tpu.memory_space<vmem>>, vector<1x16xf32>,
        %get3A_840 = vector.shape_cast %get3A_839 : vector<1x16xf32> to vector<16xf32>
        %add3A_841 = arith.addf %add3A_813, %get3A_840 : vector<16xf32>
        %add3A_842 = arith.constant 4 : i32
        %add3A_843 = arith.addi %add3A_723, %add3A_842 : i32
        %get3A_844 = arith.index_cast %add3A_843 : i32 to index
        %get3A_845 = arith.constant 16 : index
        %get3A_846 = tpu.vector_load %arg8[%get3A_844, %get3A_845] {strides = array<i32>} : memref<800x64xf32, #tpu.memory_space<vmem>>, vector<1x16xf32>,
        %get3A_847 = vector.shape_cast %get3A_846 : vector<1x16xf32> to vector<16xf32>
        %add3A_848 = arith.addf %add3A_820, %get3A_847 : vector<16xf32>
        %add3A_849 = arith.constant 4 : i32
        %add3A_850 = arith.addi %add3A_723, %add3A_849 : i32
        %get3A_851 = arith.index_cast %add3A_850 : i32 to index
        %get3A_852 = arith.constant 32 : index
        %get3A_853 = tpu.vector_load %arg8[%get3A_851, %get3A_852] {strides = array<i32>} : memref<800x64xf32, #tpu.memory_space<vmem>>, vector<1x16xf32>,
        %get3A_854 = vector.shape_cast %get3A_853 : vector<1x16xf32> to vector<16xf32>
        %add3A_855 = arith.addf %add3A_827, %get3A_854 : vector<16xf32>
        %add3A_856 = arith.constant 4 : i32
        %add3A_857 = arith.addi %add3A_723, %add3A_856 : i32
        %get3A_858 = arith.index_cast %add3A_857 : i32 to index
        %get3A_859 = arith.constant 48 : index
        %get3A_860 = tpu.vector_load %arg8[%get3A_858, %get3A_859] {strides = array<i32>} : memref<800x64xf32, #tpu.memory_space<vmem>>, vector<1x16xf32>,
        %get3A_861 = vector.shape_cast %get3A_860 : vector<1x16xf32> to vector<16xf32>
        %add3A_862 = arith.addf %add3A_834, %get3A_861 : vector<16xf32>
        %add3A_863 = arith.constant 5 : i32
        %add3A_864 = arith.addi %add3A_723, %add3A_863 : i32
        %get3A_865 = arith.index_cast %add3A_864 : i32 to index
        %get3A_866 = arith.constant 0 : index
        %get3A_867 = tpu.vector_load %arg8[%get3A_865, %get3A_866] {strides = array<i32>} : memref<800x64xf32, #tpu.memory_space<vmem>>, vector<1x16xf32>,
        %get3A_868 = vector.shape_cast %get3A_867 : vector<1x16xf32> to vector<16xf32>
        %add3A_869 = arith.addf %add3A_841, %get3A_868 : vector<16xf32>
        %add3A_870 = arith.constant 5 : i32
        %add3A_871 = arith.addi %add3A_723, %add3A_870 : i32
        %get3A_872 = arith.index_cast %add3A_871 : i32 to index
        %get3A_873 = arith.constant 16 : index
        %get3A_874 = tpu.vector_load %arg8[%get3A_872, %get3A_873] {strides = array<i32>} : memref<800x64xf32, #tpu.memory_space<vmem>>, vector<1x16xf32>,
        %get3A_875 = vector.shape_cast %get3A_874 : vector<1x16xf32> to vector<16xf32>
        %add3A_876 = arith.addf %add3A_848, %get3A_875 : vector<16xf32>
        %add3A_877 = arith.constant 5 : i32
        %add3A_878 = arith.addi %add3A_723, %add3A_877 : i32
        %get3A_879 = arith.index_cast %add3A_878 : i32 to index
        %get3A_880 = arith.constant 32 : index
        %get3A_881 = tpu.vector_load %arg8[%get3A_879, %get3A_880] {strides = array<i32>} : memref<800x64xf32, #tpu.memory_space<vmem>>, vector<1x16xf32>,
        %get3A_882 = vector.shape_cast %get3A_881 : vector<1x16xf32> to vector<16xf32>
        %add3A_883 = arith.addf %add3A_855, %get3A_882 : vector<16xf32>
        %add3A_884 = arith.constant 5 : i32
        %add3A_885 = arith.addi %add3A_723, %add3A_884 : i32
        %get3A_886 = arith.index_cast %add3A_885 : i32 to index
        %get3A_887 = arith.constant 48 : index
        %get3A_888 = tpu.vector_load %arg8[%get3A_886, %get3A_887] {strides = array<i32>} : memref<800x64xf32, #tpu.memory_space<vmem>>, vector<1x16xf32>,
        %get3A_889 = vector.shape_cast %get3A_888 : vector<1x16xf32> to vector<16xf32>
        %add3A_890 = arith.addf %add3A_862, %get3A_889 : vector<16xf32>
        %add3A_891 = arith.constant 6 : i32
        %add3A_892 = arith.addi %add3A_723, %add3A_891 : i32
        %get3A_893 = arith.index_cast %add3A_892 : i32 to index
        %get3A_894 = arith.constant 0 : index
        %get3A_895 = tpu.vector_load %arg8[%get3A_893, %get3A_894] {strides = array<i32>} : memref<800x64xf32, #tpu.memory_space<vmem>>, vector<1x16xf32>,
        %get3A_896 = vector.shape_cast %get3A_895 : vector<1x16xf32> to vector<16xf32>
        %add3A_897 = arith.addf %add3A_869, %get3A_896 : vector<16xf32>
        %add3A_898 = arith.constant 6 : i32
        %add3A_899 = arith.addi %add3A_723, %add3A_898 : i32
        %get3A_900 = arith.index_cast %add3A_899 : i32 to index
        %get3A_901 = arith.constant 16 : index
        %get3A_902 = tpu.vector_load %arg8[%get3A_900, %get3A_901] {strides = array<i32>} : memref<800x64xf32, #tpu.memory_space<vmem>>, vector<1x16xf32>,
        %get3A_903 = vector.shape_cast %get3A_902 : vector<1x16xf32> to vector<16xf32>
        %add3A_904 = arith.addf %add3A_876, %get3A_903 : vector<16xf32>
        %add3A_905 = arith.constant 6 : i32
        %add3A_906 = arith.addi %add3A_723, %add3A_905 : i32
        %get3A_907 = arith.index_cast %add3A_906 : i32 to index
        %get3A_908 = arith.constant 32 : index
        %get3A_909 = tpu.vector_load %arg8[%get3A_907, %get3A_908] {strides = array<i32>} : memref<800x64xf32, #tpu.memory_space<vmem>>, vector<1x16xf32>,
        %get3A_910 = vector.shape_cast %get3A_909 : vector<1x16xf32> to vector<16xf32>
        %add3A_911 = arith.addf %add3A_883, %get3A_910 : vector<16xf32>
        %add3A_912 = arith.constant 6 : i32
        %add3A_913 = arith.addi %add3A_723, %add3A_912 : i32
        %get3A_914 = arith.index_cast %add3A_913 : i32 to index
        %get3A_915 = arith.constant 48 : index
        %get3A_916 = tpu.vector_load %arg8[%get3A_914, %get3A_915] {strides = array<i32>} : memref<800x64xf32, #tpu.memory_space<vmem>>, vector<1x16xf32>,
        %get3A_917 = vector.shape_cast %get3A_916 : vector<1x16xf32> to vector<16xf32>
        %add3A_918 = arith.addf %add3A_890, %get3A_917 : vector<16xf32>
        %add3A_919 = arith.constant 7 : i32
        %add3A_920 = arith.addi %add3A_723, %add3A_919 : i32
        %get3A_921 = arith.index_cast %add3A_920 : i32 to index
        %get3A_922 = arith.constant 0 : index
        %get3A_923 = tpu.vector_load %arg8[%get3A_921, %get3A_922] {strides = array<i32>} : memref<800x64xf32, #tpu.memory_space<vmem>>, vector<1x16xf32>,
        %get3A_924 = vector.shape_cast %get3A_923 : vector<1x16xf32> to vector<16xf32>
        %add3A_925 = arith.addf %add3A_897, %get3A_924 : vector<16xf32>
        %add3A_926 = arith.constant 7 : i32
        %add3A_927 = arith.addi %add3A_723, %add3A_926 : i32
        %get3A_928 = arith.index_cast %add3A_927 : i32 to index
        %get3A_929 = arith.constant 16 : index
        %get3A_930 = tpu.vector_load %arg8[%get3A_928, %get3A_929] {strides = array<i32>} : memref<800x64xf32, #tpu.memory_space<vmem>>, vector<1x16xf32>,
        %get3A_931 = vector.shape_cast %get3A_930 : vector<1x16xf32> to vector<16xf32>
        %add3A_932 = arith.addf %add3A_904, %get3A_931 : vector<16xf32>
        %add3A_933 = arith.constant 7 : i32
        %add3A_934 = arith.addi %add3A_723, %add3A_933 : i32
        %get3A_935 = arith.index_cast %add3A_934 : i32 to index
        %get3A_936 = arith.constant 32 : index
        %get3A_937 = tpu.vector_load %arg8[%get3A_935, %get3A_936] {strides = array<i32>} : memref<800x64xf32, #tpu.memory_space<vmem>>, vector<1x16xf32>,
        %get3A_938 = vector.shape_cast %get3A_937 : vector<1x16xf32> to vector<16xf32>
        %add3A_939 = arith.addf %add3A_911, %get3A_938 : vector<16xf32>
        %add3A_940 = arith.constant 7 : i32
        %add3A_941 = arith.addi %add3A_723, %add3A_940 : i32
        %get3A_942 = arith.index_cast %add3A_941 : i32 to index
        %get3A_943 = arith.constant 48 : index
        %get3A_944 = tpu.vector_load %arg8[%get3A_942, %get3A_943] {strides = array<i32>} : memref<800x64xf32, #tpu.memory_space<vmem>>, vector<1x16xf32>,
        %get3A_945 = vector.shape_cast %get3A_944 : vector<1x16xf32> to vector<16xf32>
        %add3A_946 = arith.addf %add3A_918, %get3A_945 : vector<16xf32>
        scf.yield %add3A_925, %add3A_932, %add3A_939, %add3A_946 : vector<16xf32>, vector<16xf32>, vector<16xf32>, vector<16xf32>
      }
      %scan3A_581 = arith.constant 25 : i32
      %mul3A_582 = arith.mulf %scan3A_580#0, %broadcast_in_dim3A_3 : vector<16xf32>
      %add3A_583 = arith.constant 1 : i32
      %add3A_584 = arith.addi %mul3A_533, %add3A_583 : i32
      %swap3A_585 = arith.index_cast %add3A_584 : i32 to index
      %swap3A_586 = arith.constant 0 : index
      %swap3A_587 = tpu.vector_load %arg9[%swap3A_585, %swap3A_586] {strides = array<i32>} : memref<64x64xf32, #tpu.memory_space<vmem>>, vector<1x16xf32>,
      %swap3A_588 = vector.shape_cast %swap3A_587 : vector<1x16xf32> to vector<16xf32>
      %swap3A_589 = vector.shape_cast %mul3A_582 : vector<16xf32> to vector<1x16xf32>
      tpu.vector_store %arg9[%swap3A_585, %swap3A_586], %swap3A_589 {strides = array<i32>} : memref<64x64xf32, #tpu.memory_space<vmem>>, vector<1x16xf32>,
      %mul3A_590 = arith.mulf %scan3A_580#1, %broadcast_in_dim3A_3 : vector<16xf32>
      %add3A_591 = arith.constant 1 : i32
      %add3A_592 = arith.addi %mul3A_533, %add3A_591 : i32
      %swap3A_593 = arith.index_cast %add3A_592 : i32 to index
      %swap3A_594 = arith.constant 16 : index
      %swap3A_595 = tpu.vector_load %arg9[%swap3A_593, %swap3A_594] {strides = array<i32>} : memref<64x64xf32, #tpu.memory_space<vmem>>, vector<1x16xf32>,
      %swap3A_596 = vector.shape_cast %swap3A_595 : vector<1x16xf32> to vector<16xf32>
      %swap3A_597 = vector.shape_cast %mul3A_590 : vector<16xf32> to vector<1x16xf32>
      tpu.vector_store %arg9[%swap3A_593, %swap3A_594], %swap3A_597 {strides = array<i32>} : memref<64x64xf32, #tpu.memory_space<vmem>>, vector<1x16xf32>,
      %mul3A_598 = arith.mulf %scan3A_580#2, %broadcast_in_dim3A_3 : vector<16xf32>
      %add3A_599 = arith.constant 1 : i32
      %add3A_600 = arith.addi %mul3A_533, %add3A_599 : i32
      %swap3A_601 = arith.index_cast %add3A_600 : i32 to index
      %swap3A_602 = arith.constant 32 : index
      %swap3A_603 = tpu.vector_load %arg9[%swap3A_601, %swap3A_602] {strides = array<i32>} : memref<64x64xf32, #tpu.memory_space<vmem>>, vector<1x16xf32>,
      %swap3A_604 = vector.shape_cast %swap3A_603 : vector<1x16xf32> to vector<16xf32>
      %swap3A_605 = vector.shape_cast %mul3A_598 : vector<16xf32> to vector<1x16xf32>
      tpu.vector_store %arg9[%swap3A_601, %swap3A_602], %swap3A_605 {strides = array<i32>} : memref<64x64xf32, #tpu.memory_space<vmem>>, vector<1x16xf32>,
      %mul3A_606 = arith.mulf %scan3A_580#3, %broadcast_in_dim3A_3 : vector<16xf32>
      %add3A_607 = arith.constant 1 : i32
      %add3A_608 = arith.addi %mul3A_533, %add3A_607 : i32
      %swap3A_609 = arith.index_cast %add3A_608 : i32 to index
      %swap3A_610 = arith.constant 48 : index
      %swap3A_611 = tpu.vector_load %arg9[%swap3A_609, %swap3A_610] {strides = array<i32>} : memref<64x64xf32, #tpu.memory_space<vmem>>, vector<1x16xf32>,
      %swap3A_612 = vector.shape_cast %swap3A_611 : vector<1x16xf32> to vector<16xf32>
      %swap3A_613 = vector.shape_cast %mul3A_606 : vector<16xf32> to vector<1x16xf32>
      tpu.vector_store %arg9[%swap3A_609, %swap3A_610], %swap3A_613 {strides = array<i32>} : memref<64x64xf32, #tpu.memory_space<vmem>>, vector<1x16xf32>,
      %broadcast_in_dim3A_614 = arith.constant 0.000000e+00 : f32
      %broadcast_in_dim3A_615 = vector.broadcast %broadcast_in_dim3A_614 : f32 to vector<16xf32>
      %scan3A_616 = arith.constant 0 : i32
      %scan3A_617 = arith.constant 25 : i32
      %scan3A_618 = arith.addi %scan3A_616, %scan3A_617 : i32
      %scan3A_619 = arith.constant 1 : i32
      %scan3A_620:4 = scf.for %scan3A_715 = %scan3A_616 to %scan3A_618 step %scan3A_619 iter_args(%scan3A_716 = %broadcast_in_dim3A_615, %scan3A_717 = %broadcast_in_dim3A_615, %scan3A_718 = %broadcast_in_dim3A_615, %scan3A_719 = %broadcast_in_dim3A_615) -> (vector<16xf32>, vector<16xf32>, vector<16xf32>, vector<16xf32>)  : i32 {
        %mul3A_720 = arith.constant 8 : i32
        %mul3A_721 = arith.muli %scan3A_715, %mul3A_720 : i32
        %add3A_722 = arith.constant 400 : i32
        %add3A_723 = arith.addi %add3A_722, %mul3A_721 : i32
        %add3A_724 = arith.constant 0 : i32
        %add3A_725 = arith.addi %add3A_723, %add3A_724 : i32
        %get3A = arith.index_cast %add3A_725 : i32 to index
        %get3A_726 = arith.constant 0 : index
        %get3A_727 = tpu.vector_load %arg8[%get3A, %get3A_726] {strides = array<i32>} : memref<800x64xf32, #tpu.memory_space<vmem>>, vector<1x16xf32>,
        %get3A_728 = vector.shape_cast %get3A_727 : vector<1x16xf32> to vector<16xf32>
        %add3A_729 = arith.addf %scan3A_716, %get3A_728 : vector<16xf32>
        %add3A_730 = arith.constant 0 : i32
        %add3A_731 = arith.addi %add3A_723, %add3A_730 : i32
        %get3A_732 = arith.index_cast %add3A_731 : i32 to index
        %get3A_733 = arith.constant 16 : index
        %get3A_734 = tpu.vector_load %arg8[%get3A_732, %get3A_733] {strides = array<i32>} : memref<800x64xf32, #tpu.memory_space<vmem>>, vector<1x16xf32>,
        %get3A_735 = vector.shape_cast %get3A_734 : vector<1x16xf32> to vector<16xf32>
        %add3A_736 = arith.addf %scan3A_717, %get3A_735 : vector<16xf32>
        %add3A_737 = arith.constant 0 : i32
        %add3A_738 = arith.addi %add3A_723, %add3A_737 : i32
        %get3A_739 = arith.index_cast %add3A_738 : i32 to index
        %get3A_740 = arith.constant 32 : index
        %get3A_741 = tpu.vector_load %arg8[%get3A_739, %get3A_740] {strides = array<i32>} : memref<800x64xf32, #tpu.memory_space<vmem>>, vector<1x16xf32>,
        %get3A_742 = vector.shape_cast %get3A_741 : vector<1x16xf32> to vector<16xf32>
        %add3A_743 = arith.addf %scan3A_718, %get3A_742 : vector<16xf32>
        %add3A_744 = arith.constant 0 : i32
        %add3A_745 = arith.addi %add3A_723, %add3A_744 : i32
        %get3A_746 = arith.index_cast %add3A_745 : i32 to index
        %get3A_747 = arith.constant 48 : index
        %get3A_748 = tpu.vector_load %arg8[%get3A_746, %get3A_747] {strides = array<i32>} : memref<800x64xf32, #tpu.memory_space<vmem>>, vector<1x16xf32>,
        %get3A_749 = vector.shape_cast %get3A_748 : vector<1x16xf32> to vector<16xf32>
        %add3A_750 = arith.addf %scan3A_719, %get3A_749 : vector<16xf32>
        %add3A_751 = arith.constant 1 : i32
        %add3A_752 = arith.addi %add3A_723, %add3A_751 : i32
        %get3A_753 = arith.index_cast %add3A_752 : i32 to index
        %get3A_754 = arith.constant 0 : index
        %get3A_755 = tpu.vector_load %arg8[%get3A_753, %get3A_754] {strides = array<i32>} : memref<800x64xf32, #tpu.memory_space<vmem>>, vector<1x16xf32>,
        %get3A_756 = vector.shape_cast %get3A_755 : vector<1x16xf32> to vector<16xf32>
        %add3A_757 = arith.addf %add3A_729, %get3A_756 : vector<16xf32>
        %add3A_758 = arith.constant 1 : i32
        %add3A_759 = arith.addi %add3A_723, %add3A_758 : i32
        %get3A_760 = arith.index_cast %add3A_759 : i32 to index
        %get3A_761 = arith.constant 16 : index
        %get3A_762 = tpu.vector_load %arg8[%get3A_760, %get3A_761] {strides = array<i32>} : memref<800x64xf32, #tpu.memory_space<vmem>>, vector<1x16xf32>,
        %get3A_763 = vector.shape_cast %get3A_762 : vector<1x16xf32> to vector<16xf32>
        %add3A_764 = arith.addf %add3A_736, %get3A_763 : vector<16xf32>
        %add3A_765 = arith.constant 1 : i32
        %add3A_766 = arith.addi %add3A_723, %add3A_765 : i32
        %get3A_767 = arith.index_cast %add3A_766 : i32 to index
        %get3A_768 = arith.constant 32 : index
        %get3A_769 = tpu.vector_load %arg8[%get3A_767, %get3A_768] {strides = array<i32>} : memref<800x64xf32, #tpu.memory_space<vmem>>, vector<1x16xf32>,
        %get3A_770 = vector.shape_cast %get3A_769 : vector<1x16xf32> to vector<16xf32>
        %add3A_771 = arith.addf %add3A_743, %get3A_770 : vector<16xf32>
        %add3A_772 = arith.constant 1 : i32
        %add3A_773 = arith.addi %add3A_723, %add3A_772 : i32
        %get3A_774 = arith.index_cast %add3A_773 : i32 to index
        %get3A_775 = arith.constant 48 : index
        %get3A_776 = tpu.vector_load %arg8[%get3A_774, %get3A_775] {strides = array<i32>} : memref<800x64xf32, #tpu.memory_space<vmem>>, vector<1x16xf32>,
        %get3A_777 = vector.shape_cast %get3A_776 : vector<1x16xf32> to vector<16xf32>
        %add3A_778 = arith.addf %add3A_750, %get3A_777 : vector<16xf32>
        %add3A_779 = arith.constant 2 : i32
        %add3A_780 = arith.addi %add3A_723, %add3A_779 : i32
        %get3A_781 = arith.index_cast %add3A_780 : i32 to index
        %get3A_782 = arith.constant 0 : index
        %get3A_783 = tpu.vector_load %arg8[%get3A_781, %get3A_782] {strides = array<i32>} : memref<800x64xf32, #tpu.memory_space<vmem>>, vector<1x16xf32>,
        %get3A_784 = vector.shape_cast %get3A_783 : vector<1x16xf32> to vector<16xf32>
        %add3A_785 = arith.addf %add3A_757, %get3A_784 : vector<16xf32>
        %add3A_786 = arith.constant 2 : i32
        %add3A_787 = arith.addi %add3A_723, %add3A_786 : i32
        %get3A_788 = arith.index_cast %add3A_787 : i32 to index
        %get3A_789 = arith.constant 16 : index
        %get3A_790 = tpu.vector_load %arg8[%get3A_788, %get3A_789] {strides = array<i32>} : memref<800x64xf32, #tpu.memory_space<vmem>>, vector<1x16xf32>,
        %get3A_791 = vector.shape_cast %get3A_790 : vector<1x16xf32> to vector<16xf32>
        %add3A_792 = arith.addf %add3A_764, %get3A_791 : vector<16xf32>
        %add3A_793 = arith.constant 2 : i32
        %add3A_794 = arith.addi %add3A_723, %add3A_793 : i32
        %get3A_795 = arith.index_cast %add3A_794 : i32 to index
        %get3A_796 = arith.constant 32 : index
        %get3A_797 = tpu.vector_load %arg8[%get3A_795, %get3A_796] {strides = array<i32>} : memref<800x64xf32, #tpu.memory_space<vmem>>, vector<1x16xf32>,
        %get3A_798 = vector.shape_cast %get3A_797 : vector<1x16xf32> to vector<16xf32>
        %add3A_799 = arith.addf %add3A_771, %get3A_798 : vector<16xf32>
        %add3A_800 = arith.constant 2 : i32
        %add3A_801 = arith.addi %add3A_723, %add3A_800 : i32
        %get3A_802 = arith.index_cast %add3A_801 : i32 to index
        %get3A_803 = arith.constant 48 : index
        %get3A_804 = tpu.vector_load %arg8[%get3A_802, %get3A_803] {strides = array<i32>} : memref<800x64xf32, #tpu.memory_space<vmem>>, vector<1x16xf32>,
        %get3A_805 = vector.shape_cast %get3A_804 : vector<1x16xf32> to vector<16xf32>
        %add3A_806 = arith.addf %add3A_778, %get3A_805 : vector<16xf32>
        %add3A_807 = arith.constant 3 : i32
        %add3A_808 = arith.addi %add3A_723, %add3A_807 : i32
        %get3A_809 = arith.index_cast %add3A_808 : i32 to index
        %get3A_810 = arith.constant 0 : index
        %get3A_811 = tpu.vector_load %arg8[%get3A_809, %get3A_810] {strides = array<i32>} : memref<800x64xf32, #tpu.memory_space<vmem>>, vector<1x16xf32>,
        %get3A_812 = vector.shape_cast %get3A_811 : vector<1x16xf32> to vector<16xf32>
        %add3A_813 = arith.addf %add3A_785, %get3A_812 : vector<16xf32>
        %add3A_814 = arith.constant 3 : i32
        %add3A_815 = arith.addi %add3A_723, %add3A_814 : i32
        %get3A_816 = arith.index_cast %add3A_815 : i32 to index
        %get3A_817 = arith.constant 16 : index
        %get3A_818 = tpu.vector_load %arg8[%get3A_816, %get3A_817] {strides = array<i32>} : memref<800x64xf32, #tpu.memory_space<vmem>>, vector<1x16xf32>,
        %get3A_819 = vector.shape_cast %get3A_818 : vector<1x16xf32> to vector<16xf32>
        %add3A_820 = arith.addf %add3A_792, %get3A_819 : vector<16xf32>
        %add3A_821 = arith.constant 3 : i32
        %add3A_822 = arith.addi %add3A_723, %add3A_821 : i32
        %get3A_823 = arith.index_cast %add3A_822 : i32 to index
        %get3A_824 = arith.constant 32 : index
        %get3A_825 = tpu.vector_load %arg8[%get3A_823, %get3A_824] {strides = array<i32>} : memref<800x64xf32, #tpu.memory_space<vmem>>, vector<1x16xf32>,
        %get3A_826 = vector.shape_cast %get3A_825 : vector<1x16xf32> to vector<16xf32>
        %add3A_827 = arith.addf %add3A_799, %get3A_826 : vector<16xf32>
        %add3A_828 = arith.constant 3 : i32
        %add3A_829 = arith.addi %add3A_723, %add3A_828 : i32
        %get3A_830 = arith.index_cast %add3A_829 : i32 to index
        %get3A_831 = arith.constant 48 : index
        %get3A_832 = tpu.vector_load %arg8[%get3A_830, %get3A_831] {strides = array<i32>} : memref<800x64xf32, #tpu.memory_space<vmem>>, vector<1x16xf32>,
        %get3A_833 = vector.shape_cast %get3A_832 : vector<1x16xf32> to vector<16xf32>
        %add3A_834 = arith.addf %add3A_806, %get3A_833 : vector<16xf32>
        %add3A_835 = arith.constant 4 : i32
        %add3A_836 = arith.addi %add3A_723, %add3A_835 : i32
        %get3A_837 = arith.index_cast %add3A_836 : i32 to index
        %get3A_838 = arith.constant 0 : index
        %get3A_839 = tpu.vector_load %arg8[%get3A_837, %get3A_838] {strides = array<i32>} : memref<800x64xf32, #tpu.memory_space<vmem>>, vector<1x16xf32>,
        %get3A_840 = vector.shape_cast %get3A_839 : vector<1x16xf32> to vector<16xf32>
        %add3A_841 = arith.addf %add3A_813, %get3A_840 : vector<16xf32>
        %add3A_842 = arith.constant 4 : i32
        %add3A_843 = arith.addi %add3A_723, %add3A_842 : i32
        %get3A_844 = arith.index_cast %add3A_843 : i32 to index
        %get3A_845 = arith.constant 16 : index
        %get3A_846 = tpu.vector_load %arg8[%get3A_844, %get3A_845] {strides = array<i32>} : memref<800x64xf32, #tpu.memory_space<vmem>>, vector<1x16xf32>,
        %get3A_847 = vector.shape_cast %get3A_846 : vector<1x16xf32> to vector<16xf32>
        %add3A_848 = arith.addf %add3A_820, %get3A_847 : vector<16xf32>
        %add3A_849 = arith.constant 4 : i32
        %add3A_850 = arith.addi %add3A_723, %add3A_849 : i32
        %get3A_851 = arith.index_cast %add3A_850 : i32 to index
        %get3A_852 = arith.constant 32 : index
        %get3A_853 = tpu.vector_load %arg8[%get3A_851, %get3A_852] {strides = array<i32>} : memref<800x64xf32, #tpu.memory_space<vmem>>, vector<1x16xf32>,
        %get3A_854 = vector.shape_cast %get3A_853 : vector<1x16xf32> to vector<16xf32>
        %add3A_855 = arith.addf %add3A_827, %get3A_854 : vector<16xf32>
        %add3A_856 = arith.constant 4 : i32
        %add3A_857 = arith.addi %add3A_723, %add3A_856 : i32
        %get3A_858 = arith.index_cast %add3A_857 : i32 to index
        %get3A_859 = arith.constant 48 : index
        %get3A_860 = tpu.vector_load %arg8[%get3A_858, %get3A_859] {strides = array<i32>} : memref<800x64xf32, #tpu.memory_space<vmem>>, vector<1x16xf32>,
        %get3A_861 = vector.shape_cast %get3A_860 : vector<1x16xf32> to vector<16xf32>
        %add3A_862 = arith.addf %add3A_834, %get3A_861 : vector<16xf32>
        %add3A_863 = arith.constant 5 : i32
        %add3A_864 = arith.addi %add3A_723, %add3A_863 : i32
        %get3A_865 = arith.index_cast %add3A_864 : i32 to index
        %get3A_866 = arith.constant 0 : index
        %get3A_867 = tpu.vector_load %arg8[%get3A_865, %get3A_866] {strides = array<i32>} : memref<800x64xf32, #tpu.memory_space<vmem>>, vector<1x16xf32>,
        %get3A_868 = vector.shape_cast %get3A_867 : vector<1x16xf32> to vector<16xf32>
        %add3A_869 = arith.addf %add3A_841, %get3A_868 : vector<16xf32>
        %add3A_870 = arith.constant 5 : i32
        %add3A_871 = arith.addi %add3A_723, %add3A_870 : i32
        %get3A_872 = arith.index_cast %add3A_871 : i32 to index
        %get3A_873 = arith.constant 16 : index
        %get3A_874 = tpu.vector_load %arg8[%get3A_872, %get3A_873] {strides = array<i32>} : memref<800x64xf32, #tpu.memory_space<vmem>>, vector<1x16xf32>,
        %get3A_875 = vector.shape_cast %get3A_874 : vector<1x16xf32> to vector<16xf32>
        %add3A_876 = arith.addf %add3A_848, %get3A_875 : vector<16xf32>
        %add3A_877 = arith.constant 5 : i32
        %add3A_878 = arith.addi %add3A_723, %add3A_877 : i32
        %get3A_879 = arith.index_cast %add3A_878 : i32 to index
        %get3A_880 = arith.constant 32 : index
        %get3A_881 = tpu.vector_load %arg8[%get3A_879, %get3A_880] {strides = array<i32>} : memref<800x64xf32, #tpu.memory_space<vmem>>, vector<1x16xf32>,
        %get3A_882 = vector.shape_cast %get3A_881 : vector<1x16xf32> to vector<16xf32>
        %add3A_883 = arith.addf %add3A_855, %get3A_882 : vector<16xf32>
        %add3A_884 = arith.constant 5 : i32
        %add3A_885 = arith.addi %add3A_723, %add3A_884 : i32
        %get3A_886 = arith.index_cast %add3A_885 : i32 to index
        %get3A_887 = arith.constant 48 : index
        %get3A_888 = tpu.vector_load %arg8[%get3A_886, %get3A_887] {strides = array<i32>} : memref<800x64xf32, #tpu.memory_space<vmem>>, vector<1x16xf32>,
        %get3A_889 = vector.shape_cast %get3A_888 : vector<1x16xf32> to vector<16xf32>
        %add3A_890 = arith.addf %add3A_862, %get3A_889 : vector<16xf32>
        %add3A_891 = arith.constant 6 : i32
        %add3A_892 = arith.addi %add3A_723, %add3A_891 : i32
        %get3A_893 = arith.index_cast %add3A_892 : i32 to index
        %get3A_894 = arith.constant 0 : index
        %get3A_895 = tpu.vector_load %arg8[%get3A_893, %get3A_894] {strides = array<i32>} : memref<800x64xf32, #tpu.memory_space<vmem>>, vector<1x16xf32>,
        %get3A_896 = vector.shape_cast %get3A_895 : vector<1x16xf32> to vector<16xf32>
        %add3A_897 = arith.addf %add3A_869, %get3A_896 : vector<16xf32>
        %add3A_898 = arith.constant 6 : i32
        %add3A_899 = arith.addi %add3A_723, %add3A_898 : i32
        %get3A_900 = arith.index_cast %add3A_899 : i32 to index
        %get3A_901 = arith.constant 16 : index
        %get3A_902 = tpu.vector_load %arg8[%get3A_900, %get3A_901] {strides = array<i32>} : memref<800x64xf32, #tpu.memory_space<vmem>>, vector<1x16xf32>,
        %get3A_903 = vector.shape_cast %get3A_902 : vector<1x16xf32> to vector<16xf32>
        %add3A_904 = arith.addf %add3A_876, %get3A_903 : vector<16xf32>
        %add3A_905 = arith.constant 6 : i32
        %add3A_906 = arith.addi %add3A_723, %add3A_905 : i32
        %get3A_907 = arith.index_cast %add3A_906 : i32 to index
        %get3A_908 = arith.constant 32 : index
        %get3A_909 = tpu.vector_load %arg8[%get3A_907, %get3A_908] {strides = array<i32>} : memref<800x64xf32, #tpu.memory_space<vmem>>, vector<1x16xf32>,
        %get3A_910 = vector.shape_cast %get3A_909 : vector<1x16xf32> to vector<16xf32>
        %add3A_911 = arith.addf %add3A_883, %get3A_910 : vector<16xf32>
        %add3A_912 = arith.constant 6 : i32
        %add3A_913 = arith.addi %add3A_723, %add3A_912 : i32
        %get3A_914 = arith.index_cast %add3A_913 : i32 to index
        %get3A_915 = arith.constant 48 : index
        %get3A_916 = tpu.vector_load %arg8[%get3A_914, %get3A_915] {strides = array<i32>} : memref<800x64xf32, #tpu.memory_space<vmem>>, vector<1x16xf32>,
        %get3A_917 = vector.shape_cast %get3A_916 : vector<1x16xf32> to vector<16xf32>
        %add3A_918 = arith.addf %add3A_890, %get3A_917 : vector<16xf32>
        %add3A_919 = arith.constant 7 : i32
        %add3A_920 = arith.addi %add3A_723, %add3A_919 : i32
        %get3A_921 = arith.index_cast %add3A_920 : i32 to index
        %get3A_922 = arith.constant 0 : index
        %get3A_923 = tpu.vector_load %arg8[%get3A_921, %get3A_922] {strides = array<i32>} : memref<800x64xf32, #tpu.memory_space<vmem>>, vector<1x16xf32>,
        %get3A_924 = vector.shape_cast %get3A_923 : vector<1x16xf32> to vector<16xf32>
        %add3A_925 = arith.addf %add3A_897, %get3A_924 : vector<16xf32>
        %add3A_926 = arith.constant 7 : i32
        %add3A_927 = arith.addi %add3A_723, %add3A_926 : i32
        %get3A_928 = arith.index_cast %add3A_927 : i32 to index
        %get3A_929 = arith.constant 16 : index
        %get3A_930 = tpu.vector_load %arg8[%get3A_928, %get3A_929] {strides = array<i32>} : memref<800x64xf32, #tpu.memory_space<vmem>>, vector<1x16xf32>,
        %get3A_931 = vector.shape_cast %get3A_930 : vector<1x16xf32> to vector<16xf32>
        %add3A_932 = arith.addf %add3A_904, %get3A_931 : vector<16xf32>
        %add3A_933 = arith.constant 7 : i32
        %add3A_934 = arith.addi %add3A_723, %add3A_933 : i32
        %get3A_935 = arith.index_cast %add3A_934 : i32 to index
        %get3A_936 = arith.constant 32 : index
        %get3A_937 = tpu.vector_load %arg8[%get3A_935, %get3A_936] {strides = array<i32>} : memref<800x64xf32, #tpu.memory_space<vmem>>, vector<1x16xf32>,
        %get3A_938 = vector.shape_cast %get3A_937 : vector<1x16xf32> to vector<16xf32>
        %add3A_939 = arith.addf %add3A_911, %get3A_938 : vector<16xf32>
        %add3A_940 = arith.constant 7 : i32
        %add3A_941 = arith.addi %add3A_723, %add3A_940 : i32
        %get3A_942 = arith.index_cast %add3A_941 : i32 to index
        %get3A_943 = arith.constant 48 : index
        %get3A_944 = tpu.vector_load %arg8[%get3A_942, %get3A_943] {strides = array<i32>} : memref<800x64xf32, #tpu.memory_space<vmem>>, vector<1x16xf32>,
        %get3A_945 = vector.shape_cast %get3A_944 : vector<1x16xf32> to vector<16xf32>
        %add3A_946 = arith.addf %add3A_918, %get3A_945 : vector<16xf32>
        scf.yield %add3A_925, %add3A_932, %add3A_939, %add3A_946 : vector<16xf32>, vector<16xf32>, vector<16xf32>, vector<16xf32>
      }
      %scan3A_621 = arith.constant 25 : i32
      %mul3A_622 = arith.mulf %scan3A_620#0, %broadcast_in_dim3A_3 : vector<16xf32>
      %add3A_623 = arith.constant 2 : i32
      %add3A_624 = arith.addi %mul3A_533, %add3A_623 : i32
      %swap3A_625 = arith.index_cast %add3A_624 : i32 to index
      %swap3A_626 = arith.constant 0 : index
      %swap3A_627 = tpu.vector_load %arg9[%swap3A_625, %swap3A_626] {strides = array<i32>} : memref<64x64xf32, #tpu.memory_space<vmem>>, vector<1x16xf32>,
      %swap3A_628 = vector.shape_cast %swap3A_627 : vector<1x16xf32> to vector<16xf32>
      %swap3A_629 = vector.shape_cast %mul3A_622 : vector<16xf32> to vector<1x16xf32>
      tpu.vector_store %arg9[%swap3A_625, %swap3A_626], %swap3A_629 {strides = array<i32>} : memref<64x64xf32, #tpu.memory_space<vmem>>, vector<1x16xf32>,
      %mul3A_630 = arith.mulf %scan3A_620#1, %broadcast_in_dim3A_3 : vector<16xf32>
      %add3A_631 = arith.constant 2 : i32
      %add3A_632 = arith.addi %mul3A_533, %add3A_631 : i32
      %swap3A_633 = arith.index_cast %add3A_632 : i32 to index
      %swap3A_634 = arith.constant 16 : index
      %swap3A_635 = tpu.vector_load %arg9[%swap3A_633, %swap3A_634] {strides = array<i32>} : memref<64x64xf32, #tpu.memory_space<vmem>>, vector<1x16xf32>,
      %swap3A_636 = vector.shape_cast %swap3A_635 : vector<1x16xf32> to vector<16xf32>
      %swap3A_637 = vector.shape_cast %mul3A_630 : vector<16xf32> to vector<1x16xf32>
      tpu.vector_store %arg9[%swap3A_633, %swap3A_634], %swap3A_637 {strides = array<i32>} : memref<64x64xf32, #tpu.memory_space<vmem>>, vector<1x16xf32>,
      %mul3A_638 = arith.mulf %scan3A_620#2, %broadcast_in_dim3A_3 : vector<16xf32>
      %add3A_639 = arith.constant 2 : i32
      %add3A_640 = arith.addi %mul3A_533, %add3A_639 : i32
      %swap3A_641 = arith.index_cast %add3A_640 : i32 to index
      %swap3A_642 = arith.constant 32 : index
      %swap3A_643 = tpu.vector_load %arg9[%swap3A_641, %swap3A_642] {strides = array<i32>} : memref<64x64xf32, #tpu.memory_space<vmem>>, vector<1x16xf32>,
      %swap3A_644 = vector.shape_cast %swap3A_643 : vector<1x16xf32> to vector<16xf32>
      %swap3A_645 = vector.shape_cast %mul3A_638 : vector<16xf32> to vector<1x16xf32>
      tpu.vector_store %arg9[%swap3A_641, %swap3A_642], %swap3A_645 {strides = array<i32>} : memref<64x64xf32, #tpu.memory_space<vmem>>, vector<1x16xf32>,
      %mul3A_646 = arith.mulf %scan3A_620#3, %broadcast_in_dim3A_3 : vector<16xf32>
      %add3A_647 = arith.constant 2 : i32
      %add3A_648 = arith.addi %mul3A_533, %add3A_647 : i32
      %swap3A_649 = arith.index_cast %add3A_648 : i32 to index
      %swap3A_650 = arith.constant 48 : index
      %swap3A_651 = tpu.vector_load %arg9[%swap3A_649, %swap3A_650] {strides = array<i32>} : memref<64x64xf32, #tpu.memory_space<vmem>>, vector<1x16xf32>,
      %swap3A_652 = vector.shape_cast %swap3A_651 : vector<1x16xf32> to vector<16xf32>
      %swap3A_653 = vector.shape_cast %mul3A_646 : vector<16xf32> to vector<1x16xf32>
      tpu.vector_store %arg9[%swap3A_649, %swap3A_650], %swap3A_653 {strides = array<i32>} : memref<64x64xf32, #tpu.memory_space<vmem>>, vector<1x16xf32>,
      %broadcast_in_dim3A_654 = arith.constant 0.000000e+00 : f32
      %broadcast_in_dim3A_655 = vector.broadcast %broadcast_in_dim3A_654 : f32 to vector<16xf32>
      %scan3A_656 = arith.constant 0 : i32
      %scan3A_657 = arith.constant 25 : i32
      %scan3A_658 = arith.addi %scan3A_656, %scan3A_657 : i32
      %scan3A_659 = arith.constant 1 : i32
      %scan3A_660:4 = scf.for %scan3A_715 = %scan3A_656 to %scan3A_658 step %scan3A_659 iter_args(%scan3A_716 = %broadcast_in_dim3A_655, %scan3A_717 = %broadcast_in_dim3A_655, %scan3A_718 = %broadcast_in_dim3A_655, %scan3A_719 = %broadcast_in_dim3A_655) -> (vector<16xf32>, vector<16xf32>, vector<16xf32>, vector<16xf32>)  : i32 {
        %mul3A_720 = arith.constant 8 : i32
        %mul3A_721 = arith.muli %scan3A_715, %mul3A_720 : i32
        %add3A_722 = arith.constant 600 : i32
        %add3A_723 = arith.addi %add3A_722, %mul3A_721 : i32
        %add3A_724 = arith.constant 0 : i32
        %add3A_725 = arith.addi %add3A_723, %add3A_724 : i32
        %get3A = arith.index_cast %add3A_725 : i32 to index
        %get3A_726 = arith.constant 0 : index
        %get3A_727 = tpu.vector_load %arg8[%get3A, %get3A_726] {strides = array<i32>} : memref<800x64xf32, #tpu.memory_space<vmem>>, vector<1x16xf32>,
        %get3A_728 = vector.shape_cast %get3A_727 : vector<1x16xf32> to vector<16xf32>
        %add3A_729 = arith.addf %scan3A_716, %get3A_728 : vector<16xf32>
        %add3A_730 = arith.constant 0 : i32
        %add3A_731 = arith.addi %add3A_723, %add3A_730 : i32
        %get3A_732 = arith.index_cast %add3A_731 : i32 to index
        %get3A_733 = arith.constant 16 : index
        %get3A_734 = tpu.vector_load %arg8[%get3A_732, %get3A_733] {strides = array<i32>} : memref<800x64xf32, #tpu.memory_space<vmem>>, vector<1x16xf32>,
        %get3A_735 = vector.shape_cast %get3A_734 : vector<1x16xf32> to vector<16xf32>
        %add3A_736 = arith.addf %scan3A_717, %get3A_735 : vector<16xf32>
        %add3A_737 = arith.constant 0 : i32
        %add3A_738 = arith.addi %add3A_723, %add3A_737 : i32
        %get3A_739 = arith.index_cast %add3A_738 : i32 to index
        %get3A_740 = arith.constant 32 : index
        %get3A_741 = tpu.vector_load %arg8[%get3A_739, %get3A_740] {strides = array<i32>} : memref<800x64xf32, #tpu.memory_space<vmem>>, vector<1x16xf32>,
        %get3A_742 = vector.shape_cast %get3A_741 : vector<1x16xf32> to vector<16xf32>
        %add3A_743 = arith.addf %scan3A_718, %get3A_742 : vector<16xf32>
        %add3A_744 = arith.constant 0 : i32
        %add3A_745 = arith.addi %add3A_723, %add3A_744 : i32
        %get3A_746 = arith.index_cast %add3A_745 : i32 to index
        %get3A_747 = arith.constant 48 : index
        %get3A_748 = tpu.vector_load %arg8[%get3A_746, %get3A_747] {strides = array<i32>} : memref<800x64xf32, #tpu.memory_space<vmem>>, vector<1x16xf32>,
        %get3A_749 = vector.shape_cast %get3A_748 : vector<1x16xf32> to vector<16xf32>
        %add3A_750 = arith.addf %scan3A_719, %get3A_749 : vector<16xf32>
        %add3A_751 = arith.constant 1 : i32
        %add3A_752 = arith.addi %add3A_723, %add3A_751 : i32
        %get3A_753 = arith.index_cast %add3A_752 : i32 to index
        %get3A_754 = arith.constant 0 : index
        %get3A_755 = tpu.vector_load %arg8[%get3A_753, %get3A_754] {strides = array<i32>} : memref<800x64xf32, #tpu.memory_space<vmem>>, vector<1x16xf32>,
        %get3A_756 = vector.shape_cast %get3A_755 : vector<1x16xf32> to vector<16xf32>
        %add3A_757 = arith.addf %add3A_729, %get3A_756 : vector<16xf32>
        %add3A_758 = arith.constant 1 : i32
        %add3A_759 = arith.addi %add3A_723, %add3A_758 : i32
        %get3A_760 = arith.index_cast %add3A_759 : i32 to index
        %get3A_761 = arith.constant 16 : index
        %get3A_762 = tpu.vector_load %arg8[%get3A_760, %get3A_761] {strides = array<i32>} : memref<800x64xf32, #tpu.memory_space<vmem>>, vector<1x16xf32>,
        %get3A_763 = vector.shape_cast %get3A_762 : vector<1x16xf32> to vector<16xf32>
        %add3A_764 = arith.addf %add3A_736, %get3A_763 : vector<16xf32>
        %add3A_765 = arith.constant 1 : i32
        %add3A_766 = arith.addi %add3A_723, %add3A_765 : i32
        %get3A_767 = arith.index_cast %add3A_766 : i32 to index
        %get3A_768 = arith.constant 32 : index
        %get3A_769 = tpu.vector_load %arg8[%get3A_767, %get3A_768] {strides = array<i32>} : memref<800x64xf32, #tpu.memory_space<vmem>>, vector<1x16xf32>,
        %get3A_770 = vector.shape_cast %get3A_769 : vector<1x16xf32> to vector<16xf32>
        %add3A_771 = arith.addf %add3A_743, %get3A_770 : vector<16xf32>
        %add3A_772 = arith.constant 1 : i32
        %add3A_773 = arith.addi %add3A_723, %add3A_772 : i32
        %get3A_774 = arith.index_cast %add3A_773 : i32 to index
        %get3A_775 = arith.constant 48 : index
        %get3A_776 = tpu.vector_load %arg8[%get3A_774, %get3A_775] {strides = array<i32>} : memref<800x64xf32, #tpu.memory_space<vmem>>, vector<1x16xf32>,
        %get3A_777 = vector.shape_cast %get3A_776 : vector<1x16xf32> to vector<16xf32>
        %add3A_778 = arith.addf %add3A_750, %get3A_777 : vector<16xf32>
        %add3A_779 = arith.constant 2 : i32
        %add3A_780 = arith.addi %add3A_723, %add3A_779 : i32
        %get3A_781 = arith.index_cast %add3A_780 : i32 to index
        %get3A_782 = arith.constant 0 : index
        %get3A_783 = tpu.vector_load %arg8[%get3A_781, %get3A_782] {strides = array<i32>} : memref<800x64xf32, #tpu.memory_space<vmem>>, vector<1x16xf32>,
        %get3A_784 = vector.shape_cast %get3A_783 : vector<1x16xf32> to vector<16xf32>
        %add3A_785 = arith.addf %add3A_757, %get3A_784 : vector<16xf32>
        %add3A_786 = arith.constant 2 : i32
        %add3A_787 = arith.addi %add3A_723, %add3A_786 : i32
        %get3A_788 = arith.index_cast %add3A_787 : i32 to index
        %get3A_789 = arith.constant 16 : index
        %get3A_790 = tpu.vector_load %arg8[%get3A_788, %get3A_789] {strides = array<i32>} : memref<800x64xf32, #tpu.memory_space<vmem>>, vector<1x16xf32>,
        %get3A_791 = vector.shape_cast %get3A_790 : vector<1x16xf32> to vector<16xf32>
        %add3A_792 = arith.addf %add3A_764, %get3A_791 : vector<16xf32>
        %add3A_793 = arith.constant 2 : i32
        %add3A_794 = arith.addi %add3A_723, %add3A_793 : i32
        %get3A_795 = arith.index_cast %add3A_794 : i32 to index
        %get3A_796 = arith.constant 32 : index
        %get3A_797 = tpu.vector_load %arg8[%get3A_795, %get3A_796] {strides = array<i32>} : memref<800x64xf32, #tpu.memory_space<vmem>>, vector<1x16xf32>,
        %get3A_798 = vector.shape_cast %get3A_797 : vector<1x16xf32> to vector<16xf32>
        %add3A_799 = arith.addf %add3A_771, %get3A_798 : vector<16xf32>
        %add3A_800 = arith.constant 2 : i32
        %add3A_801 = arith.addi %add3A_723, %add3A_800 : i32
        %get3A_802 = arith.index_cast %add3A_801 : i32 to index
        %get3A_803 = arith.constant 48 : index
        %get3A_804 = tpu.vector_load %arg8[%get3A_802, %get3A_803] {strides = array<i32>} : memref<800x64xf32, #tpu.memory_space<vmem>>, vector<1x16xf32>,
        %get3A_805 = vector.shape_cast %get3A_804 : vector<1x16xf32> to vector<16xf32>
        %add3A_806 = arith.addf %add3A_778, %get3A_805 : vector<16xf32>
        %add3A_807 = arith.constant 3 : i32
        %add3A_808 = arith.addi %add3A_723, %add3A_807 : i32
        %get3A_809 = arith.index_cast %add3A_808 : i32 to index
        %get3A_810 = arith.constant 0 : index
        %get3A_811 = tpu.vector_load %arg8[%get3A_809, %get3A_810] {strides = array<i32>} : memref<800x64xf32, #tpu.memory_space<vmem>>, vector<1x16xf32>,
        %get3A_812 = vector.shape_cast %get3A_811 : vector<1x16xf32> to vector<16xf32>
        %add3A_813 = arith.addf %add3A_785, %get3A_812 : vector<16xf32>
        %add3A_814 = arith.constant 3 : i32
        %add3A_815 = arith.addi %add3A_723, %add3A_814 : i32
        %get3A_816 = arith.index_cast %add3A_815 : i32 to index
        %get3A_817 = arith.constant 16 : index
        %get3A_818 = tpu.vector_load %arg8[%get3A_816, %get3A_817] {strides = array<i32>} : memref<800x64xf32, #tpu.memory_space<vmem>>, vector<1x16xf32>,
        %get3A_819 = vector.shape_cast %get3A_818 : vector<1x16xf32> to vector<16xf32>
        %add3A_820 = arith.addf %add3A_792, %get3A_819 : vector<16xf32>
        %add3A_821 = arith.constant 3 : i32
        %add3A_822 = arith.addi %add3A_723, %add3A_821 : i32
        %get3A_823 = arith.index_cast %add3A_822 : i32 to index
        %get3A_824 = arith.constant 32 : index
        %get3A_825 = tpu.vector_load %arg8[%get3A_823, %get3A_824] {strides = array<i32>} : memref<800x64xf32, #tpu.memory_space<vmem>>, vector<1x16xf32>,
        %get3A_826 = vector.shape_cast %get3A_825 : vector<1x16xf32> to vector<16xf32>
        %add3A_827 = arith.addf %add3A_799, %get3A_826 : vector<16xf32>
        %add3A_828 = arith.constant 3 : i32
        %add3A_829 = arith.addi %add3A_723, %add3A_828 : i32
        %get3A_830 = arith.index_cast %add3A_829 : i32 to index
        %get3A_831 = arith.constant 48 : index
        %get3A_832 = tpu.vector_load %arg8[%get3A_830, %get3A_831] {strides = array<i32>} : memref<800x64xf32, #tpu.memory_space<vmem>>, vector<1x16xf32>,
        %get3A_833 = vector.shape_cast %get3A_832 : vector<1x16xf32> to vector<16xf32>
        %add3A_834 = arith.addf %add3A_806, %get3A_833 : vector<16xf32>
        %add3A_835 = arith.constant 4 : i32
        %add3A_836 = arith.addi %add3A_723, %add3A_835 : i32
        %get3A_837 = arith.index_cast %add3A_836 : i32 to index
        %get3A_838 = arith.constant 0 : index
        %get3A_839 = tpu.vector_load %arg8[%get3A_837, %get3A_838] {strides = array<i32>} : memref<800x64xf32, #tpu.memory_space<vmem>>, vector<1x16xf32>,
        %get3A_840 = vector.shape_cast %get3A_839 : vector<1x16xf32> to vector<16xf32>
        %add3A_841 = arith.addf %add3A_813, %get3A_840 : vector<16xf32>
        %add3A_842 = arith.constant 4 : i32
        %add3A_843 = arith.addi %add3A_723, %add3A_842 : i32
        %get3A_844 = arith.index_cast %add3A_843 : i32 to index
        %get3A_845 = arith.constant 16 : index
        %get3A_846 = tpu.vector_load %arg8[%get3A_844, %get3A_845] {strides = array<i32>} : memref<800x64xf32, #tpu.memory_space<vmem>>, vector<1x16xf32>,
        %get3A_847 = vector.shape_cast %get3A_846 : vector<1x16xf32> to vector<16xf32>
        %add3A_848 = arith.addf %add3A_820, %get3A_847 : vector<16xf32>
        %add3A_849 = arith.constant 4 : i32
        %add3A_850 = arith.addi %add3A_723, %add3A_849 : i32
        %get3A_851 = arith.index_cast %add3A_850 : i32 to index
        %get3A_852 = arith.constant 32 : index
        %get3A_853 = tpu.vector_load %arg8[%get3A_851, %get3A_852] {strides = array<i32>} : memref<800x64xf32, #tpu.memory_space<vmem>>, vector<1x16xf32>,
        %get3A_854 = vector.shape_cast %get3A_853 : vector<1x16xf32> to vector<16xf32>
        %add3A_855 = arith.addf %add3A_827, %get3A_854 : vector<16xf32>
        %add3A_856 = arith.constant 4 : i32
        %add3A_857 = arith.addi %add3A_723, %add3A_856 : i32
        %get3A_858 = arith.index_cast %add3A_857 : i32 to index
        %get3A_859 = arith.constant 48 : index
        %get3A_860 = tpu.vector_load %arg8[%get3A_858, %get3A_859] {strides = array<i32>} : memref<800x64xf32, #tpu.memory_space<vmem>>, vector<1x16xf32>,
        %get3A_861 = vector.shape_cast %get3A_860 : vector<1x16xf32> to vector<16xf32>
        %add3A_862 = arith.addf %add3A_834, %get3A_861 : vector<16xf32>
        %add3A_863 = arith.constant 5 : i32
        %add3A_864 = arith.addi %add3A_723, %add3A_863 : i32
        %get3A_865 = arith.index_cast %add3A_864 : i32 to index
        %get3A_866 = arith.constant 0 : index
        %get3A_867 = tpu.vector_load %arg8[%get3A_865, %get3A_866] {strides = array<i32>} : memref<800x64xf32, #tpu.memory_space<vmem>>, vector<1x16xf32>,
        %get3A_868 = vector.shape_cast %get3A_867 : vector<1x16xf32> to vector<16xf32>
        %add3A_869 = arith.addf %add3A_841, %get3A_868 : vector<16xf32>
        %add3A_870 = arith.constant 5 : i32
        %add3A_871 = arith.addi %add3A_723, %add3A_870 : i32
        %get3A_872 = arith.index_cast %add3A_871 : i32 to index
        %get3A_873 = arith.constant 16 : index
        %get3A_874 = tpu.vector_load %arg8[%get3A_872, %get3A_873] {strides = array<i32>} : memref<800x64xf32, #tpu.memory_space<vmem>>, vector<1x16xf32>,
        %get3A_875 = vector.shape_cast %get3A_874 : vector<1x16xf32> to vector<16xf32>
        %add3A_876 = arith.addf %add3A_848, %get3A_875 : vector<16xf32>
        %add3A_877 = arith.constant 5 : i32
        %add3A_878 = arith.addi %add3A_723, %add3A_877 : i32
        %get3A_879 = arith.index_cast %add3A_878 : i32 to index
        %get3A_880 = arith.constant 32 : index
        %get3A_881 = tpu.vector_load %arg8[%get3A_879, %get3A_880] {strides = array<i32>} : memref<800x64xf32, #tpu.memory_space<vmem>>, vector<1x16xf32>,
        %get3A_882 = vector.shape_cast %get3A_881 : vector<1x16xf32> to vector<16xf32>
        %add3A_883 = arith.addf %add3A_855, %get3A_882 : vector<16xf32>
        %add3A_884 = arith.constant 5 : i32
        %add3A_885 = arith.addi %add3A_723, %add3A_884 : i32
        %get3A_886 = arith.index_cast %add3A_885 : i32 to index
        %get3A_887 = arith.constant 48 : index
        %get3A_888 = tpu.vector_load %arg8[%get3A_886, %get3A_887] {strides = array<i32>} : memref<800x64xf32, #tpu.memory_space<vmem>>, vector<1x16xf32>,
        %get3A_889 = vector.shape_cast %get3A_888 : vector<1x16xf32> to vector<16xf32>
        %add3A_890 = arith.addf %add3A_862, %get3A_889 : vector<16xf32>
        %add3A_891 = arith.constant 6 : i32
        %add3A_892 = arith.addi %add3A_723, %add3A_891 : i32
        %get3A_893 = arith.index_cast %add3A_892 : i32 to index
        %get3A_894 = arith.constant 0 : index
        %get3A_895 = tpu.vector_load %arg8[%get3A_893, %get3A_894] {strides = array<i32>} : memref<800x64xf32, #tpu.memory_space<vmem>>, vector<1x16xf32>,
        %get3A_896 = vector.shape_cast %get3A_895 : vector<1x16xf32> to vector<16xf32>
        %add3A_897 = arith.addf %add3A_869, %get3A_896 : vector<16xf32>
        %add3A_898 = arith.constant 6 : i32
        %add3A_899 = arith.addi %add3A_723, %add3A_898 : i32
        %get3A_900 = arith.index_cast %add3A_899 : i32 to index
        %get3A_901 = arith.constant 16 : index
        %get3A_902 = tpu.vector_load %arg8[%get3A_900, %get3A_901] {strides = array<i32>} : memref<800x64xf32, #tpu.memory_space<vmem>>, vector<1x16xf32>,
        %get3A_903 = vector.shape_cast %get3A_902 : vector<1x16xf32> to vector<16xf32>
        %add3A_904 = arith.addf %add3A_876, %get3A_903 : vector<16xf32>
        %add3A_905 = arith.constant 6 : i32
        %add3A_906 = arith.addi %add3A_723, %add3A_905 : i32
        %get3A_907 = arith.index_cast %add3A_906 : i32 to index
        %get3A_908 = arith.constant 32 : index
        %get3A_909 = tpu.vector_load %arg8[%get3A_907, %get3A_908] {strides = array<i32>} : memref<800x64xf32, #tpu.memory_space<vmem>>, vector<1x16xf32>,
        %get3A_910 = vector.shape_cast %get3A_909 : vector<1x16xf32> to vector<16xf32>
        %add3A_911 = arith.addf %add3A_883, %get3A_910 : vector<16xf32>
        %add3A_912 = arith.constant 6 : i32
        %add3A_913 = arith.addi %add3A_723, %add3A_912 : i32
        %get3A_914 = arith.index_cast %add3A_913 : i32 to index
        %get3A_915 = arith.constant 48 : index
        %get3A_916 = tpu.vector_load %arg8[%get3A_914, %get3A_915] {strides = array<i32>} : memref<800x64xf32, #tpu.memory_space<vmem>>, vector<1x16xf32>,
        %get3A_917 = vector.shape_cast %get3A_916 : vector<1x16xf32> to vector<16xf32>
        %add3A_918 = arith.addf %add3A_890, %get3A_917 : vector<16xf32>
        %add3A_919 = arith.constant 7 : i32
        %add3A_920 = arith.addi %add3A_723, %add3A_919 : i32
        %get3A_921 = arith.index_cast %add3A_920 : i32 to index
        %get3A_922 = arith.constant 0 : index
        %get3A_923 = tpu.vector_load %arg8[%get3A_921, %get3A_922] {strides = array<i32>} : memref<800x64xf32, #tpu.memory_space<vmem>>, vector<1x16xf32>,
        %get3A_924 = vector.shape_cast %get3A_923 : vector<1x16xf32> to vector<16xf32>
        %add3A_925 = arith.addf %add3A_897, %get3A_924 : vector<16xf32>
        %add3A_926 = arith.constant 7 : i32
        %add3A_927 = arith.addi %add3A_723, %add3A_926 : i32
        %get3A_928 = arith.index_cast %add3A_927 : i32 to index
        %get3A_929 = arith.constant 16 : index
        %get3A_930 = tpu.vector_load %arg8[%get3A_928, %get3A_929] {strides = array<i32>} : memref<800x64xf32, #tpu.memory_space<vmem>>, vector<1x16xf32>,
        %get3A_931 = vector.shape_cast %get3A_930 : vector<1x16xf32> to vector<16xf32>
        %add3A_932 = arith.addf %add3A_904, %get3A_931 : vector<16xf32>
        %add3A_933 = arith.constant 7 : i32
        %add3A_934 = arith.addi %add3A_723, %add3A_933 : i32
        %get3A_935 = arith.index_cast %add3A_934 : i32 to index
        %get3A_936 = arith.constant 32 : index
        %get3A_937 = tpu.vector_load %arg8[%get3A_935, %get3A_936] {strides = array<i32>} : memref<800x64xf32, #tpu.memory_space<vmem>>, vector<1x16xf32>,
        %get3A_938 = vector.shape_cast %get3A_937 : vector<1x16xf32> to vector<16xf32>
        %add3A_939 = arith.addf %add3A_911, %get3A_938 : vector<16xf32>
        %add3A_940 = arith.constant 7 : i32
        %add3A_941 = arith.addi %add3A_723, %add3A_940 : i32
        %get3A_942 = arith.index_cast %add3A_941 : i32 to index
        %get3A_943 = arith.constant 48 : index
        %get3A_944 = tpu.vector_load %arg8[%get3A_942, %get3A_943] {strides = array<i32>} : memref<800x64xf32, #tpu.memory_space<vmem>>, vector<1x16xf32>,
        %get3A_945 = vector.shape_cast %get3A_944 : vector<1x16xf32> to vector<16xf32>
        %add3A_946 = arith.addf %add3A_918, %get3A_945 : vector<16xf32>
        scf.yield %add3A_925, %add3A_932, %add3A_939, %add3A_946 : vector<16xf32>, vector<16xf32>, vector<16xf32>, vector<16xf32>
      }
      %scan3A_661 = arith.constant 25 : i32
      %mul3A_662 = arith.mulf %scan3A_660#0, %broadcast_in_dim3A_3 : vector<16xf32>
      %add3A_663 = arith.constant 3 : i32
      %add3A_664 = arith.addi %mul3A_533, %add3A_663 : i32
      %swap3A_665 = arith.index_cast %add3A_664 : i32 to index
      %swap3A_666 = arith.constant 0 : index
      %swap3A_667 = tpu.vector_load %arg9[%swap3A_665, %swap3A_666] {strides = array<i32>} : memref<64x64xf32, #tpu.memory_space<vmem>>, vector<1x16xf32>,
      %swap3A_668 = vector.shape_cast %swap3A_667 : vector<1x16xf32> to vector<16xf32>
      %swap3A_669 = vector.shape_cast %mul3A_662 : vector<16xf32> to vector<1x16xf32>
      tpu.vector_store %arg9[%swap3A_665, %swap3A_666], %swap3A_669 {strides = array<i32>} : memref<64x64xf32, #tpu.memory_space<vmem>>, vector<1x16xf32>,
      %mul3A_670 = arith.mulf %scan3A_660#1, %broadcast_in_dim3A_3 : vector<16xf32>
      %add3A_671 = arith.constant 3 : i32
      %add3A_672 = arith.addi %mul3A_533, %add3A_671 : i32
      %swap3A_673 = arith.index_cast %add3A_672 : i32 to index
      %swap3A_674 = arith.constant 16 : index
      %swap3A_675 = tpu.vector_load %arg9[%swap3A_673, %swap3A_674] {strides = array<i32>} : memref<64x64xf32, #tpu.memory_space<vmem>>, vector<1x16xf32>,
      %swap3A_676 = vector.shape_cast %swap3A_675 : vector<1x16xf32> to vector<16xf32>
      %swap3A_677 = vector.shape_cast %mul3A_670 : vector<16xf32> to vector<1x16xf32>
      tpu.vector_store %arg9[%swap3A_673, %swap3A_674], %swap3A_677 {strides = array<i32>} : memref<64x64xf32, #tpu.memory_space<vmem>>, vector<1x16xf32>,
      %mul3A_678 = arith.mulf %scan3A_660#2, %broadcast_in_dim3A_3 : vector<16xf32>
      %add3A_679 = arith.constant 3 : i32
      %add3A_680 = arith.addi %mul3A_533, %add3A_679 : i32
      %swap3A_681 = arith.index_cast %add3A_680 : i32 to index
      %swap3A_682 = arith.constant 32 : index
      %swap3A_683 = tpu.vector_load %arg9[%swap3A_681, %swap3A_682] {strides = array<i32>} : memref<64x64xf32, #tpu.memory_space<vmem>>, vector<1x16xf32>,
      %swap3A_684 = vector.shape_cast %swap3A_683 : vector<1x16xf32> to vector<16xf32>
      %swap3A_685 = vector.shape_cast %mul3A_678 : vector<16xf32> to vector<1x16xf32>
      tpu.vector_store %arg9[%swap3A_681, %swap3A_682], %swap3A_685 {strides = array<i32>} : memref<64x64xf32, #tpu.memory_space<vmem>>, vector<1x16xf32>,
      %mul3A_686 = arith.mulf %scan3A_660#3, %broadcast_in_dim3A_3 : vector<16xf32>
      %add3A_687 = arith.constant 3 : i32
      %add3A_688 = arith.addi %mul3A_533, %add3A_687 : i32
      %swap3A_689 = arith.index_cast %add3A_688 : i32 to index
      %swap3A_690 = arith.constant 48 : index
      %swap3A_691 = tpu.vector_load %arg9[%swap3A_689, %swap3A_690] {strides = array<i32>} : memref<64x64xf32, #tpu.memory_space<vmem>>, vector<1x16xf32>,
      %swap3A_692 = vector.shape_cast %swap3A_691 : vector<1x16xf32> to vector<16xf32>
      %swap3A_693 = vector.shape_cast %mul3A_686 : vector<16xf32> to vector<1x16xf32>
      tpu.vector_store %arg9[%swap3A_689, %swap3A_690], %swap3A_693 {strides = array<i32>} : memref<64x64xf32, #tpu.memory_space<vmem>>, vector<1x16xf32>,
      %jit3A_694 = arith.constant 8 : i32
      %eq3A_695 = arith.constant 0 : i32
      %eq3A_696 = arith.cmpi eq, %jit3A_694, %eq3A_695 : i32
      %jit3A_697 = arith.constant 1 : i32
      %select_n3A_698 = arith.select %eq3A_696, %jit3A_697, %jit3A_694 : i32
      %rem3A_699 = arith.remsi %scan3A_92, %select_n3A_698 : i32
      %ne3A_700 = arith.constant 0 : i32
      %ne3A_701 = arith.cmpi ne, %rem3A_699, %ne3A_700 : i32
      %lt3A_702 = arith.constant 0 : i32
      %lt3A_703 = arith.cmpi slt, %rem3A_699, %lt3A_702 : i32
      %lt3A_704 = arith.constant 0 : i32
      %lt3A_705 = arith.cmpi slt, %select_n3A_698, %lt3A_704 : i32
      %ne3A_706 = arith.xori %lt3A_703, %lt3A_705 : i1
      %and3A_707 = arith.andi %ne3A_706, %ne3A_701 : i1
      %add3A_708 = arith.addi %rem3A_699, %select_n3A_698 : i32
      %select_n3A_709 = arith.select %and3A_707, %add3A_708, %rem3A_699 : i32
      %eq3A_710 = arith.constant 7 : i32
      %eq3A_711 = arith.cmpi eq, %select_n3A_709, %eq3A_710 : i32
      %convert_element_type3A_712 = arith.extui %eq3A_711 : i1 to i32
      %cond3A_713 = arith.constant 0 : i32
      %cond3A_714 = arith.cmpi ne, %convert_element_type3A_712, %cond3A_713 : i32
      scf.if %cond3A_714 {
        %jit3A_715 = arith.constant 16 : i32
        %div3A = arith.divsi %add3A_98, %jit3A_715 : i32
        %sign3A = arith.constant 0 : i32
        %sign3A_716 = arith.cmpi sgt, %add3A_98, %sign3A : i32
        %sign3A_717 = arith.extui %sign3A_716 : i1 to i32
        %sign3A_718 = arith.constant 0 : i32
        %sign3A_719 = arith.cmpi slt, %add3A_98, %sign3A_718 : i32
        %sign3A_720 = arith.extui %sign3A_719 : i1 to i32
        %sign3A_721 = arith.subi %sign3A_717, %sign3A_720 : i32
        %sign3A_722 = arith.constant 0 : i32
        %sign3A_723 = arith.cmpi sgt, %jit3A_715, %sign3A_722 : i32
        %sign3A_724 = arith.extui %sign3A_723 : i1 to i32
        %sign3A_725 = arith.constant 0 : i32
        %sign3A_726 = arith.cmpi slt, %jit3A_715, %sign3A_725 : i32
        %sign3A_727 = arith.extui %sign3A_726 : i1 to i32
        %sign3A_728 = arith.subi %sign3A_724, %sign3A_727 : i32
        %ne3A_729 = arith.cmpi ne, %sign3A_721, %sign3A_728 : i32
        %rem3A_730 = arith.remsi %add3A_98, %jit3A_715 : i32
        %ne3A_731 = arith.constant 0 : i32
        %ne3A_732 = arith.cmpi ne, %rem3A_730, %ne3A_731 : i32
        %and3A_733 = arith.andi %ne3A_729, %ne3A_732 : i1
        %sub3A = arith.constant 1 : i32
        %sub3A_734 = arith.subi %div3A, %sub3A : i32
        %select_n3A_735 = arith.select %and3A_733, %sub3A_734, %div3A : i32
        %mul3A_736 = arith.constant 64 : i32
        %mul3A_737 = arith.muli %select_n3A_735, %mul3A_736 : i32
        %add3A_738 = arith.addi %mul3A_2, %mul3A_737 : i32
        "tpu.region"() ({
          %run_scoped3A = tpu.sem_alloc : memref<!tpu.dma_semaphore, #tpu.memory_space<semaphore_mem>>
          %dma_start3A_739 = arith.constant 0 : i32
          %dma_start3A_740 = tpu.memref_slice %arg4[%add3A_738, %dma_start3A_739] : memref<16384x64xf32, #tpu.memory_space<hbm>> -> memref<64x64xf32, #tpu.memory_space<hbm>>
          %dma_start3A_741 = arith.constant 0 : i32
          %dma_start3A_742 = tpu.memref_slice %arg4[%add3A_738, %dma_start3A_741] : memref<16384x64xf32, #tpu.memory_space<hbm>> -> memref<64x64xf32, #tpu.memory_space<hbm>>
          tpu.enqueue_dma source(%arg9 : memref<64x64xf32, #tpu.memory_space<vmem>>) target(%dma_start3A_742 : memref<64x64xf32, #tpu.memory_space<hbm>>) target_semaphore(%run_scoped3A : memref<!tpu.dma_semaphore, #tpu.memory_space<semaphore_mem>>)
          %dma_wait3A_743 = arith.constant 0 : i32
          %dma_wait3A_744 = tpu.memref_slice %arg4[%add3A_738, %dma_wait3A_743] : memref<16384x64xf32, #tpu.memory_space<hbm>> -> memref<64x64xf32, #tpu.memory_space<hbm>>
          %dma_wait3A_745 = arith.constant 0 : i32
          %dma_wait3A_746 = tpu.memref_slice %arg4[%add3A_738, %dma_wait3A_745] : memref<16384x64xf32, #tpu.memory_space<hbm>> -> memref<64x64xf32, #tpu.memory_space<hbm>>
          tpu.wait_dma2 semaphore(%run_scoped3A : memref<!tpu.dma_semaphore, #tpu.memory_space<semaphore_mem>>) src(%arg9 : memref<64x64xf32, #tpu.memory_space<vmem>>) dst(%dma_wait3A_746 : memref<64x64xf32, #tpu.memory_space<hbm>>)
          tpu.yield
        }) : () -> ()
      } else {
      }
    }
    %scan3A_91 = arith.constant 64 : i32
    return
  }
}

</mosaic_0001>

<sc_bundles>
// kernel: kernel.3.cloned.1.call-start
scs
__scs_entry_jumppad:
0x0: {  	(pc) =	sbr.rel $0x88, $3  }
0x1: {  	(tag) =	ssettag $0x0;
	lr =	simm.s32 $0x1  }
0x2: {  	[smem:$0x3F9F] =	sst lr;
	_ =	strace $0xD0000000  }
0x3: {  	_ = 	snop  }
0x4: {  	_ = 	snop  }
0x5: {  	_ = 	snop  }
0x6: {  	_ = 	snop  }
0x7: {  	_ = 	snop  }
__scs_overlays_trampoline_lowered:
0x8: {  	[smem:$0x3FAE] =	sst s0  }
0x9: {  	[smem:$0x3FAF] =	sst s1  }
0xa: {  	[smem:$0x3FB0] =	sst s2  }
0xb: {  	[smem:$0x3FB1] =	sst s3  }
0xc: {  	[smem:$0x3FB2] =	sst s4  }
0xd: {  	[smem:$0x3FB3] =	sst s5  }
0xe: {  	[smem:$0x3FB4] =	sst s6  }
0xf: {  	[smem:$0x3FB5] =	sst s7  }
0x10: {  	[smem:$0x3FB6] =	sst s8  }
0x11: {  	[smem:$0x3FB7] =	sst s9;
	s0 =	simm.s32 @!p0 $0x0  }
0x12: {  	s1 =	sld [smem:$0x3F9D];
	s0 =	simm.s32 @p0 $0x1  }
0x13: {  	[smem:$0x3FB8] =	sst s0;
	s0 =	simm.s32 @!p1 $0x0  }
0x14: {  	s2 =	sld [smem:$0x3F9C];
	s0 =	simm.s32 @p1 $0x1  }
0x15: {  	[smem:$0x3FB9] =	sst s0;
	s0 =	simm.s32 @!p2 $0x0  }
0x16: {  	s3 =	sld [smem:$0x3FDB];
	s0 =	simm.s32 @p2 $0x1  }
0x17: {  	s4 =	simm.s32 $0x1BF5;
	[smem:$0x3FBB] =	sst s0  }
0x18: {  	s0 =	sld [smem:$0x3F9E];
	_ =	swait.ge [sflag:s4], $0x0  }
0x19: {  	s7 =	sld [smem:$0x3F9F]  }
0x1a: {  	s8 =	sadd.s32 $0xFFFFE003, lr  }
0x1b: {  	s9 =	sadd.s32 $0xFFFFFEF7, lr;
	s5 =	simm.s32 $0xFFFFFFFF;
	p2 =	slt.u32 s8, $0xFFFFF086  }
0x1c: {  	p1 =	slt.u32 s9, $0xF7A;
	s5 =	simm.s32 @!p2 $0x0  }
0x1d: {  	s5 =	simm.s32 @p1 $0x1;
	p0 =	seq.s32 s7, s2  }
0x1e: {  	s7 =	smul.u32 @!p0 $0xF7A, s2;
	p2 =	seq.s32 @!p0 s5, $0x0  }
0x1f: {  	s9 =	smul.u32 $0xF7A, s1;
	s8 =	simm.s32 @!p0 $0x1BF5;
	p2 =	por !p2, p0  }
0x20: {  	[sflag:s8] =	ssyncset.s32 @!p0 $0xFFFFF086;
	s6 =	sadd.s32 @!p0 s3, s7;
	s7 =	simm.s32 @!p0 $0x108  }
0x21: {  	s3 =	sadd.s32 s3, s9;
	s6 =	sadd.s32 @!p0 $0x88, s6;
	s7 =	simm.s32 @p2 $0x1082  }
0x22: {  	[simem:s7], [sflag:s8] =	dma.local @!p0 [hbm:s6], $0xF7A  }
0x23: {  	s9 =	sor.u32 $0xD0000000, s2;
	s6 =	simm.s32 $0x108;
	_ =	swait.ge @!p0 [sflag:s8], $0x0  }
0x24: {  	s3 =	sadd.s32 $0x88, s3;
	s6 =	simm.s32 @!p1 $0x1082;
	[sflag:s4] =	ssyncset.s32 $0xFFFFF086  }
0x25: {  	[simem:s6], [sflag:s4] =	dma.local [hbm:s3], $0xF7A  }
0x26: {  	[smem:$0x3F9F] =	sst s1;
	(tag) =	ssettag s2;
	_ =	strace s9  }
0x27: {  	s1 =	sld [smem:$0x3FAF]  }
0x28: {  	s2 =	sld [smem:$0x3FB0]  }
0x29: {  	s4 =	sld [smem:$0x3FB2]  }
0x2a: {  	p0 =	seq.s32 s5, $0x0;
	s5 =	sld [smem:$0x3FB3]  }
0x2b: {  	s6 =	sld [smem:$0x3FB4]  }
0x2c: {  	s7 =	sld [smem:$0x3FB5]  }
0x2d: {  	s3 =	simm.s32 $0x108;
	s8 =	sld [smem:$0x3FB6]  }
0x2e: {  	s3 =	simm.s32 @!p0 $0x1082;
	s9 =	sld [smem:$0x3FB7]  }
0x2f: {  	lr =	sadd.s32 s0, s3;
	s0 =	sld [smem:$0x3FAE]  }
0x30: {  	s3 =	sld [smem:$0x3FB1]  }
0x31: {  	[smem:$0x3FBA] =	sst s10  }
0x32: {  	s10 =	sld [smem:$0x3FB8];
	_ =	sdelay $0x3  }
0x33: {  	p0 =	seq.s32 s10, $0x1;
	s10 =	sld [smem:$0x3FBA];
	_ =	sdelay $0x3  }
0x34: {  	[smem:$0x3FBA] =	sst s10  }
0x35: {  	s10 =	sld [smem:$0x3FB9];
	_ =	sdelay $0x3  }
0x36: {  	p1 =	seq.s32 s10, $0x1;
	s10 =	sld [smem:$0x3FBA];
	_ =	sdelay $0x3  }
0x37: {  	[smem:$0x3FBA] =	sst s10  }
0x38: {  	s10 =	sld [smem:$0x3FBB]  }
0x39: {  	_ = 	snop;
	(pc) =	sbr.ind lr, $3  }
0x3a: {  	_ = 	snop  }
0x3b: {  	_ = 	snop  }
0x3c: {  	p2 =	seq.s32 s10, $0x1;
	s10 =	sld [smem:$0x3FBA]  }
0x3d: {  	_ =	shalt  }
0x3e: {  	_ =	shalt  }
0x3f: {  	_ =	shalt  }
0x40: {  	_ =	shalt  }
0x41: {  	_ =	shalt  }
0x42: {  	_ =	shalt  }
0x43: {  	_ =	shalt  }
0x44: {  	_ =	shalt  }
0x45: {  	_ =	shalt  }
0x46: {  	_ =	shalt  }
0x47: {  	_ =	shalt  }
0x48: {  	_ =	shalt  }
0x49: {  	_ =	shalt  }
0x4a: {  	_ =	shalt  }
0x4b: {  	_ =	shalt  }
0x4c: {  	_ =	shalt  }
0x4d: {  	_ =	shalt  }
0x4e: {  	_ =	shalt  }
0x4f: {  	_ =	shalt  }
0x50: {  	_ =	shalt  }
0x51: {  	_ =	shalt  }
0x52: {  	_ =	shalt  }
0x53: {  	_ =	shalt  }
0x54: {  	_ =	shalt  }
0x55: {  	_ =	shalt  }
0x56: {  	_ =	shalt  }
0x57: {  	_ =	shalt  }
0x58: {  	_ =	shalt  }
0x59: {  	_ =	shalt  }
0x5a: {  	_ =	shalt  }
0x5b: {  	_ =	shalt  }
0x5c: {  	_ =	shalt  }
0x5d: {  	_ =	shalt  }
0x5e: {  	_ =	shalt  }
0x5f: {  	_ =	shalt  }
0x60: {  	_ =	shalt  }
0x61: {  	_ =	shalt  }
0x62: {  	_ =	shalt  }
0x63: {  	_ =	shalt  }
0x64: {  	_ =	shalt  }
0x65: {  	_ =	shalt  }
0x66: {  	_ =	shalt  }
0x67: {  	_ =	shalt  }
0x68: {  	_ =	shalt  }
0x69: {  	_ =	shalt  }
0x6a: {  	_ =	shalt  }
0x6b: {  	_ =	shalt  }
0x6c: {  	_ =	shalt  }
0x6d: {  	_ =	shalt  }
0x6e: {  	_ =	shalt  }
0x6f: {  	_ =	shalt  }
0x70: {  	_ =	shalt  }
0x71: {  	_ =	shalt  }
0x72: {  	_ =	shalt  }
0x73: {  	_ =	shalt  }
0x74: {  	_ =	shalt  }
0x75: {  	_ =	shalt  }
0x76: {  	_ =	shalt  }
0x77: {  	_ =	shalt  }
0x78: {  	_ =	shalt  }
0x79: {  	_ =	shalt  }
0x7a: {  	_ =	shalt  }
0x7b: {  	_ =	shalt  }
0x7c: {  	_ =	shalt  }
0x7d: {  	_ =	shalt  }
0x7e: {  	_ =	shalt  }
0x7f: {  	_ =	shalt  }
0x80: {  	_ =	shalt  }
0x81: {  	_ =	shalt  }
0x82: {  	_ =	shalt  }
0x83: {  	_ =	shalt  }
0x84: {  	_ =	shalt  }
0x85: {  	_ =	shalt  }
0x86: {  	_ =	shalt  }
0x87: {  	_ =	shalt  }
.Lfunc_end0:
.L_simem_size_0:
called_computation_lowered:
.L_overlay_start_0:
0x88: {  	s2 =	sld [smem:$0x3FD9]  }
0x89: {  	s3 =	sld [smem:$0x3FFE];
	_ =	sdelay $0x1  }
0x8a: {  	s1 =	srdreg.scid  }
0x8b: {  	s0 =	sand.u32 $0x1, s1  }
0x8c: {  	s17 =	sshll.u32 s0, $0xA;
	s2 =	sadd.s32 s3, s2  }
0x8d: {  	s2 =	sadd.s32 s2, s17  }
0x8e: {  	[smem:$0x3FC6] =	sst s2  }
0x8f: {  	_ = 	snop  }
0x90: {  	s2 =	sld [smem:$0x3FD0];
	(tm) =	ssettm $0x1  }
0x91: {  	s18 =	sld [smem:$0x3FFB];
	_ =	sdelay $0x3  }
0x92: {  	_ =	strace s18  }
0x93: {  	s3 =	sld [smem:$0x3FFC];
	_ =	sdelay $0x3  }
0x94: {  	_ =	strace s3  }
0x95: {  	s3 =	sld [smem:$0x3FFD];
	_ =	sdelay $0x3  }
0x96: {  	_ =	strace s3  }
0x97: {  	_ =	strace $0x8FFFFFFF  }
0x98: {  	s19 =	sld [smem:$0x3FDB];
	_ =	sdelay $0x1  }
0x99: {  	s4 =	simm.s32 $_scs_section_size  }
0x9a: {  	s5 =	simm.s32 $_size__tile_overlayer_lowered;
	s6 =	simm.s32 $_tile_overlayer_lowered  }
0x9b: {  	s22 =	simm.s32 $0x1BFF;
	s21 =	sshll.u32 s6, $0x1;
	s3 =	sadd.s32 s4, s19  }
0x9c: {  	s7 =	simm.s32 $0x0;
	s20 =	sshll.u32 s5, $0x1;
	s5 =	sadd.s32 s21, s3  }
0x9d: {  	[timem:s7], [sflag:s22] =	dma.local [hbm:s5], s20  }
0x9e: {  	_ =	swait.ge [sflag:s22], s20  }
0x9f: {  	s4 =	ssub.s32 $0x0, s20;
	[sflag:s22] =	ssyncset.done $0x0  }
0xa0: {  	[sflag:s22] =	ssyncadd.s32 s4;
	_ =	sdelay $0x1  }
0xa1: {  	s23 =	simm.s32 $0x1B8B  }
0xa2: {  	_ =	swait.ge [sflag:s23], $0x1  }
0xa3: {  	[sflag:s23] =	ssyncset.done $0x0  }
0xa4: {  	s25 =	simm.s32 $0x1B8E;
	s24 =	sld [smem:$0x3FFE];
	[sflag:s23] =	ssyncadd.s32 $0xFFFFFFFF  }
0xa5: {  	s26 =	simm.s32 $execute0_lowered;
	[smem:$0x3FD2] =	sst s25  }
0xa6: {  	s5 =	sshll.u32 s26, $0x1;
	_ =	strace $0x80000046;
	[dreg:$0x1] =	wrdreg $0xFFFFFFFF  }
0xa7: {  	s28 =	simm.s32 $_size_execute0_lowered;
	s3 =	sadd.s32 s3, s5;
	[dreg:$0x0] =	wrdreg $0x0  }
0xa8: {  	s5 =	sshll.u32 s28, $0x1;
	[dreg:$0x2] =	wrdreg s3  }
0xa9: {  	[dreg:$0x3] =	wrdreg s5  }
0xaa: {  	[dreg:$0x4] =	wrdreg $0xC0  }
0xab: {  	_ =	task [dreg:s7], $0x5FFFF  }
0xac: {  	[dreg:$0x1] =	wrdreg $0xFFFFFFFF  }
0xad: {  	[dreg:$0x0] =	wrdreg $0x60  }
0xae: {  	[dreg:$0x2] =	wrdreg s24  }
0xaf: {  	[dreg:$0x3] =	wrdreg s2  }
0xb0: {  	[dreg:$0x4] =	wrdreg $0x9  }
0xb1: {  	_ =	task.clear_ibuf [dreg:s7], $0x5FFFF;
	_ =	strace $0x90000046  }
0xb2: {  	s29 =	simm.s32 $0x9;
	_ =	strace $0x80000048  }
0xb3: {  	_ =	swait.ge [sflag:s29], $0x1  }
0xb4: {  	[sflag:s29] =	ssyncadd.s32 $0xFFFFFFFF  }
0xb5: {  	_ =	strace $0x90000048  }
0xb6: {  	_ =	sfence  }
0xb7: {  	s30 =	sld [smem:$0x0];
	_ =	sdelay $0x2  }
0xb8: {  	s31 =	sshll.u32 s1, $0xD;
	s1 =	sshrl.u32 s1, $0x2  }
0xb9: {  	s3 =	sand.u32 $0x4000, s31;
	s1 =	sadd.s32 s1, s30  }
0xba: {  	s0 =	sor.u32 s3, s0;
	s1 =	sshll.u32 s1, $0x11  }
0xbb: {  	s0 =	sor.u32 s1, s0  }
0xbc: {  	s0 =	sadd.s32 $0x8F2B, s0  }
0xbd: {  	[sflag:s0] =	ssyncadd.remote.s32 $0x1  }
0xbe: {  	_ =	sfence.sel $0xFFFF  }
0xbf: {  	[dreg:$0x0] =	wrdreg $0xFFFFFFFF;
	(pc) =	sbr.abs _section_cstart, $3  }
0xc0: {  	[dreg:$0x1] =	wrdreg $0xFFFFFFFF  }
0xc1: {  	_ =	task.clear_ibuf [dreg:s7], $0x2FFFF;
	_ =	strace $0x9FFFFFFF  }
0xc2: {  	(tm) =	ssettm $0x7FFFFFFF  }
0xc3: {  	_ =	shalt  }
tec
execute0_lowered:
.L_overlay_start_1:
0x0: {  	(tag) =	ssettag $0x1  }
0x1: {  	s0 =	rddreg [dreg:$0x0]  }
0x2: {  	s1 =	rddreg [dreg:$0x1];
	s2 =	simm.s32 $0x0  }
0x3: {  	s25 =	srdreg.scid;
	s3 =	stileid.u32;
	s11 =	simm.s32 $0x50  }
0x4: {  	s31 =	simm.s32 $0x320;
	s15 =	simm.s32 $0xF640;
	s16 =	simm.s32 $0x410  }
0x5: {  	s17 =	simm.s32 $0x10A40;
	s18 =	simm.s32 $0x460;
	s19 =	simm.s32 $0x11E40  }
0x6: {  	s20 =	simm.s32 $0x4B0;
	s21 =	simm.s32 $0x13240;
	s22 =	simm.s32 $0x500  }
0x7: {  	s23 =	simm.s32 $0x14640;
	s24 =	simm.s32 $0x550;
	s28 =	simm.s32 $0x16E40  }
0x8: {  	s29 =	simm.s32 $0x5F0;
	s30 =	simm.s32 $0x18240;
	s9 =	simm.s32 $0x0  }
0x9: {  	[smem:$0x7FF] =	sst s2;
	s2 =	sand.u32 $0x1, s25;
	s4 =	sshll.u32 s3, $0x1  }
0xa: {  	s3 =	sadd.s32 $0x600, s0;
	s25 =	simm.s32 $0x15A40;
	s5 =	ssub.s32 $0x2, s2  }
0xb: {  	_ =	strace $0x80000047;
	s2 =	sor.u32 s2, s4;
	s26 =	sshrl.u32 s5, $0x1  }
0xc: {  	s4 =	sadd.s32 $0xF42A00, s0;
	s6 =	smul.u32 $0x3200, s2;
	s0 =	ssub.s32 s5, s26  }
0xd: {  	s5 =	sshll.u32 s2, $0x9;
	s2 =	sshll.u32 s2, $0xC;
	s26 =	simm.s32 $0x5A0  }
0xe: {  	s6 =	sadd.s32 s3, s6;
	s7 =	sor.u32 $0x8, s5;
	s8 =	sadd.s32 s1, s2  }
0xf: {  	s0 =	smax.u32 s0, $0x1;
	s2 =	simm.s32 $0x1;
	[dreg:$0x3] =	wrdreg s6  }
0x10: {  	[dreg:$0x4] =	wrdreg s0;
	s0 =	simm.s32 $0x4;
	s6 =	simm.s32 $0x2  }
.LBB2_1:
0x11: {  	[dreg:$0x5] =	wrdreg s9  }
0x12: {  	s1 =	simm.s32 $0x0;
	s12 =	rddreg [dreg:$0x3];
	s13 =	simm.s32 $0x3  }
0x13: {  	[tilespmem:s1], [sflag:$0x3] =	stream.linear.gather [hbm4b:s12+s1], $0x320, $0x38;
	[tilespmem:$0x1A640] =	vst v63  }
0x14: {  	_ =	swait.ge [sflag:s13], $0x320  }
0x15: {  	[sflag:s13] =	ssyncset.done $0x0  }
0x16: {  	s14 =	simm.s32 $0x640;
	[sflag:s13] =	ssyncadd.s32 $0xFFFFFCE0  }
0x17: {  	[tilespmem:s14], [sflag:$0x1] =	stream.indirect.gather [hbm4b:s4+s11], $0x40, s1, s11, $0xb8;
	[tilespmem:$0x1A640] =	vst v63  }
0x18: {  	s9 =	simm.s32 $0x1A40  }
0x19: {  	[tilespmem:s9], [sflag:$0x1] =	stream.indirect.gather [hbm4b:s4+s11], $0x40, s11, s11, $0xb8;
	[tilespmem:$0x1A640] =	vst v63  }
0x1a: {  	s10 =	simm.s32 $0xA0;
	s12 =	simm.s32 $0x2E40  }
0x1b: {  	[tilespmem:s12], [sflag:$0x1] =	stream.indirect.gather [hbm4b:s4+s11], $0x40, s10, s11, $0xb8;
	[tilespmem:$0x1A640] =	vst v63  }
0x1c: {  	s13 =	simm.s32 $0xF0;
	s14 =	simm.s32 $0x4240  }
0x1d: {  	[tilespmem:s14], [sflag:$0x1] =	stream.indirect.gather [hbm4b:s4+s11], $0x40, s13, s11, $0xb8;
	[tilespmem:$0x1A640] =	vst v63  }
0x1e: {  	s10 =	simm.s32 $0x140;
	s12 =	simm.s32 $0x5640  }
0x1f: {  	[tilespmem:s12], [sflag:$0x1] =	stream.indirect.gather [hbm4b:s4+s11], $0x40, s10, s11, $0xb8;
	[tilespmem:$0x1A640] =	vst v63  }
0x20: {  	s13 =	simm.s32 $0x190;
	s14 =	simm.s32 $0x6A40  }
0x21: {  	[tilespmem:s14], [sflag:$0x1] =	stream.indirect.gather [hbm4b:s4+s11], $0x40, s13, s11, $0xb8;
	[tilespmem:$0x1A640] =	vst v63  }
0x22: {  	s10 =	simm.s32 $0x1E0;
	s12 =	simm.s32 $0x7E40  }
0x23: {  	[tilespmem:s12], [sflag:$0x1] =	stream.indirect.gather [hbm4b:s4+s11], $0x40, s10, s11, $0xb8;
	[tilespmem:$0x1A640] =	vst v63  }
0x24: {  	s13 =	simm.s32 $0x230;
	s14 =	simm.s32 $0x9240  }
0x25: {  	[tilespmem:s14], [sflag:$0x1] =	stream.indirect.gather [hbm4b:s4+s11], $0x40, s13, s11, $0xb8;
	[tilespmem:$0x1A640] =	vst v63  }
0x26: {  	s10 =	simm.s32 $0x280;
	s12 =	simm.s32 $0xA640  }
0x27: {  	[tilespmem:s12], [sflag:$0x1] =	stream.indirect.gather [hbm4b:s4+s11], $0x40, s10, s11, $0xb8;
	[tilespmem:$0x1A640] =	vst v63  }
0x28: {  	s13 =	simm.s32 $0x2D0;
	s14 =	simm.s32 $0xBA40;
	s10 =	simm.s32 $0x0  }
0x29: {  	[tilespmem:s14], [sflag:$0x1] =	stream.indirect.gather [hbm4b:s4+s11], $0x40, s13, s11, $0xb8;
	[tilespmem:$0x1A640] =	vst v63  }
.LBB2_2:
0x2a: {  	s1 =	sshll.u32 s10, $0x3  }
0x2b: {  	s9 =	sor.u32 $0x4, s1  }
0x2c: {  	s12 =	sadd.s32 s5, s9  }
0x2d: {  	s12 =	smul.u32 $0x19, s12;
	_ =	sdelay $0x1  }
0x2e: {  	s13 =	simm.s32 $0x0;
	s12 =	sadd.s32 s3, s12  }
0x2f: {  	[tilespmem:s31], [sflag:$0x4] =	stream.linear.gather [hbm4b:s12+s13], $0x320, $0x38;
	[tilespmem:$0x1A640] =	vst v63  }
0x30: {  	_ =	swait.ge [sflag:s0], $0x320  }
0x31: {  	[sflag:s0] =	ssyncset.done $0x0  }
0x32: {  	s14 =	simm.s32 $0xCE40;
	[sflag:s0] =	ssyncadd.s32 $0xFFFFFCE0  }
0x33: {  	[tilespmem:s14], [sflag:$0x2] =	stream.indirect.gather [hbm4b:s4+s11], $0x40, s31, s11, $0xb8;
	[tilespmem:$0x1A640] =	vst v63  }
0x34: {  	s13 =	simm.s32 $0x370;
	s14 =	simm.s32 $0xE240  }
0x35: {  	[tilespmem:s14], [sflag:$0x2] =	stream.indirect.gather [hbm4b:s4+s11], $0x40, s13, s11, $0xb8;
	[tilespmem:$0x1A640] =	vst v63  }
0x36: {  	s14 =	simm.s32 $0x3C0  }
0x37: {  	[tilespmem:s15], [sflag:$0x2] =	stream.indirect.gather [hbm4b:s4+s11], $0x40, s14, s11, $0xb8;
	[tilespmem:$0x1A640] =	vst v63  }
0x38: {  	_ = 	snop  }
0x39: {  	[tilespmem:s17], [sflag:$0x2] =	stream.indirect.gather [hbm4b:s4+s11], $0x40, s16, s11, $0xb8;
	[tilespmem:$0x1A640] =	vst v63  }
0x3a: {  	_ = 	snop  }
0x3b: {  	[tilespmem:s19], [sflag:$0x2] =	stream.indirect.gather [hbm4b:s4+s11], $0x40, s18, s11, $0xb8;
	[tilespmem:$0x1A640] =	vst v63  }
0x3c: {  	_ = 	snop  }
0x3d: {  	[tilespmem:s21], [sflag:$0x2] =	stream.indirect.gather [hbm4b:s4+s11], $0x40, s20, s11, $0xb8;
	[tilespmem:$0x1A640] =	vst v63  }
0x3e: {  	_ = 	snop  }
0x3f: {  	[tilespmem:s23], [sflag:$0x2] =	stream.indirect.gather [hbm4b:s4+s11], $0x40, s22, s11, $0xb8;
	[tilespmem:$0x1A640] =	vst v63  }
0x40: {  	_ = 	snop  }
0x41: {  	[tilespmem:s25], [sflag:$0x2] =	stream.indirect.gather [hbm4b:s4+s11], $0x40, s24, s11, $0xb8;
	[tilespmem:$0x1A640] =	vst v63  }
0x42: {  	_ = 	snop  }
0x43: {  	[tilespmem:s28], [sflag:$0x2] =	stream.indirect.gather [hbm4b:s4+s11], $0x40, s26, s11, $0xb8;
	[tilespmem:$0x1A640] =	vst v63  }
0x44: {  	_ = 	snop  }
0x45: {  	[tilespmem:s30], [sflag:$0x2] =	stream.indirect.gather [hbm4b:s4+s11], $0x40, s29, s11, $0xb8;
	[tilespmem:$0x1A640] =	vst v63  }
0x46: {  	_ =	swait.ge [sflag:s2], $0x1400  }
0x47: {  	[sflag:s2] =	ssyncset.done $0x0  }
0x48: {  	[sflag:s2] =	ssyncadd.s32 $0xFFFFEC00  }
0x49: {  	_ =	swait.ge [sflag:s2], $0x1400  }
0x4a: {  	[sflag:s2] =	ssyncset.done $0x0  }
0x4b: {  	[sflag:s2] =	ssyncadd.s32 $0xFFFFEC00  }
0x4c: {  	_ =	swait.ge [sflag:s2], $0x1400  }
0x4d: {  	[sflag:s2] =	ssyncset.done $0x0  }
0x4e: {  	[sflag:s2] =	ssyncadd.s32 $0xFFFFEC00  }
0x4f: {  	_ =	swait.ge [sflag:s2], $0x1400  }
0x50: {  	[sflag:s2] =	ssyncset.done $0x0  }
0x51: {  	[sflag:s2] =	ssyncadd.s32 $0xFFFFEC00  }
0x52: {  	_ =	swait.ge [sflag:s2], $0x1400  }
0x53: {  	[sflag:s2] =	ssyncset.done $0x0  }
0x54: {  	[sflag:s2] =	ssyncadd.s32 $0xFFFFEC00  }
0x55: {  	_ =	swait.ge [sflag:s2], $0x1400  }
0x56: {  	[sflag:s2] =	ssyncset.done $0x0  }
0x57: {  	[sflag:s2] =	ssyncadd.s32 $0xFFFFEC00  }
0x58: {  	_ =	swait.ge [sflag:s2], $0x1400  }
0x59: {  	[sflag:s2] =	ssyncset.done $0x0  }
0x5a: {  	[sflag:s2] =	ssyncadd.s32 $0xFFFFEC00  }
0x5b: {  	_ =	swait.ge [sflag:s2], $0x1400  }
0x5c: {  	[sflag:s2] =	ssyncset.done $0x0  }
0x5d: {  	[sflag:s2] =	ssyncadd.s32 $0xFFFFEC00  }
0x5e: {  	_ =	swait.ge [sflag:s2], $0x1400  }
0x5f: {  	[sflag:s2] =	ssyncset.done $0x0  }
0x60: {  	[sflag:s2] =	ssyncadd.s32 $0xFFFFEC00  }
0x61: {  	_ =	swait.ge [sflag:s2], $0x1400  }
0x62: {  	[sflag:s2] =	ssyncset.done $0x0  }
0x63: {  	s12 =	simm.s32 $0x0;
	[sflag:s2] =	ssyncadd.s32 $0xFFFFEC00  }
0x64: {  	v0 =	vld [tilespmem:s12+$0x800]  }
0x65: {  	v1 =	vld [tilespmem:s12+$0x810]  }
0x66: {  	v2 =	vld [tilespmem:s12+$0x7C0]  }
0x67: {  	v3 =	vld [tilespmem:s12+$0x7D0]  }
0x68: {  	v4 =	vld [tilespmem:s12+$0x780]  }
0x69: {  	v5 =	vld [tilespmem:s12+$0x790]  }
0x6a: {  	v6 =	vld [tilespmem:s12+$0x740]  }
0x6b: {  	v7 =	vld [tilespmem:s12+$0x750]  }
0x6c: {  	v9 =	vld [tilespmem:s12+$0x700]  }
0x6d: {  	v8 =	vld [tilespmem:s12+$0x710]  }
0x6e: {  	v11 =	vld [tilespmem:s12+$0x6C0]  }
0x6f: {  	v10 =	vld [tilespmem:s12+$0x6D0]  }
0x70: {  	v17 =	vld [tilespmem:s12+$0x680]  }
0x71: {  	v16 =	vld [tilespmem:s12+$0x690]  }
0x72: {  	v19 =	vld [tilespmem:s12+$0x640]  }
0x73: {  	v12 =	vimm.f32 $0.0e+00;
	v20 =	vld [tilespmem:s12+$0x650]  }
0x74: {  	v15 =	vimm.f32 $0.0e+00;
	v14 =	vimm.f32 $0.0e+00;
	v13 =	vimm.f32 $0.0e+00;
	s13 =	simm.s32 $0x800;
	v18 =	vld [tilespmem:s12+$0x660]  }
.LBB2_3:
0x75: {  	p0 =	sne.s32 s13, $0xC000;
	v21 =	vld [tilespmem:s12+$0x670]  }
0x76: {  	v22 =	vld [tilespmem:s12+$0x6A0]  }
0x77: {  	v23 =	vld [tilespmem:s12+$0x6B0]  }
0x78: {  	v24 =	vld [tilespmem:s12+$0x6E0]  }
0x79: {  	v12 =	vadd.f32 v19, v12;
	v15 =	vadd.f32 v20, v15;
	v19 =	vld [tilespmem:s12+$0x6F0]  }
0x7a: {  	v14 =	vadd.f32 v18, v14;
	v13 =	vadd.f32 v21, v13;
	v18 =	vld [tilespmem:s12+$0x720]  }
0x7b: {  	v12 =	vadd.f32 v17, v12;
	v15 =	vadd.f32 v16, v15;
	v16 =	vld [tilespmem:s12+$0x730]  }
0x7c: {  	v14 =	vadd.f32 v22, v14;
	v13 =	vadd.f32 v23, v13;
	v17 =	vld [tilespmem:s12+$0x760]  }
0x7d: {  	v11 =	vadd.f32 v11, v12;
	v10 =	vadd.f32 v10, v15;
	v12 =	vld [tilespmem:s12+$0x770]  }
0x7e: {  	v14 =	vadd.f32 v24, v14;
	v13 =	vadd.f32 v19, v13;
	v15 =	vld [tilespmem:s12+$0x7A0]  }
0x7f: {  	v9 =	vadd.f32 v9, v11;
	v8 =	vadd.f32 v8, v10;
	v10 =	vld [tilespmem:s12+$0x7B0]  }
0x80: {  	v11 =	vadd.f32 v18, v14;
	v13 =	vadd.f32 v16, v13;
	v14 =	vld [tilespmem:s12+$0x7E0]  }
0x81: {  	v6 =	vadd.f32 v6, v9;
	v7 =	vadd.f32 v7, v8;
	v8 =	vld [tilespmem:s12+$0x7F0]  }
0x82: {  	v9 =	vadd.f32 v17, v11;
	v11 =	vadd.f32 v12, v13;
	v13 =	vld [tilespmem:s12+$0x820]  }
0x83: {  	v4 =	vadd.f32 v4, v6;
	v5 =	vadd.f32 v5, v7;
	v6 =	vld [tilespmem:s12+$0x830];
	s12 =	sshra.s32 s13, $0x2  }
0x84: {  	v9 =	vadd.f32 v15, v9;
	v7 =	vld [tilespmem:s12+$0x800];
	v10 =	vadd.f32 v10, v11  }
0x85: {  	v4 =	vadd.f32 v2, v4;
	v5 =	vadd.f32 v3, v5;
	v11 =	vld [tilespmem:s12+$0x810]  }
0x86: {  	v9 =	vadd.f32 v14, v9;
	v2 =	vld [tilespmem:s12+$0x7C0];
	v8 =	vadd.f32 v8, v10  }
0x87: {  	v12 =	vadd.f32 v0, v4;
	v15 =	vadd.f32 v1, v5;
	v3 =	vld [tilespmem:s12+$0x7D0]  }
0x88: {  	v14 =	vadd.f32 v13, v9;
	v4 =	vld [tilespmem:s12+$0x780];
	v13 =	vadd.f32 v6, v8  }
0x89: {  	v5 =	vld [tilespmem:s12+$0x790];
	v0 =	vmov v7  }
0x8a: {  	v6 =	vld [tilespmem:s12+$0x740];
	v1 =	vmov v11  }
0x8b: {  	v7 =	vld [tilespmem:s12+$0x750]  }
0x8c: {  	v9 =	vld [tilespmem:s12+$0x700]  }
0x8d: {  	v8 =	vld [tilespmem:s12+$0x710]  }
0x8e: {  	v11 =	vld [tilespmem:s12+$0x6C0]  }
0x8f: {  	v10 =	vld [tilespmem:s12+$0x6D0]  }
.Ltmp0:
0x90: {  	v17 =	vld [tilespmem:s12+$0x680];
	(pc) =	sbr.rel @p0 .LBB2_3-.Ltmp0, $4  }
0x91: {  	v16 =	vld [tilespmem:s12+$0x690]  }
0x92: {  	v19 =	vld [tilespmem:s12+$0x640]  }
0x93: {  	v20 =	vld [tilespmem:s12+$0x650]  }
0x94: {  	s13 =	sadd.s32 $0x800, s13;
	v18 =	vld [tilespmem:s12+$0x660]  }
0x95: {  	v21 =	vld [tilespmem:s12+$0x670]  }
0x96: {  	v22 =	vld [tilespmem:s12+$0x6A0]  }
0x97: {  	v23 =	vld [tilespmem:s12+$0x6B0];
	v12 =	vadd.f32 v19, v12  }
0x98: {  	v19 =	vld [tilespmem:s12+$0x6E0];
	v15 =	vadd.f32 v20, v15  }
0x99: {  	v20 =	vld [tilespmem:s12+$0x6F0];
	v14 =	vadd.f32 v18, v14;
	v12 =	vadd.f32 v17, v12  }
0x9a: {  	v17 =	vld [tilespmem:s12+$0x720];
	v13 =	vadd.f32 v21, v13;
	v15 =	vadd.f32 v16, v15  }
0x9b: {  	v16 =	vld [tilespmem:s12+$0x730];
	v14 =	vadd.f32 v22, v14;
	v11 =	vadd.f32 v11, v12  }
0x9c: {  	v12 =	vadd.f32 v23, v13;
	v13 =	vld [tilespmem:s12+$0x760];
	v10 =	vadd.f32 v10, v15  }
0x9d: {  	v15 =	vld [tilespmem:s12+$0x770];
	v14 =	vadd.f32 v19, v14;
	v9 =	vadd.f32 v9, v11  }
0x9e: {  	v11 =	vadd.f32 v20, v12;
	v12 =	vld [tilespmem:s12+$0x7A0];
	v8 =	vadd.f32 v8, v10  }
0x9f: {  	v10 =	vld [tilespmem:s12+$0x7B0];
	v14 =	vadd.f32 v17, v14;
	v6 =	vadd.f32 v6, v9  }
0xa0: {  	v9 =	vadd.f32 v16, v11;
	v11 =	vld [tilespmem:s12+$0x7E0];
	v7 =	vadd.f32 v7, v8  }
0xa1: {  	v8 =	vld [tilespmem:s12+$0x7F0];
	v13 =	vadd.f32 v13, v14;
	v4 =	vadd.f32 v4, v6  }
0xa2: {  	v6 =	vadd.f32 v15, v9;
	v9 =	vld [tilespmem:s12+$0x820];
	v5 =	vadd.f32 v5, v7  }
0xa3: {  	v7 =	vld [tilespmem:s12+$0x830];
	v12 =	vadd.f32 v12, v13;
	v2 =	vadd.f32 v2, v4  }
0xa4: {  	v4 =	vadd.f32 v10, v6;
	v3 =	vadd.f32 v3, v5  }
0xa5: {  	v5 =	vadd.f32 v11, v12;
	v0 =	vadd.f32 v0, v2  }
0xa6: {  	v2 =	vadd.f32 v8, v4;
	v1 =	vadd.f32 v1, v3  }
0xa7: {  	s14 =	sshll.u32 s10, $0x9;
	v3 =	vadd.f32 v9, v5;
	v0 =	vmul.f32 $4.999999890e-03, v0  }
0xa8: {  	s12 =	sand.u32 $0xE00, s14;
	v2 =	vadd.f32 v7, v2;
	v1 =	vmul.f32 $4.999999890e-03, v1  }
0xa9: {  	[tilespmem:s12+$0x19640] =	vst v0;
	v0 =	vmul.f32 $4.999999890e-03, v3  }
0xaa: {  	[tilespmem:s12+$0x19650] =	vst v1;
	v1 =	vmul.f32 $4.999999890e-03, v2  }
0xab: {  	[tilespmem:s12+$0x19660] =	vst v0  }
0xac: {  	s13 =	simm.s32 $0x0;
	[tilespmem:s12+$0x19670] =	vst v1  }
0xad: {  	v0 =	vld [tilespmem:s13+$0x3A00]  }
0xae: {  	v1 =	vld [tilespmem:s13+$0x3A10]  }
0xaf: {  	v2 =	vld [tilespmem:s13+$0x39C0]  }
0xb0: {  	v3 =	vld [tilespmem:s13+$0x39D0]  }
0xb1: {  	v4 =	vld [tilespmem:s13+$0x3980]  }
0xb2: {  	v5 =	vld [tilespmem:s13+$0x3990]  }
0xb3: {  	v6 =	vld [tilespmem:s13+$0x3940]  }
0xb4: {  	v7 =	vld [tilespmem:s13+$0x3950]  }
0xb5: {  	v9 =	vld [tilespmem:s13+$0x3900]  }
0xb6: {  	v8 =	vld [tilespmem:s13+$0x3910]  }
0xb7: {  	v11 =	vld [tilespmem:s13+$0x38C0]  }
0xb8: {  	v10 =	vld [tilespmem:s13+$0x38D0]  }
0xb9: {  	v17 =	vld [tilespmem:s13+$0x3880]  }
0xba: {  	v16 =	vld [tilespmem:s13+$0x3890]  }
0xbb: {  	v19 =	vld [tilespmem:s13+$0x3840]  }
0xbc: {  	v14 =	vimm.f32 $0.0e+00;
	v20 =	vld [tilespmem:s13+$0x3850]  }
0xbd: {  	s14 =	simm.s32 $0x800;
	v15 =	vimm.f32 $0.0e+00;
	v13 =	vimm.f32 $0.0e+00;
	v12 =	vimm.f32 $0.0e+00;
	v18 =	vld [tilespmem:s13+$0x3860]  }
.LBB2_5:
0xbe: {  	p0 =	sne.s32 s14, $0xC000;
	v21 =	vld [tilespmem:s13+$0x3870]  }
0xbf: {  	v22 =	vld [tilespmem:s13+$0x38A0]  }
0xc0: {  	v23 =	vld [tilespmem:s13+$0x38B0]  }
0xc1: {  	v24 =	vld [tilespmem:s13+$0x38E0]  }
0xc2: {  	v12 =	vadd.f32 v19, v12;
	v15 =	vadd.f32 v20, v15;
	v19 =	vld [tilespmem:s13+$0x38F0]  }
0xc3: {  	v14 =	vadd.f32 v18, v14;
	v13 =	vadd.f32 v21, v13;
	v18 =	vld [tilespmem:s13+$0x3920]  }
0xc4: {  	v12 =	vadd.f32 v17, v12;
	v15 =	vadd.f32 v16, v15;
	v16 =	vld [tilespmem:s13+$0x3930]  }
0xc5: {  	v14 =	vadd.f32 v22, v14;
	v13 =	vadd.f32 v23, v13;
	v17 =	vld [tilespmem:s13+$0x3960]  }
0xc6: {  	v11 =	vadd.f32 v11, v12;
	v10 =	vadd.f32 v10, v15;
	v12 =	vld [tilespmem:s13+$0x3970]  }
0xc7: {  	v14 =	vadd.f32 v24, v14;
	v13 =	vadd.f32 v19, v13;
	v15 =	vld [tilespmem:s13+$0x39A0]  }
0xc8: {  	v9 =	vadd.f32 v9, v11;
	v8 =	vadd.f32 v8, v10;
	v10 =	vld [tilespmem:s13+$0x39B0]  }
0xc9: {  	v11 =	vadd.f32 v18, v14;
	v13 =	vadd.f32 v16, v13;
	v14 =	vld [tilespmem:s13+$0x39E0]  }
0xca: {  	v6 =	vadd.f32 v6, v9;
	v7 =	vadd.f32 v7, v8;
	v8 =	vld [tilespmem:s13+$0x39F0]  }
0xcb: {  	v9 =	vadd.f32 v17, v11;
	v11 =	vadd.f32 v12, v13;
	v13 =	vld [tilespmem:s13+$0x3A20]  }
0xcc: {  	v4 =	vadd.f32 v4, v6;
	v5 =	vadd.f32 v5, v7;
	v6 =	vld [tilespmem:s13+$0x3A30];
	s13 =	sshra.s32 s14, $0x2  }
0xcd: {  	v9 =	vadd.f32 v15, v9;
	v7 =	vld [tilespmem:s13+$0x3A00];
	v10 =	vadd.f32 v10, v11  }
0xce: {  	v4 =	vadd.f32 v2, v4;
	v5 =	vadd.f32 v3, v5;
	v11 =	vld [tilespmem:s13+$0x3A10]  }
0xcf: {  	v9 =	vadd.f32 v14, v9;
	v2 =	vld [tilespmem:s13+$0x39C0];
	v8 =	vadd.f32 v8, v10  }
0xd0: {  	v12 =	vadd.f32 v0, v4;
	v15 =	vadd.f32 v1, v5;
	v3 =	vld [tilespmem:s13+$0x39D0]  }
0xd1: {  	v14 =	vadd.f32 v13, v9;
	v4 =	vld [tilespmem:s13+$0x3980];
	v13 =	vadd.f32 v6, v8  }
0xd2: {  	v5 =	vld [tilespmem:s13+$0x3990];
	v0 =	vmov v7  }
0xd3: {  	v6 =	vld [tilespmem:s13+$0x3940];
	v1 =	vmov v11  }
0xd4: {  	v7 =	vld [tilespmem:s13+$0x3950]  }
0xd5: {  	v9 =	vld [tilespmem:s13+$0x3900]  }
0xd6: {  	v8 =	vld [tilespmem:s13+$0x3910]  }
0xd7: {  	v11 =	vld [tilespmem:s13+$0x38C0]  }
0xd8: {  	v10 =	vld [tilespmem:s13+$0x38D0]  }
.Ltmp1:
0xd9: {  	v17 =	vld [tilespmem:s13+$0x3880];
	(pc) =	sbr.rel @p0 .LBB2_5-.Ltmp1, $4  }
0xda: {  	v16 =	vld [tilespmem:s13+$0x3890]  }
0xdb: {  	v19 =	vld [tilespmem:s13+$0x3840]  }
0xdc: {  	v20 =	vld [tilespmem:s13+$0x3850]  }
0xdd: {  	s14 =	sadd.s32 $0x800, s14;
	v18 =	vld [tilespmem:s13+$0x3860]  }
0xde: {  	v21 =	vld [tilespmem:s13+$0x3870]  }
0xdf: {  	v22 =	vld [tilespmem:s13+$0x38A0]  }
0xe0: {  	v23 =	vld [tilespmem:s13+$0x38B0];
	v12 =	vadd.f32 v19, v12  }
0xe1: {  	v19 =	vld [tilespmem:s13+$0x38E0];
	v15 =	vadd.f32 v20, v15  }
0xe2: {  	v20 =	vld [tilespmem:s13+$0x38F0];
	v14 =	vadd.f32 v18, v14;
	v12 =	vadd.f32 v17, v12  }
0xe3: {  	v17 =	vld [tilespmem:s13+$0x3920];
	v13 =	vadd.f32 v21, v13;
	v15 =	vadd.f32 v16, v15  }
0xe4: {  	v16 =	vld [tilespmem:s13+$0x3930];
	v14 =	vadd.f32 v22, v14;
	v11 =	vadd.f32 v11, v12  }
0xe5: {  	v12 =	vadd.f32 v23, v13;
	v13 =	vld [tilespmem:s13+$0x3960];
	v10 =	vadd.f32 v10, v15  }
0xe6: {  	v15 =	vld [tilespmem:s13+$0x3970];
	v14 =	vadd.f32 v19, v14;
	v9 =	vadd.f32 v9, v11  }
0xe7: {  	v11 =	vadd.f32 v20, v12;
	v12 =	vld [tilespmem:s13+$0x39A0];
	v8 =	vadd.f32 v8, v10  }
0xe8: {  	v10 =	vld [tilespmem:s13+$0x39B0];
	v14 =	vadd.f32 v17, v14;
	v6 =	vadd.f32 v6, v9  }
0xe9: {  	v9 =	vadd.f32 v16, v11;
	v11 =	vld [tilespmem:s13+$0x39E0];
	v7 =	vadd.f32 v7, v8  }
0xea: {  	v8 =	vld [tilespmem:s13+$0x39F0];
	v13 =	vadd.f32 v13, v14;
	v4 =	vadd.f32 v4, v6  }
0xeb: {  	v6 =	vadd.f32 v15, v9;
	v9 =	vld [tilespmem:s13+$0x3A20];
	v5 =	vadd.f32 v5, v7  }
0xec: {  	v7 =	vld [tilespmem:s13+$0x3A30];
	v12 =	vadd.f32 v12, v13;
	v2 =	vadd.f32 v2, v4  }
0xed: {  	v4 =	vadd.f32 v10, v6;
	v3 =	vadd.f32 v3, v5  }
0xee: {  	v5 =	vadd.f32 v11, v12;
	v0 =	vadd.f32 v0, v2  }
0xef: {  	v2 =	vadd.f32 v8, v4;
	v1 =	vadd.f32 v1, v3  }
0xf0: {  	v3 =	vadd.f32 v9, v5;
	v0 =	vmul.f32 $4.999999890e-03, v0  }
0xf1: {  	v2 =	vadd.f32 v7, v2;
	v1 =	vmul.f32 $4.999999890e-03, v1  }
0xf2: {  	[tilespmem:s12+$0x19680] =	vst v0;
	v0 =	vmul.f32 $4.999999890e-03, v3  }
0xf3: {  	[tilespmem:s12+$0x19690] =	vst v1;
	v1 =	vmul.f32 $4.999999890e-03, v2  }
0xf4: {  	[tilespmem:s12+$0x196A0] =	vst v0  }
0xf5: {  	s13 =	simm.s32 $0x0;
	[tilespmem:s12+$0x196B0] =	vst v1  }
0xf6: {  	v0 =	vld [tilespmem:s13+$0x6C00]  }
0xf7: {  	v1 =	vld [tilespmem:s13+$0x6C10]  }
0xf8: {  	v2 =	vld [tilespmem:s13+$0x6BC0]  }
0xf9: {  	v3 =	vld [tilespmem:s13+$0x6BD0]  }
0xfa: {  	v4 =	vld [tilespmem:s13+$0x6B80]  }
0xfb: {  	v5 =	vld [tilespmem:s13+$0x6B90]  }
0xfc: {  	v6 =	vld [tilespmem:s13+$0x6B40]  }
0xfd: {  	v7 =	vld [tilespmem:s13+$0x6B50]  }
0xfe: {  	v9 =	vld [tilespmem:s13+$0x6B00]  }
0xff: {  	v8 =	vld [tilespmem:s13+$0x6B10]  }
0x100: {  	v11 =	vld [tilespmem:s13+$0x6AC0]  }
0x101: {  	v10 =	vld [tilespmem:s13+$0x6AD0]  }
0x102: {  	v17 =	vld [tilespmem:s13+$0x6A80]  }
0x103: {  	v16 =	vld [tilespmem:s13+$0x6A90]  }
0x104: {  	v19 =	vld [tilespmem:s13+$0x6A40]  }
0x105: {  	v14 =	vimm.f32 $0.0e+00;
	v20 =	vld [tilespmem:s13+$0x6A50]  }
0x106: {  	s14 =	simm.s32 $0x800;
	v15 =	vimm.f32 $0.0e+00;
	v13 =	vimm.f32 $0.0e+00;
	v12 =	vimm.f32 $0.0e+00;
	v18 =	vld [tilespmem:s13+$0x6A60]  }
.LBB2_7:
0x107: {  	p0 =	sne.s32 s14, $0xC000;
	v21 =	vld [tilespmem:s13+$0x6A70]  }
0x108: {  	v22 =	vld [tilespmem:s13+$0x6AA0]  }
0x109: {  	v23 =	vld [tilespmem:s13+$0x6AB0]  }
0x10a: {  	v24 =	vld [tilespmem:s13+$0x6AE0]  }
0x10b: {  	v12 =	vadd.f32 v19, v12;
	v15 =	vadd.f32 v20, v15;
	v19 =	vld [tilespmem:s13+$0x6AF0]  }
0x10c: {  	v14 =	vadd.f32 v18, v14;
	v13 =	vadd.f32 v21, v13;
	v18 =	vld [tilespmem:s13+$0x6B20]  }
0x10d: {  	v12 =	vadd.f32 v17, v12;
	v15 =	vadd.f32 v16, v15;
	v16 =	vld [tilespmem:s13+$0x6B30]  }
0x10e: {  	v14 =	vadd.f32 v22, v14;
	v13 =	vadd.f32 v23, v13;
	v17 =	vld [tilespmem:s13+$0x6B60]  }
0x10f: {  	v11 =	vadd.f32 v11, v12;
	v10 =	vadd.f32 v10, v15;
	v12 =	vld [tilespmem:s13+$0x6B70]  }
0x110: {  	v14 =	vadd.f32 v24, v14;
	v13 =	vadd.f32 v19, v13;
	v15 =	vld [tilespmem:s13+$0x6BA0]  }
0x111: {  	v9 =	vadd.f32 v9, v11;
	v8 =	vadd.f32 v8, v10;
	v10 =	vld [tilespmem:s13+$0x6BB0]  }
0x112: {  	v11 =	vadd.f32 v18, v14;
	v13 =	vadd.f32 v16, v13;
	v14 =	vld [tilespmem:s13+$0x6BE0]  }
0x113: {  	v6 =	vadd.f32 v6, v9;
	v7 =	vadd.f32 v7, v8;
	v8 =	vld [tilespmem:s13+$0x6BF0]  }
0x114: {  	v9 =	vadd.f32 v17, v11;
	v11 =	vadd.f32 v12, v13;
	v13 =	vld [tilespmem:s13+$0x6C20]  }
0x115: {  	v4 =	vadd.f32 v4, v6;
	v5 =	vadd.f32 v5, v7;
	v6 =	vld [tilespmem:s13+$0x6C30];
	s13 =	sshra.s32 s14, $0x2  }
0x116: {  	v9 =	vadd.f32 v15, v9;
	v7 =	vld [tilespmem:s13+$0x6C00];
	v10 =	vadd.f32 v10, v11  }
0x117: {  	v4 =	vadd.f32 v2, v4;
	v5 =	vadd.f32 v3, v5;
	v11 =	vld [tilespmem:s13+$0x6C10]  }
0x118: {  	v9 =	vadd.f32 v14, v9;
	v2 =	vld [tilespmem:s13+$0x6BC0];
	v8 =	vadd.f32 v8, v10  }
0x119: {  	v12 =	vadd.f32 v0, v4;
	v15 =	vadd.f32 v1, v5;
	v3 =	vld [tilespmem:s13+$0x6BD0]  }
0x11a: {  	v14 =	vadd.f32 v13, v9;
	v4 =	vld [tilespmem:s13+$0x6B80];
	v13 =	vadd.f32 v6, v8  }
0x11b: {  	v5 =	vld [tilespmem:s13+$0x6B90];
	v0 =	vmov v7  }
0x11c: {  	v6 =	vld [tilespmem:s13+$0x6B40];
	v1 =	vmov v11  }
0x11d: {  	v7 =	vld [tilespmem:s13+$0x6B50]  }
0x11e: {  	v9 =	vld [tilespmem:s13+$0x6B00]  }
0x11f: {  	v8 =	vld [tilespmem:s13+$0x6B10]  }
0x120: {  	v11 =	vld [tilespmem:s13+$0x6AC0]  }
0x121: {  	v10 =	vld [tilespmem:s13+$0x6AD0]  }
.Ltmp2:
0x122: {  	v17 =	vld [tilespmem:s13+$0x6A80];
	(pc) =	sbr.rel @p0 .LBB2_7-.Ltmp2, $4  }
0x123: {  	v16 =	vld [tilespmem:s13+$0x6A90]  }
0x124: {  	v19 =	vld [tilespmem:s13+$0x6A40]  }
0x125: {  	v20 =	vld [tilespmem:s13+$0x6A50]  }
0x126: {  	s14 =	sadd.s32 $0x800, s14;
	v18 =	vld [tilespmem:s13+$0x6A60]  }
0x127: {  	v21 =	vld [tilespmem:s13+$0x6A70]  }
0x128: {  	v22 =	vld [tilespmem:s13+$0x6AA0]  }
0x129: {  	v23 =	vld [tilespmem:s13+$0x6AB0];
	v12 =	vadd.f32 v19, v12  }
0x12a: {  	v19 =	vld [tilespmem:s13+$0x6AE0];
	v15 =	vadd.f32 v20, v15  }
0x12b: {  	v20 =	vld [tilespmem:s13+$0x6AF0];
	v14 =	vadd.f32 v18, v14;
	v12 =	vadd.f32 v17, v12  }
0x12c: {  	v17 =	vld [tilespmem:s13+$0x6B20];
	v13 =	vadd.f32 v21, v13;
	v15 =	vadd.f32 v16, v15  }
0x12d: {  	v16 =	vld [tilespmem:s13+$0x6B30];
	v14 =	vadd.f32 v22, v14;
	v11 =	vadd.f32 v11, v12  }
0x12e: {  	v12 =	vadd.f32 v23, v13;
	v13 =	vld [tilespmem:s13+$0x6B60];
	v10 =	vadd.f32 v10, v15  }
0x12f: {  	v15 =	vld [tilespmem:s13+$0x6B70];
	v14 =	vadd.f32 v19, v14;
	v9 =	vadd.f32 v9, v11  }
0x130: {  	v11 =	vadd.f32 v20, v12;
	v12 =	vld [tilespmem:s13+$0x6BA0];
	v8 =	vadd.f32 v8, v10  }
0x131: {  	v10 =	vld [tilespmem:s13+$0x6BB0];
	v14 =	vadd.f32 v17, v14;
	v6 =	vadd.f32 v6, v9  }
0x132: {  	v9 =	vadd.f32 v16, v11;
	v11 =	vld [tilespmem:s13+$0x6BE0];
	v7 =	vadd.f32 v7, v8  }
0x133: {  	v8 =	vld [tilespmem:s13+$0x6BF0];
	v13 =	vadd.f32 v13, v14;
	v4 =	vadd.f32 v4, v6  }
0x134: {  	v6 =	vadd.f32 v15, v9;
	v9 =	vld [tilespmem:s13+$0x6C20];
	v5 =	vadd.f32 v5, v7  }
0x135: {  	v7 =	vld [tilespmem:s13+$0x6C30];
	v12 =	vadd.f32 v12, v13;
	v2 =	vadd.f32 v2, v4  }
0x136: {  	v4 =	vadd.f32 v10, v6;
	v3 =	vadd.f32 v3, v5  }
0x137: {  	v5 =	vadd.f32 v11, v12;
	v0 =	vadd.f32 v0, v2  }
0x138: {  	v2 =	vadd.f32 v8, v4;
	v1 =	vadd.f32 v1, v3  }
0x139: {  	v3 =	vadd.f32 v9, v5;
	v0 =	vmul.f32 $4.999999890e-03, v0  }
0x13a: {  	v2 =	vadd.f32 v7, v2;
	v1 =	vmul.f32 $4.999999890e-03, v1  }
0x13b: {  	[tilespmem:s12+$0x196C0] =	vst v0;
	v0 =	vmul.f32 $4.999999890e-03, v3  }
0x13c: {  	[tilespmem:s12+$0x196D0] =	vst v1;
	v1 =	vmul.f32 $4.999999890e-03, v2  }
0x13d: {  	[tilespmem:s12+$0x196E0] =	vst v0  }
0x13e: {  	s13 =	simm.s32 $0x0;
	[tilespmem:s12+$0x196F0] =	vst v1  }
0x13f: {  	v0 =	vld [tilespmem:s13+$0x9E00]  }
0x140: {  	v1 =	vld [tilespmem:s13+$0x9E10]  }
0x141: {  	v2 =	vld [tilespmem:s13+$0x9DC0]  }
0x142: {  	v3 =	vld [tilespmem:s13+$0x9DD0]  }
0x143: {  	v4 =	vld [tilespmem:s13+$0x9D80]  }
0x144: {  	v5 =	vld [tilespmem:s13+$0x9D90]  }
0x145: {  	v6 =	vld [tilespmem:s13+$0x9D40]  }
0x146: {  	v7 =	vld [tilespmem:s13+$0x9D50]  }
0x147: {  	v9 =	vld [tilespmem:s13+$0x9D00]  }
0x148: {  	v8 =	vld [tilespmem:s13+$0x9D10]  }
0x149: {  	v11 =	vld [tilespmem:s13+$0x9CC0]  }
0x14a: {  	v10 =	vld [tilespmem:s13+$0x9CD0]  }
0x14b: {  	v17 =	vld [tilespmem:s13+$0x9C80]  }
0x14c: {  	v16 =	vld [tilespmem:s13+$0x9C90]  }
0x14d: {  	v19 =	vld [tilespmem:s13+$0x9C40]  }
0x14e: {  	v14 =	vimm.f32 $0.0e+00;
	v20 =	vld [tilespmem:s13+$0x9C50]  }
0x14f: {  	s14 =	simm.s32 $0x800;
	v15 =	vimm.f32 $0.0e+00;
	v13 =	vimm.f32 $0.0e+00;
	v12 =	vimm.f32 $0.0e+00;
	v18 =	vld [tilespmem:s13+$0x9C60]  }
.LBB2_9:
0x150: {  	p0 =	sne.s32 s14, $0xC000;
	v21 =	vld [tilespmem:s13+$0x9C70]  }
0x151: {  	v22 =	vld [tilespmem:s13+$0x9CA0]  }
0x152: {  	v23 =	vld [tilespmem:s13+$0x9CB0]  }
0x153: {  	v24 =	vld [tilespmem:s13+$0x9CE0]  }
0x154: {  	v12 =	vadd.f32 v19, v12;
	v15 =	vadd.f32 v20, v15;
	v19 =	vld [tilespmem:s13+$0x9CF0]  }
0x155: {  	v14 =	vadd.f32 v18, v14;
	v13 =	vadd.f32 v21, v13;
	v18 =	vld [tilespmem:s13+$0x9D20]  }
0x156: {  	v12 =	vadd.f32 v17, v12;
	v15 =	vadd.f32 v16, v15;
	v16 =	vld [tilespmem:s13+$0x9D30]  }
0x157: {  	v14 =	vadd.f32 v22, v14;
	v13 =	vadd.f32 v23, v13;
	v17 =	vld [tilespmem:s13+$0x9D60]  }
0x158: {  	v11 =	vadd.f32 v11, v12;
	v10 =	vadd.f32 v10, v15;
	v12 =	vld [tilespmem:s13+$0x9D70]  }
0x159: {  	v14 =	vadd.f32 v24, v14;
	v13 =	vadd.f32 v19, v13;
	v15 =	vld [tilespmem:s13+$0x9DA0]  }
0x15a: {  	v9 =	vadd.f32 v9, v11;
	v8 =	vadd.f32 v8, v10;
	v10 =	vld [tilespmem:s13+$0x9DB0]  }
0x15b: {  	v11 =	vadd.f32 v18, v14;
	v13 =	vadd.f32 v16, v13;
	v14 =	vld [tilespmem:s13+$0x9DE0]  }
0x15c: {  	v6 =	vadd.f32 v6, v9;
	v7 =	vadd.f32 v7, v8;
	v8 =	vld [tilespmem:s13+$0x9DF0]  }
0x15d: {  	v9 =	vadd.f32 v17, v11;
	v11 =	vadd.f32 v12, v13;
	v13 =	vld [tilespmem:s13+$0x9E20]  }
0x15e: {  	v4 =	vadd.f32 v4, v6;
	v5 =	vadd.f32 v5, v7;
	v6 =	vld [tilespmem:s13+$0x9E30];
	s13 =	sshra.s32 s14, $0x2  }
0x15f: {  	v9 =	vadd.f32 v15, v9;
	v7 =	vld [tilespmem:s13+$0x9E00];
	v10 =	vadd.f32 v10, v11  }
0x160: {  	v4 =	vadd.f32 v2, v4;
	v5 =	vadd.f32 v3, v5;
	v11 =	vld [tilespmem:s13+$0x9E10]  }
0x161: {  	v9 =	vadd.f32 v14, v9;
	v2 =	vld [tilespmem:s13+$0x9DC0];
	v8 =	vadd.f32 v8, v10  }
0x162: {  	v12 =	vadd.f32 v0, v4;
	v15 =	vadd.f32 v1, v5;
	v3 =	vld [tilespmem:s13+$0x9DD0]  }
0x163: {  	v14 =	vadd.f32 v13, v9;
	v4 =	vld [tilespmem:s13+$0x9D80];
	v13 =	vadd.f32 v6, v8  }
0x164: {  	v5 =	vld [tilespmem:s13+$0x9D90];
	v0 =	vmov v7  }
0x165: {  	v6 =	vld [tilespmem:s13+$0x9D40];
	v1 =	vmov v11  }
0x166: {  	v7 =	vld [tilespmem:s13+$0x9D50]  }
0x167: {  	v9 =	vld [tilespmem:s13+$0x9D00]  }
0x168: {  	v8 =	vld [tilespmem:s13+$0x9D10]  }
0x169: {  	v11 =	vld [tilespmem:s13+$0x9CC0]  }
0x16a: {  	v10 =	vld [tilespmem:s13+$0x9CD0]  }
.Ltmp3:
0x16b: {  	v17 =	vld [tilespmem:s13+$0x9C80];
	(pc) =	sbr.rel @p0 .LBB2_9-.Ltmp3, $4  }
0x16c: {  	v16 =	vld [tilespmem:s13+$0x9C90]  }
0x16d: {  	v19 =	vld [tilespmem:s13+$0x9C40]  }
0x16e: {  	v20 =	vld [tilespmem:s13+$0x9C50]  }
0x16f: {  	s14 =	sadd.s32 $0x800, s14;
	v18 =	vld [tilespmem:s13+$0x9C60]  }
0x170: {  	v21 =	vld [tilespmem:s13+$0x9C70]  }
0x171: {  	v22 =	vld [tilespmem:s13+$0x9CA0]  }
0x172: {  	v23 =	vld [tilespmem:s13+$0x9CB0];
	v12 =	vadd.f32 v19, v12  }
0x173: {  	v19 =	vld [tilespmem:s13+$0x9CE0];
	v15 =	vadd.f32 v20, v15  }
0x174: {  	v20 =	vld [tilespmem:s13+$0x9CF0];
	v14 =	vadd.f32 v18, v14;
	v12 =	vadd.f32 v17, v12  }
0x175: {  	v17 =	vld [tilespmem:s13+$0x9D20];
	v13 =	vadd.f32 v21, v13;
	v15 =	vadd.f32 v16, v15  }
0x176: {  	v16 =	vld [tilespmem:s13+$0x9D30];
	v14 =	vadd.f32 v22, v14;
	v11 =	vadd.f32 v11, v12  }
0x177: {  	v12 =	vadd.f32 v23, v13;
	v13 =	vld [tilespmem:s13+$0x9D60];
	v10 =	vadd.f32 v10, v15  }
0x178: {  	v15 =	vld [tilespmem:s13+$0x9D70];
	v14 =	vadd.f32 v19, v14;
	v9 =	vadd.f32 v9, v11  }
0x179: {  	v11 =	vadd.f32 v20, v12;
	v12 =	vld [tilespmem:s13+$0x9DA0];
	v8 =	vadd.f32 v8, v10  }
0x17a: {  	v10 =	vld [tilespmem:s13+$0x9DB0];
	v14 =	vadd.f32 v17, v14;
	v6 =	vadd.f32 v6, v9  }
0x17b: {  	v9 =	vadd.f32 v16, v11;
	v11 =	vld [tilespmem:s13+$0x9DE0];
	v7 =	vadd.f32 v7, v8  }
0x17c: {  	v8 =	vld [tilespmem:s13+$0x9DF0];
	v13 =	vadd.f32 v13, v14;
	v4 =	vadd.f32 v4, v6  }
0x17d: {  	v6 =	vadd.f32 v15, v9;
	v9 =	vld [tilespmem:s13+$0x9E20];
	v5 =	vadd.f32 v5, v7  }
0x17e: {  	v7 =	vld [tilespmem:s13+$0x9E30];
	v12 =	vadd.f32 v12, v13;
	v2 =	vadd.f32 v2, v4  }
0x17f: {  	v4 =	vadd.f32 v10, v6;
	v3 =	vadd.f32 v3, v5  }
0x180: {  	v5 =	vadd.f32 v11, v12;
	v0 =	vadd.f32 v0, v2  }
0x181: {  	v2 =	vadd.f32 v8, v4;
	v1 =	vadd.f32 v1, v3  }
0x182: {  	v3 =	vadd.f32 v9, v5;
	v0 =	vmul.f32 $4.999999890e-03, v0  }
0x183: {  	p0 =	seq.s32 s10, $0x3F;
	v2 =	vadd.f32 v7, v2;
	v1 =	vmul.f32 $4.999999890e-03, v1  }
0x184: {  	s1 =	sadd.s32 @!p0 s1, s7;
	[tilespmem:s12+$0x19700] =	vst v0;
	v0 =	vmul.f32 $4.999999890e-03, v3  }
0x185: {  	s1 =	smul.u32 @!p0 $0x19, s1;
	[tilespmem:s12+$0x19710] =	vst v1;
	v1 =	vmul.f32 $4.999999890e-03, v2  }
0x186: {  	[tilespmem:s12+$0x19720] =	vst v0  }
0x187: {  	s1 =	sadd.s32 @!p0 s3, s1;
	[tilespmem:s12+$0x19730] =	vst v1;
	s12 =	simm.s32 @!p0 $0x0  }
0x188: {  	[tilespmem:s12], [sflag:$0x4] =	stream.linear.gather @!p0 [hbm4b:s1+s12], $0x320, $0x38;
	[tilespmem:$0x1A640] =	vst v63  }
0x189: {  	s1 =	simm.s32 @!p0 $0x4  }
0x18a: {  	_ =	swait.ge @!p0 [sflag:s1], $0x320  }
0x18b: {  	[sflag:s1] =	ssyncset.done @!p0 $0x0  }
0x18c: {  	s13 =	simm.s32 @!p0 $0x640;
	[sflag:s1] =	ssyncadd.s32 @!p0 $0xFFFFFCE0;
	s1 =	simm.s32 @!p0 $0x50  }
0x18d: {  	[tilespmem:s13], [sflag:$0x1] =	stream.indirect.gather @!p0 [hbm4b:s4+s1], $0x40, s12, s1, $0xb8;
	[tilespmem:$0x1A640] =	vst v63  }
0x18e: {  	s12 =	simm.s32 @!p0 $0x1A40  }
0x18f: {  	[tilespmem:s12], [sflag:$0x1] =	stream.indirect.gather @!p0 [hbm4b:s4+s1], $0x40, s1, s1, $0xb8;
	[tilespmem:$0x1A640] =	vst v63  }
0x190: {  	s13 =	simm.s32 @!p0 $0x2E40;
	s12 =	simm.s32 @!p0 $0xA0  }
0x191: {  	[tilespmem:s13], [sflag:$0x1] =	stream.indirect.gather @!p0 [hbm4b:s4+s1], $0x40, s12, s1, $0xb8;
	[tilespmem:$0x1A640] =	vst v63  }
0x192: {  	s12 =	simm.s32 @!p0 $0xF0;
	s13 =	simm.s32 @!p0 $0x4240  }
0x193: {  	[tilespmem:s13], [sflag:$0x1] =	stream.indirect.gather @!p0 [hbm4b:s4+s1], $0x40, s12, s1, $0xb8;
	[tilespmem:$0x1A640] =	vst v63  }
0x194: {  	s12 =	simm.s32 @!p0 $0x140;
	s13 =	simm.s32 @!p0 $0x5640  }
0x195: {  	[tilespmem:s13], [sflag:$0x1] =	stream.indirect.gather @!p0 [hbm4b:s4+s1], $0x40, s12, s1, $0xb8;
	[tilespmem:$0x1A640] =	vst v63  }
0x196: {  	s12 =	simm.s32 @!p0 $0x190;
	s13 =	simm.s32 @!p0 $0x6A40  }
0x197: {  	[tilespmem:s13], [sflag:$0x1] =	stream.indirect.gather @!p0 [hbm4b:s4+s1], $0x40, s12, s1, $0xb8;
	[tilespmem:$0x1A640] =	vst v63  }
0x198: {  	s12 =	simm.s32 @!p0 $0x1E0;
	s13 =	simm.s32 @!p0 $0x7E40  }
0x199: {  	[tilespmem:s13], [sflag:$0x1] =	stream.indirect.gather @!p0 [hbm4b:s4+s1], $0x40, s12, s1, $0xb8;
	[tilespmem:$0x1A640] =	vst v63  }
0x19a: {  	s12 =	simm.s32 @!p0 $0x230;
	s13 =	simm.s32 @!p0 $0x9240  }
0x19b: {  	[tilespmem:s13], [sflag:$0x1] =	stream.indirect.gather @!p0 [hbm4b:s4+s1], $0x40, s12, s1, $0xb8;
	[tilespmem:$0x1A640] =	vst v63  }
0x19c: {  	s12 =	simm.s32 @!p0 $0x280;
	s13 =	simm.s32 @!p0 $0xA640  }
0x19d: {  	[tilespmem:s13], [sflag:$0x1] =	stream.indirect.gather @!p0 [hbm4b:s4+s1], $0x40, s12, s1, $0xb8;
	[tilespmem:$0x1A640] =	vst v63  }
0x19e: {  	s12 =	simm.s32 @!p0 $0x2D0;
	s13 =	simm.s32 @!p0 $0xBA40  }
0x19f: {  	[tilespmem:s13], [sflag:$0x1] =	stream.indirect.gather @!p0 [hbm4b:s4+s1], $0x40, s12, s1, $0xb8;
	[tilespmem:$0x1A640] =	vst v63  }
0x1a0: {  	_ =	swait.ge [sflag:s6], $0x1400  }
0x1a1: {  	[sflag:s6] =	ssyncset.done $0x0  }
0x1a2: {  	[sflag:s6] =	ssyncadd.s32 $0xFFFFEC00  }
0x1a3: {  	_ =	swait.ge [sflag:s6], $0x1400  }
0x1a4: {  	[sflag:s6] =	ssyncset.done $0x0  }
0x1a5: {  	[sflag:s6] =	ssyncadd.s32 $0xFFFFEC00  }
0x1a6: {  	_ =	swait.ge [sflag:s6], $0x1400  }
0x1a7: {  	[sflag:s6] =	ssyncset.done $0x0  }
0x1a8: {  	[sflag:s6] =	ssyncadd.s32 $0xFFFFEC00  }
0x1a9: {  	_ =	swait.ge [sflag:s6], $0x1400  }
0x1aa: {  	[sflag:s6] =	ssyncset.done $0x0  }
0x1ab: {  	[sflag:s6] =	ssyncadd.s32 $0xFFFFEC00  }
0x1ac: {  	_ =	swait.ge [sflag:s6], $0x1400  }
0x1ad: {  	[sflag:s6] =	ssyncset.done $0x0  }
0x1ae: {  	[sflag:s6] =	ssyncadd.s32 $0xFFFFEC00  }
0x1af: {  	_ =	swait.ge [sflag:s6], $0x1400  }
0x1b0: {  	[sflag:s6] =	ssyncset.done $0x0  }
0x1b1: {  	[sflag:s6] =	ssyncadd.s32 $0xFFFFEC00  }
0x1b2: {  	_ =	swait.ge [sflag:s6], $0x1400  }
0x1b3: {  	[sflag:s6] =	ssyncset.done $0x0  }
0x1b4: {  	[sflag:s6] =	ssyncadd.s32 $0xFFFFEC00  }
0x1b5: {  	_ =	swait.ge [sflag:s6], $0x1400  }
0x1b6: {  	[sflag:s6] =	ssyncset.done $0x0  }
0x1b7: {  	[sflag:s6] =	ssyncadd.s32 $0xFFFFEC00  }
0x1b8: {  	_ =	swait.ge [sflag:s6], $0x1400  }
0x1b9: {  	[sflag:s6] =	ssyncset.done $0x0  }
0x1ba: {  	[sflag:s6] =	ssyncadd.s32 $0xFFFFEC00  }
0x1bb: {  	_ =	swait.ge [sflag:s6], $0x1400  }
0x1bc: {  	[sflag:s6] =	ssyncset.done $0x0  }
0x1bd: {  	s1 =	simm.s32 $0x0;
	[sflag:s6] =	ssyncadd.s32 $0xFFFFEC00  }
0x1be: {  	v0 =	vld [tilespmem:s1+$0xD000]  }
0x1bf: {  	v1 =	vld [tilespmem:s1+$0xD010]  }
0x1c0: {  	v2 =	vld [tilespmem:s1+$0xCFC0]  }
0x1c1: {  	v3 =	vld [tilespmem:s1+$0xCFD0]  }
0x1c2: {  	v4 =	vld [tilespmem:s1+$0xCF80]  }
0x1c3: {  	v5 =	vld [tilespmem:s1+$0xCF90]  }
0x1c4: {  	v6 =	vld [tilespmem:s1+$0xCF40]  }
0x1c5: {  	v7 =	vld [tilespmem:s1+$0xCF50]  }
0x1c6: {  	v9 =	vld [tilespmem:s1+$0xCF00]  }
0x1c7: {  	v8 =	vld [tilespmem:s1+$0xCF10]  }
0x1c8: {  	v11 =	vld [tilespmem:s1+$0xCEC0]  }
0x1c9: {  	v10 =	vld [tilespmem:s1+$0xCED0]  }
0x1ca: {  	v17 =	vld [tilespmem:s1+$0xCE80]  }
0x1cb: {  	v16 =	vld [tilespmem:s1+$0xCE90]  }
0x1cc: {  	v19 =	vld [tilespmem:s1+$0xCE40]  }
0x1cd: {  	v14 =	vimm.f32 $0.0e+00;
	v20 =	vld [tilespmem:s1+$0xCE50]  }
0x1ce: {  	v15 =	vimm.f32 $0.0e+00;
	v13 =	vimm.f32 $0.0e+00;
	v12 =	vimm.f32 $0.0e+00;
	s12 =	simm.s32 $0x800;
	v18 =	vld [tilespmem:s1+$0xCE60]  }
.LBB2_11:
0x1cf: {  	p0 =	sne.s32 s12, $0xC000;
	v21 =	vld [tilespmem:s1+$0xCE70]  }
0x1d0: {  	v22 =	vld [tilespmem:s1+$0xCEA0]  }
0x1d1: {  	v23 =	vld [tilespmem:s1+$0xCEB0]  }
0x1d2: {  	v24 =	vld [tilespmem:s1+$0xCEE0]  }
0x1d3: {  	v12 =	vadd.f32 v19, v12;
	v15 =	vadd.f32 v20, v15;
	v19 =	vld [tilespmem:s1+$0xCEF0]  }
0x1d4: {  	v14 =	vadd.f32 v18, v14;
	v13 =	vadd.f32 v21, v13;
	v18 =	vld [tilespmem:s1+$0xCF20]  }
0x1d5: {  	v12 =	vadd.f32 v17, v12;
	v15 =	vadd.f32 v16, v15;
	v16 =	vld [tilespmem:s1+$0xCF30]  }
0x1d6: {  	v14 =	vadd.f32 v22, v14;
	v13 =	vadd.f32 v23, v13;
	v17 =	vld [tilespmem:s1+$0xCF60]  }
0x1d7: {  	v11 =	vadd.f32 v11, v12;
	v10 =	vadd.f32 v10, v15;
	v12 =	vld [tilespmem:s1+$0xCF70]  }
0x1d8: {  	v14 =	vadd.f32 v24, v14;
	v13 =	vadd.f32 v19, v13;
	v15 =	vld [tilespmem:s1+$0xCFA0]  }
0x1d9: {  	v9 =	vadd.f32 v9, v11;
	v8 =	vadd.f32 v8, v10;
	v10 =	vld [tilespmem:s1+$0xCFB0]  }
0x1da: {  	v11 =	vadd.f32 v18, v14;
	v13 =	vadd.f32 v16, v13;
	v14 =	vld [tilespmem:s1+$0xCFE0]  }
0x1db: {  	v6 =	vadd.f32 v6, v9;
	v7 =	vadd.f32 v7, v8;
	v8 =	vld [tilespmem:s1+$0xCFF0]  }
0x1dc: {  	v9 =	vadd.f32 v17, v11;
	v11 =	vadd.f32 v12, v13;
	v13 =	vld [tilespmem:s1+$0xD020]  }
0x1dd: {  	v4 =	vadd.f32 v4, v6;
	v5 =	vadd.f32 v5, v7;
	v6 =	vld [tilespmem:s1+$0xD030];
	s1 =	sshra.s32 s12, $0x2  }
0x1de: {  	v9 =	vadd.f32 v15, v9;
	v7 =	vld [tilespmem:s1+$0xD000];
	v10 =	vadd.f32 v10, v11  }
0x1df: {  	v4 =	vadd.f32 v2, v4;
	v5 =	vadd.f32 v3, v5;
	v11 =	vld [tilespmem:s1+$0xD010]  }
0x1e0: {  	v9 =	vadd.f32 v14, v9;
	v2 =	vld [tilespmem:s1+$0xCFC0];
	v8 =	vadd.f32 v8, v10  }
0x1e1: {  	v12 =	vadd.f32 v0, v4;
	v15 =	vadd.f32 v1, v5;
	v3 =	vld [tilespmem:s1+$0xCFD0]  }
0x1e2: {  	v14 =	vadd.f32 v13, v9;
	v4 =	vld [tilespmem:s1+$0xCF80];
	v13 =	vadd.f32 v6, v8  }
0x1e3: {  	v5 =	vld [tilespmem:s1+$0xCF90];
	v0 =	vmov v7  }
0x1e4: {  	v6 =	vld [tilespmem:s1+$0xCF40];
	v1 =	vmov v11  }
0x1e5: {  	v7 =	vld [tilespmem:s1+$0xCF50]  }
0x1e6: {  	v9 =	vld [tilespmem:s1+$0xCF00]  }
0x1e7: {  	v8 =	vld [tilespmem:s1+$0xCF10]  }
0x1e8: {  	v11 =	vld [tilespmem:s1+$0xCEC0]  }
0x1e9: {  	v10 =	vld [tilespmem:s1+$0xCED0]  }
.Ltmp4:
0x1ea: {  	v17 =	vld [tilespmem:s1+$0xCE80];
	(pc) =	sbr.rel @p0 .LBB2_11-.Ltmp4, $4  }
0x1eb: {  	v16 =	vld [tilespmem:s1+$0xCE90]  }
0x1ec: {  	v19 =	vld [tilespmem:s1+$0xCE40]  }
0x1ed: {  	v20 =	vld [tilespmem:s1+$0xCE50]  }
0x1ee: {  	s12 =	sadd.s32 $0x800, s12;
	v18 =	vld [tilespmem:s1+$0xCE60]  }
0x1ef: {  	v21 =	vld [tilespmem:s1+$0xCE70]  }
0x1f0: {  	v22 =	vld [tilespmem:s1+$0xCEA0]  }
0x1f1: {  	v23 =	vld [tilespmem:s1+$0xCEB0];
	v12 =	vadd.f32 v19, v12  }
0x1f2: {  	v19 =	vld [tilespmem:s1+$0xCEE0];
	v15 =	vadd.f32 v20, v15  }
0x1f3: {  	v20 =	vld [tilespmem:s1+$0xCEF0];
	v14 =	vadd.f32 v18, v14;
	v12 =	vadd.f32 v17, v12  }
0x1f4: {  	v17 =	vld [tilespmem:s1+$0xCF20];
	v13 =	vadd.f32 v21, v13;
	v15 =	vadd.f32 v16, v15  }
0x1f5: {  	v16 =	vld [tilespmem:s1+$0xCF30];
	v14 =	vadd.f32 v22, v14;
	v11 =	vadd.f32 v11, v12  }
0x1f6: {  	v12 =	vadd.f32 v23, v13;
	v13 =	vld [tilespmem:s1+$0xCF60];
	v10 =	vadd.f32 v10, v15  }
0x1f7: {  	v15 =	vld [tilespmem:s1+$0xCF70];
	v14 =	vadd.f32 v19, v14;
	v9 =	vadd.f32 v9, v11  }
0x1f8: {  	v11 =	vadd.f32 v20, v12;
	v12 =	vld [tilespmem:s1+$0xCFA0];
	v8 =	vadd.f32 v8, v10  }
0x1f9: {  	v10 =	vld [tilespmem:s1+$0xCFB0];
	v14 =	vadd.f32 v17, v14;
	v6 =	vadd.f32 v6, v9  }
0x1fa: {  	v9 =	vadd.f32 v16, v11;
	v11 =	vld [tilespmem:s1+$0xCFE0];
	v7 =	vadd.f32 v7, v8  }
0x1fb: {  	v8 =	vld [tilespmem:s1+$0xCFF0];
	v13 =	vadd.f32 v13, v14;
	v4 =	vadd.f32 v4, v6  }
0x1fc: {  	v6 =	vadd.f32 v15, v9;
	v9 =	vld [tilespmem:s1+$0xD020];
	v5 =	vadd.f32 v5, v7  }
0x1fd: {  	v7 =	vld [tilespmem:s1+$0xD030];
	v12 =	vadd.f32 v12, v13;
	v2 =	vadd.f32 v2, v4  }
0x1fe: {  	v4 =	vadd.f32 v10, v6;
	v3 =	vadd.f32 v3, v5  }
0x1ff: {  	v5 =	vadd.f32 v11, v12;
	v0 =	vadd.f32 v0, v2  }
0x200: {  	v2 =	vadd.f32 v8, v4;
	v1 =	vadd.f32 v1, v3  }
0x201: {  	s14 =	sshll.u32 s9, $0x6;
	v3 =	vadd.f32 v9, v5;
	v0 =	vmul.f32 $4.999999890e-03, v0  }
0x202: {  	s1 =	sand.u32 $0xF00, s14;
	v2 =	vadd.f32 v7, v2;
	v1 =	vmul.f32 $4.999999890e-03, v1  }
0x203: {  	[tilespmem:s1+$0x19640] =	vst v0;
	v0 =	vmul.f32 $4.999999890e-03, v3  }
0x204: {  	[tilespmem:s1+$0x19650] =	vst v1;
	v1 =	vmul.f32 $4.999999890e-03, v2  }
0x205: {  	[tilespmem:s1+$0x19660] =	vst v0  }
0x206: {  	s9 =	simm.s32 $0x0;
	[tilespmem:s1+$0x19670] =	vst v1  }
0x207: {  	v0 =	vld [tilespmem:s9+$0x10200]  }
0x208: {  	v1 =	vld [tilespmem:s9+$0x10210]  }
0x209: {  	v2 =	vld [tilespmem:s9+$0x101C0]  }
0x20a: {  	v3 =	vld [tilespmem:s9+$0x101D0]  }
0x20b: {  	v4 =	vld [tilespmem:s9+$0x10180]  }
0x20c: {  	v5 =	vld [tilespmem:s9+$0x10190]  }
0x20d: {  	v6 =	vld [tilespmem:s9+$0x10140]  }
0x20e: {  	v7 =	vld [tilespmem:s9+$0x10150]  }
0x20f: {  	v9 =	vld [tilespmem:s9+$0x10100]  }
0x210: {  	v8 =	vld [tilespmem:s9+$0x10110]  }
0x211: {  	v11 =	vld [tilespmem:s9+$0x100C0]  }
0x212: {  	v10 =	vld [tilespmem:s9+$0x100D0]  }
0x213: {  	v17 =	vld [tilespmem:s9+$0x10080]  }
0x214: {  	v16 =	vld [tilespmem:s9+$0x10090]  }
0x215: {  	v19 =	vld [tilespmem:s9+$0x10040]  }
0x216: {  	v14 =	vimm.f32 $0.0e+00;
	v20 =	vld [tilespmem:s9+$0x10050]  }
0x217: {  	s12 =	simm.s32 $0x800;
	v15 =	vimm.f32 $0.0e+00;
	v13 =	vimm.f32 $0.0e+00;
	v12 =	vimm.f32 $0.0e+00;
	v18 =	vld [tilespmem:s9+$0x10060]  }
.LBB2_13:
0x218: {  	p0 =	sne.s32 s12, $0xC000;
	v21 =	vld [tilespmem:s9+$0x10070]  }
0x219: {  	v22 =	vld [tilespmem:s9+$0x100A0]  }
0x21a: {  	v23 =	vld [tilespmem:s9+$0x100B0]  }
0x21b: {  	v24 =	vld [tilespmem:s9+$0x100E0]  }
0x21c: {  	v12 =	vadd.f32 v19, v12;
	v15 =	vadd.f32 v20, v15;
	v19 =	vld [tilespmem:s9+$0x100F0]  }
0x21d: {  	v14 =	vadd.f32 v18, v14;
	v13 =	vadd.f32 v21, v13;
	v18 =	vld [tilespmem:s9+$0x10120]  }
0x21e: {  	v12 =	vadd.f32 v17, v12;
	v15 =	vadd.f32 v16, v15;
	v16 =	vld [tilespmem:s9+$0x10130]  }
0x21f: {  	v14 =	vadd.f32 v22, v14;
	v13 =	vadd.f32 v23, v13;
	v17 =	vld [tilespmem:s9+$0x10160]  }
0x220: {  	v11 =	vadd.f32 v11, v12;
	v10 =	vadd.f32 v10, v15;
	v12 =	vld [tilespmem:s9+$0x10170]  }
0x221: {  	v14 =	vadd.f32 v24, v14;
	v13 =	vadd.f32 v19, v13;
	v15 =	vld [tilespmem:s9+$0x101A0]  }
0x222: {  	v9 =	vadd.f32 v9, v11;
	v8 =	vadd.f32 v8, v10;
	v10 =	vld [tilespmem:s9+$0x101B0]  }
0x223: {  	v11 =	vadd.f32 v18, v14;
	v13 =	vadd.f32 v16, v13;
	v14 =	vld [tilespmem:s9+$0x101E0]  }
0x224: {  	v6 =	vadd.f32 v6, v9;
	v7 =	vadd.f32 v7, v8;
	v8 =	vld [tilespmem:s9+$0x101F0]  }
0x225: {  	v9 =	vadd.f32 v17, v11;
	v11 =	vadd.f32 v12, v13;
	v13 =	vld [tilespmem:s9+$0x10220]  }
0x226: {  	v4 =	vadd.f32 v4, v6;
	v5 =	vadd.f32 v5, v7;
	v6 =	vld [tilespmem:s9+$0x10230];
	s9 =	sshra.s32 s12, $0x2  }
0x227: {  	v9 =	vadd.f32 v15, v9;
	v7 =	vld [tilespmem:s9+$0x10200];
	v10 =	vadd.f32 v10, v11  }
0x228: {  	v4 =	vadd.f32 v2, v4;
	v5 =	vadd.f32 v3, v5;
	v11 =	vld [tilespmem:s9+$0x10210]  }
0x229: {  	v9 =	vadd.f32 v14, v9;
	v2 =	vld [tilespmem:s9+$0x101C0];
	v8 =	vadd.f32 v8, v10  }
0x22a: {  	v12 =	vadd.f32 v0, v4;
	v15 =	vadd.f32 v1, v5;
	v3 =	vld [tilespmem:s9+$0x101D0]  }
0x22b: {  	v14 =	vadd.f32 v13, v9;
	v4 =	vld [tilespmem:s9+$0x10180];
	v13 =	vadd.f32 v6, v8  }
0x22c: {  	v5 =	vld [tilespmem:s9+$0x10190];
	v0 =	vmov v7  }
0x22d: {  	v6 =	vld [tilespmem:s9+$0x10140];
	v1 =	vmov v11  }
0x22e: {  	v7 =	vld [tilespmem:s9+$0x10150]  }
0x22f: {  	v9 =	vld [tilespmem:s9+$0x10100]  }
0x230: {  	v8 =	vld [tilespmem:s9+$0x10110]  }
0x231: {  	v11 =	vld [tilespmem:s9+$0x100C0]  }
0x232: {  	v10 =	vld [tilespmem:s9+$0x100D0]  }
.Ltmp5:
0x233: {  	v17 =	vld [tilespmem:s9+$0x10080];
	(pc) =	sbr.rel @p0 .LBB2_13-.Ltmp5, $4  }
0x234: {  	v16 =	vld [tilespmem:s9+$0x10090]  }
0x235: {  	v19 =	vld [tilespmem:s9+$0x10040]  }
0x236: {  	v20 =	vld [tilespmem:s9+$0x10050]  }
0x237: {  	s12 =	sadd.s32 $0x800, s12;
	v18 =	vld [tilespmem:s9+$0x10060]  }
0x238: {  	v21 =	vld [tilespmem:s9+$0x10070]  }
0x239: {  	v22 =	vld [tilespmem:s9+$0x100A0]  }
0x23a: {  	v23 =	vld [tilespmem:s9+$0x100B0];
	v12 =	vadd.f32 v19, v12  }
0x23b: {  	v19 =	vld [tilespmem:s9+$0x100E0];
	v15 =	vadd.f32 v20, v15  }
0x23c: {  	v20 =	vld [tilespmem:s9+$0x100F0];
	v14 =	vadd.f32 v18, v14;
	v12 =	vadd.f32 v17, v12  }
0x23d: {  	v17 =	vld [tilespmem:s9+$0x10120];
	v13 =	vadd.f32 v21, v13;
	v15 =	vadd.f32 v16, v15  }
0x23e: {  	v16 =	vld [tilespmem:s9+$0x10130];
	v14 =	vadd.f32 v22, v14;
	v11 =	vadd.f32 v11, v12  }
0x23f: {  	v12 =	vadd.f32 v23, v13;
	v13 =	vld [tilespmem:s9+$0x10160];
	v10 =	vadd.f32 v10, v15  }
0x240: {  	v15 =	vld [tilespmem:s9+$0x10170];
	v14 =	vadd.f32 v19, v14;
	v9 =	vadd.f32 v9, v11  }
0x241: {  	v11 =	vadd.f32 v20, v12;
	v12 =	vld [tilespmem:s9+$0x101A0];
	v8 =	vadd.f32 v8, v10  }
0x242: {  	v10 =	vld [tilespmem:s9+$0x101B0];
	v14 =	vadd.f32 v17, v14;
	v6 =	vadd.f32 v6, v9  }
0x243: {  	v9 =	vadd.f32 v16, v11;
	v11 =	vld [tilespmem:s9+$0x101E0];
	v7 =	vadd.f32 v7, v8  }
0x244: {  	v8 =	vld [tilespmem:s9+$0x101F0];
	v13 =	vadd.f32 v13, v14;
	v4 =	vadd.f32 v4, v6  }
0x245: {  	v6 =	vadd.f32 v15, v9;
	v9 =	vld [tilespmem:s9+$0x10220];
	v5 =	vadd.f32 v5, v7  }
0x246: {  	v7 =	vld [tilespmem:s9+$0x10230];
	v12 =	vadd.f32 v12, v13;
	v2 =	vadd.f32 v2, v4  }
0x247: {  	v4 =	vadd.f32 v10, v6;
	v3 =	vadd.f32 v3, v5  }
0x248: {  	v5 =	vadd.f32 v11, v12;
	v0 =	vadd.f32 v0, v2  }
0x249: {  	v2 =	vadd.f32 v8, v4;
	v1 =	vadd.f32 v1, v3  }
0x24a: {  	v3 =	vadd.f32 v9, v5;
	v0 =	vmul.f32 $4.999999890e-03, v0  }
0x24b: {  	v2 =	vadd.f32 v7, v2;
	v1 =	vmul.f32 $4.999999890e-03, v1  }
0x24c: {  	[tilespmem:s1+$0x19680] =	vst v0;
	v0 =	vmul.f32 $4.999999890e-03, v3  }
0x24d: {  	[tilespmem:s1+$0x19690] =	vst v1;
	v1 =	vmul.f32 $4.999999890e-03, v2  }
0x24e: {  	[tilespmem:s1+$0x196A0] =	vst v0  }
0x24f: {  	s9 =	simm.s32 $0x0;
	[tilespmem:s1+$0x196B0] =	vst v1  }
0x250: {  	v0 =	vld [tilespmem:s9+$0x13400]  }
0x251: {  	v1 =	vld [tilespmem:s9+$0x13410]  }
0x252: {  	v2 =	vld [tilespmem:s9+$0x133C0]  }
0x253: {  	v3 =	vld [tilespmem:s9+$0x133D0]  }
0x254: {  	v4 =	vld [tilespmem:s9+$0x13380]  }
0x255: {  	v5 =	vld [tilespmem:s9+$0x13390]  }
0x256: {  	v6 =	vld [tilespmem:s9+$0x13340]  }
0x257: {  	v7 =	vld [tilespmem:s9+$0x13350]  }
0x258: {  	v9 =	vld [tilespmem:s9+$0x13300]  }
0x259: {  	v8 =	vld [tilespmem:s9+$0x13310]  }
0x25a: {  	v11 =	vld [tilespmem:s9+$0x132C0]  }
0x25b: {  	v10 =	vld [tilespmem:s9+$0x132D0]  }
0x25c: {  	v17 =	vld [tilespmem:s9+$0x13280]  }
0x25d: {  	v16 =	vld [tilespmem:s9+$0x13290]  }
0x25e: {  	v19 =	vld [tilespmem:s9+$0x13240]  }
0x25f: {  	v14 =	vimm.f32 $0.0e+00;
	v20 =	vld [tilespmem:s9+$0x13250]  }
0x260: {  	s12 =	simm.s32 $0x800;
	v15 =	vimm.f32 $0.0e+00;
	v13 =	vimm.f32 $0.0e+00;
	v12 =	vimm.f32 $0.0e+00;
	v18 =	vld [tilespmem:s9+$0x13260]  }
.LBB2_15:
0x261: {  	p0 =	sne.s32 s12, $0xC000;
	v21 =	vld [tilespmem:s9+$0x13270]  }
0x262: {  	v22 =	vld [tilespmem:s9+$0x132A0]  }
0x263: {  	v23 =	vld [tilespmem:s9+$0x132B0]  }
0x264: {  	v24 =	vld [tilespmem:s9+$0x132E0]  }
0x265: {  	v12 =	vadd.f32 v19, v12;
	v15 =	vadd.f32 v20, v15;
	v19 =	vld [tilespmem:s9+$0x132F0]  }
0x266: {  	v14 =	vadd.f32 v18, v14;
	v13 =	vadd.f32 v21, v13;
	v18 =	vld [tilespmem:s9+$0x13320]  }
0x267: {  	v12 =	vadd.f32 v17, v12;
	v15 =	vadd.f32 v16, v15;
	v16 =	vld [tilespmem:s9+$0x13330]  }
0x268: {  	v14 =	vadd.f32 v22, v14;
	v13 =	vadd.f32 v23, v13;
	v17 =	vld [tilespmem:s9+$0x13360]  }
0x269: {  	v11 =	vadd.f32 v11, v12;
	v10 =	vadd.f32 v10, v15;
	v12 =	vld [tilespmem:s9+$0x13370]  }
0x26a: {  	v14 =	vadd.f32 v24, v14;
	v13 =	vadd.f32 v19, v13;
	v15 =	vld [tilespmem:s9+$0x133A0]  }
0x26b: {  	v9 =	vadd.f32 v9, v11;
	v8 =	vadd.f32 v8, v10;
	v10 =	vld [tilespmem:s9+$0x133B0]  }
0x26c: {  	v11 =	vadd.f32 v18, v14;
	v13 =	vadd.f32 v16, v13;
	v14 =	vld [tilespmem:s9+$0x133E0]  }
0x26d: {  	v6 =	vadd.f32 v6, v9;
	v7 =	vadd.f32 v7, v8;
	v8 =	vld [tilespmem:s9+$0x133F0]  }
0x26e: {  	v9 =	vadd.f32 v17, v11;
	v11 =	vadd.f32 v12, v13;
	v13 =	vld [tilespmem:s9+$0x13420]  }
0x26f: {  	v4 =	vadd.f32 v4, v6;
	v5 =	vadd.f32 v5, v7;
	v6 =	vld [tilespmem:s9+$0x13430];
	s9 =	sshra.s32 s12, $0x2  }
0x270: {  	v9 =	vadd.f32 v15, v9;
	v7 =	vld [tilespmem:s9+$0x13400];
	v10 =	vadd.f32 v10, v11  }
0x271: {  	v4 =	vadd.f32 v2, v4;
	v5 =	vadd.f32 v3, v5;
	v11 =	vld [tilespmem:s9+$0x13410]  }
0x272: {  	v9 =	vadd.f32 v14, v9;
	v2 =	vld [tilespmem:s9+$0x133C0];
	v8 =	vadd.f32 v8, v10  }
0x273: {  	v12 =	vadd.f32 v0, v4;
	v15 =	vadd.f32 v1, v5;
	v3 =	vld [tilespmem:s9+$0x133D0]  }
0x274: {  	v14 =	vadd.f32 v13, v9;
	v4 =	vld [tilespmem:s9+$0x13380];
	v13 =	vadd.f32 v6, v8  }
0x275: {  	v5 =	vld [tilespmem:s9+$0x13390];
	v0 =	vmov v7  }
0x276: {  	v6 =	vld [tilespmem:s9+$0x13340];
	v1 =	vmov v11  }
0x277: {  	v7 =	vld [tilespmem:s9+$0x13350]  }
0x278: {  	v9 =	vld [tilespmem:s9+$0x13300]  }
0x279: {  	v8 =	vld [tilespmem:s9+$0x13310]  }
0x27a: {  	v11 =	vld [tilespmem:s9+$0x132C0]  }
0x27b: {  	v10 =	vld [tilespmem:s9+$0x132D0]  }
.Ltmp6:
0x27c: {  	v17 =	vld [tilespmem:s9+$0x13280];
	(pc) =	sbr.rel @p0 .LBB2_15-.Ltmp6, $4  }
0x27d: {  	v16 =	vld [tilespmem:s9+$0x13290]  }
0x27e: {  	v19 =	vld [tilespmem:s9+$0x13240]  }
0x27f: {  	v20 =	vld [tilespmem:s9+$0x13250]  }
0x280: {  	s12 =	sadd.s32 $0x800, s12;
	v18 =	vld [tilespmem:s9+$0x13260]  }
0x281: {  	v21 =	vld [tilespmem:s9+$0x13270]  }
0x282: {  	v22 =	vld [tilespmem:s9+$0x132A0]  }
0x283: {  	v23 =	vld [tilespmem:s9+$0x132B0];
	v12 =	vadd.f32 v19, v12  }
0x284: {  	v19 =	vld [tilespmem:s9+$0x132E0];
	v15 =	vadd.f32 v20, v15  }
0x285: {  	v20 =	vld [tilespmem:s9+$0x132F0];
	v14 =	vadd.f32 v18, v14;
	v12 =	vadd.f32 v17, v12  }
0x286: {  	v17 =	vld [tilespmem:s9+$0x13320];
	v13 =	vadd.f32 v21, v13;
	v15 =	vadd.f32 v16, v15  }
0x287: {  	v16 =	vld [tilespmem:s9+$0x13330];
	v14 =	vadd.f32 v22, v14;
	v11 =	vadd.f32 v11, v12  }
0x288: {  	v12 =	vadd.f32 v23, v13;
	v13 =	vld [tilespmem:s9+$0x13360];
	v10 =	vadd.f32 v10, v15  }
0x289: {  	v15 =	vld [tilespmem:s9+$0x13370];
	v14 =	vadd.f32 v19, v14;
	v9 =	vadd.f32 v9, v11  }
0x28a: {  	v11 =	vadd.f32 v20, v12;
	v12 =	vld [tilespmem:s9+$0x133A0];
	v8 =	vadd.f32 v8, v10  }
0x28b: {  	v10 =	vld [tilespmem:s9+$0x133B0];
	v14 =	vadd.f32 v17, v14;
	v6 =	vadd.f32 v6, v9  }
0x28c: {  	v9 =	vadd.f32 v16, v11;
	v11 =	vld [tilespmem:s9+$0x133E0];
	v7 =	vadd.f32 v7, v8  }
0x28d: {  	v8 =	vld [tilespmem:s9+$0x133F0];
	v13 =	vadd.f32 v13, v14;
	v4 =	vadd.f32 v4, v6  }
0x28e: {  	v6 =	vadd.f32 v15, v9;
	v9 =	vld [tilespmem:s9+$0x13420];
	v5 =	vadd.f32 v5, v7  }
0x28f: {  	v7 =	vld [tilespmem:s9+$0x13430];
	v12 =	vadd.f32 v12, v13;
	v2 =	vadd.f32 v2, v4  }
0x290: {  	v4 =	vadd.f32 v10, v6;
	v3 =	vadd.f32 v3, v5  }
0x291: {  	v5 =	vadd.f32 v11, v12;
	v0 =	vadd.f32 v0, v2  }
0x292: {  	v2 =	vadd.f32 v8, v4;
	v1 =	vadd.f32 v1, v3  }
0x293: {  	v3 =	vadd.f32 v9, v5;
	v0 =	vmul.f32 $4.999999890e-03, v0  }
0x294: {  	v2 =	vadd.f32 v7, v2;
	v1 =	vmul.f32 $4.999999890e-03, v1  }
0x295: {  	[tilespmem:s1+$0x196C0] =	vst v0;
	v0 =	vmul.f32 $4.999999890e-03, v3  }
0x296: {  	[tilespmem:s1+$0x196D0] =	vst v1;
	v1 =	vmul.f32 $4.999999890e-03, v2  }
0x297: {  	[tilespmem:s1+$0x196E0] =	vst v0  }
0x298: {  	s9 =	simm.s32 $0x0;
	[tilespmem:s1+$0x196F0] =	vst v1  }
0x299: {  	v0 =	vld [tilespmem:s9+$0x16600]  }
0x29a: {  	v1 =	vld [tilespmem:s9+$0x16610]  }
0x29b: {  	v2 =	vld [tilespmem:s9+$0x165C0]  }
0x29c: {  	v3 =	vld [tilespmem:s9+$0x165D0]  }
0x29d: {  	v4 =	vld [tilespmem:s9+$0x16580]  }
0x29e: {  	v5 =	vld [tilespmem:s9+$0x16590]  }
0x29f: {  	v6 =	vld [tilespmem:s9+$0x16540]  }
0x2a0: {  	v7 =	vld [tilespmem:s9+$0x16550]  }
0x2a1: {  	v9 =	vld [tilespmem:s9+$0x16500]  }
0x2a2: {  	v8 =	vld [tilespmem:s9+$0x16510]  }
0x2a3: {  	v11 =	vld [tilespmem:s9+$0x164C0]  }
0x2a4: {  	v10 =	vld [tilespmem:s9+$0x164D0]  }
0x2a5: {  	v17 =	vld [tilespmem:s9+$0x16480]  }
0x2a6: {  	v16 =	vld [tilespmem:s9+$0x16490]  }
0x2a7: {  	v19 =	vld [tilespmem:s9+$0x16440]  }
0x2a8: {  	v14 =	vimm.f32 $0.0e+00;
	v20 =	vld [tilespmem:s9+$0x16450]  }
0x2a9: {  	s12 =	simm.s32 $0x800;
	v15 =	vimm.f32 $0.0e+00;
	v13 =	vimm.f32 $0.0e+00;
	v12 =	vimm.f32 $0.0e+00;
	v18 =	vld [tilespmem:s9+$0x16460]  }
.LBB2_17:
0x2aa: {  	p0 =	sne.s32 s12, $0xC000;
	v21 =	vld [tilespmem:s9+$0x16470]  }
0x2ab: {  	v22 =	vld [tilespmem:s9+$0x164A0]  }
0x2ac: {  	v23 =	vld [tilespmem:s9+$0x164B0]  }
0x2ad: {  	v24 =	vld [tilespmem:s9+$0x164E0]  }
0x2ae: {  	v12 =	vadd.f32 v19, v12;
	v15 =	vadd.f32 v20, v15;
	v19 =	vld [tilespmem:s9+$0x164F0]  }
0x2af: {  	v14 =	vadd.f32 v18, v14;
	v13 =	vadd.f32 v21, v13;
	v18 =	vld [tilespmem:s9+$0x16520]  }
0x2b0: {  	v12 =	vadd.f32 v17, v12;
	v15 =	vadd.f32 v16, v15;
	v16 =	vld [tilespmem:s9+$0x16530]  }
0x2b1: {  	v14 =	vadd.f32 v22, v14;
	v13 =	vadd.f32 v23, v13;
	v17 =	vld [tilespmem:s9+$0x16560]  }
0x2b2: {  	v11 =	vadd.f32 v11, v12;
	v10 =	vadd.f32 v10, v15;
	v12 =	vld [tilespmem:s9+$0x16570]  }
0x2b3: {  	v14 =	vadd.f32 v24, v14;
	v13 =	vadd.f32 v19, v13;
	v15 =	vld [tilespmem:s9+$0x165A0]  }
0x2b4: {  	v9 =	vadd.f32 v9, v11;
	v8 =	vadd.f32 v8, v10;
	v10 =	vld [tilespmem:s9+$0x165B0]  }
0x2b5: {  	v11 =	vadd.f32 v18, v14;
	v13 =	vadd.f32 v16, v13;
	v14 =	vld [tilespmem:s9+$0x165E0]  }
0x2b6: {  	v6 =	vadd.f32 v6, v9;
	v7 =	vadd.f32 v7, v8;
	v8 =	vld [tilespmem:s9+$0x165F0]  }
0x2b7: {  	v9 =	vadd.f32 v17, v11;
	v11 =	vadd.f32 v12, v13;
	v13 =	vld [tilespmem:s9+$0x16620]  }
0x2b8: {  	v4 =	vadd.f32 v4, v6;
	v5 =	vadd.f32 v5, v7;
	v6 =	vld [tilespmem:s9+$0x16630];
	s9 =	sshra.s32 s12, $0x2  }
0x2b9: {  	v9 =	vadd.f32 v15, v9;
	v7 =	vld [tilespmem:s9+$0x16600];
	v10 =	vadd.f32 v10, v11  }
0x2ba: {  	v4 =	vadd.f32 v2, v4;
	v5 =	vadd.f32 v3, v5;
	v11 =	vld [tilespmem:s9+$0x16610]  }
0x2bb: {  	v9 =	vadd.f32 v14, v9;
	v2 =	vld [tilespmem:s9+$0x165C0];
	v8 =	vadd.f32 v8, v10  }
0x2bc: {  	v12 =	vadd.f32 v0, v4;
	v15 =	vadd.f32 v1, v5;
	v3 =	vld [tilespmem:s9+$0x165D0]  }
0x2bd: {  	v14 =	vadd.f32 v13, v9;
	v4 =	vld [tilespmem:s9+$0x16580];
	v13 =	vadd.f32 v6, v8  }
0x2be: {  	v5 =	vld [tilespmem:s9+$0x16590];
	v0 =	vmov v7  }
0x2bf: {  	v6 =	vld [tilespmem:s9+$0x16540];
	v1 =	vmov v11  }
0x2c0: {  	v7 =	vld [tilespmem:s9+$0x16550]  }
0x2c1: {  	v9 =	vld [tilespmem:s9+$0x16500]  }
0x2c2: {  	v8 =	vld [tilespmem:s9+$0x16510]  }
0x2c3: {  	v11 =	vld [tilespmem:s9+$0x164C0]  }
0x2c4: {  	v10 =	vld [tilespmem:s9+$0x164D0]  }
.Ltmp7:
0x2c5: {  	v17 =	vld [tilespmem:s9+$0x16480];
	(pc) =	sbr.rel @p0 .LBB2_17-.Ltmp7, $4  }
0x2c6: {  	v16 =	vld [tilespmem:s9+$0x16490]  }
0x2c7: {  	v19 =	vld [tilespmem:s9+$0x16440]  }
0x2c8: {  	v20 =	vld [tilespmem:s9+$0x16450]  }
0x2c9: {  	s12 =	sadd.s32 $0x800, s12;
	v18 =	vld [tilespmem:s9+$0x16460]  }
0x2ca: {  	v21 =	vld [tilespmem:s9+$0x16470]  }
0x2cb: {  	v22 =	vld [tilespmem:s9+$0x164A0]  }
0x2cc: {  	v23 =	vld [tilespmem:s9+$0x164B0];
	v12 =	vadd.f32 v19, v12  }
0x2cd: {  	v42 =	vld [tilespmem:s9+$0x164E0];
	v15 =	vadd.f32 v20, v15  }
0x2ce: {  	v43 =	vld [tilespmem:s9+$0x164F0];
	v14 =	vadd.f32 v18, v14;
	v12 =	vadd.f32 v17, v12  }
0x2cf: {  	v44 =	vld [tilespmem:s9+$0x16520];
	v13 =	vadd.f32 v21, v13;
	v15 =	vadd.f32 v16, v15  }
0x2d0: {  	v45 =	vld [tilespmem:s9+$0x16530];
	v14 =	vadd.f32 v22, v14;
	v11 =	vadd.f32 v11, v12  }
0x2d1: {  	v47 =	vld [tilespmem:s9+$0x16560];
	v46 =	vadd.f32 v23, v13;
	v10 =	vadd.f32 v10, v15  }
0x2d2: {  	v48 =	vld [tilespmem:s9+$0x16570];
	v14 =	vadd.f32 v42, v14;
	v9 =	vadd.f32 v9, v11  }
0x2d3: {  	v50 =	vld [tilespmem:s9+$0x165A0];
	v49 =	vadd.f32 v43, v46;
	v8 =	vadd.f32 v8, v10  }
0x2d4: {  	v51 =	vld [tilespmem:s9+$0x165B0];
	v14 =	vadd.f32 v44, v14;
	v6 =	vadd.f32 v6, v9  }
0x2d5: {  	v53 =	vld [tilespmem:s9+$0x165E0];
	v52 =	vadd.f32 v45, v49;
	v7 =	vadd.f32 v7, v8  }
0x2d6: {  	v54 =	vld [tilespmem:s9+$0x165F0];
	v13 =	vadd.f32 v47, v14;
	v4 =	vadd.f32 v4, v6  }
0x2d7: {  	v56 =	vld [tilespmem:s9+$0x16620];
	v55 =	vadd.f32 v48, v52;
	v5 =	vadd.f32 v5, v7  }
0x2d8: {  	v57 =	vld [tilespmem:s9+$0x16630];
	v12 =	vadd.f32 v50, v13;
	v2 =	vadd.f32 v2, v4  }
0x2d9: {  	v58 =	vadd.f32 v51, v55;
	v3 =	vadd.f32 v3, v5  }
0x2da: {  	v59 =	vadd.f32 v53, v12;
	v0 =	vadd.f32 v0, v2  }
0x2db: {  	v60 =	vadd.f32 v54, v58;
	v1 =	vadd.f32 v1, v3  }
0x2dc: {  	v61 =	vadd.f32 v56, v59;
	v0 =	vmul.f32 $4.999999890e-03, v0  }
0x2dd: {  	s14 =	sand.u32 $0x7, s10;
	v2 =	vadd.f32 v57, v60;
	v1 =	vmul.f32 $4.999999890e-03, v1  }
0x2de: {  	p0 =	sne.s32 s14, $0x7;
	[tilespmem:s1+$0x19700] =	vst v0;
	v62 =	vmul.f32 $4.999999890e-03, v61  }
0x2df: {  	s9 =	sshll.u32 @!p0 s10, $0x6;
	[tilespmem:s1+$0x19710] =	vst v1;
	v63 =	vmul.f32 $4.999999890e-03, v2  }
0x2e0: {  	s12 =	simm.s32 @!p0 $0x19640;
	s10 =	sadd.s32 $0x1, s10;
	s9 =	sand.u32 @!p0 $0xE00, s9;
	[tilespmem:s1+$0x19720] =	vst v62  }
0x2e1: {  	p1 =	sne.s32 s10, $0x40;
	[tilespmem:s1+$0x19730] =	vst v63;
	s1 =	sadd.s32 @!p0 s9, s8;
	s9 =	simm.s32 @!p0 $0x0  }
0x2e2: {  	[hbm4b:s1+s9] =	stream.linear.scatter @!p0 [tilespmem:s12], [sflag:$0x3], $0x1000, $0x38;
	[tilespmem:$0x1A640] =	vst v63  }
.Ltmp8:
0x2e3: {  	_ = 	snop;
	(pc) =	sbr.rel @p1 .LBB2_2-.Ltmp8, $4  }
0x2e4: {  	s1 =	simm.s32 @!p0 $0x3  }
0x2e5: {  	_ =	swait.ge @!p0 [sflag:s1], $0x1000  }
0x2e6: {  	[sflag:s1] =	ssyncset.done @!p0 $0x0  }
0x2e7: {  	[sflag:s1] =	ssyncadd.s32 @!p0 $0xFFFFF000  }
0x2e8: {  	s9 =	rddreg [dreg:$0x5]  }
0x2e9: {  	s1 =	rddreg [dreg:$0x4];
	s9 =	sadd.s32 $0x1, s9  }
0x2ea: {  	p0 =	sne.s32 s9, s1  }
.Ltmp9:
0x2eb: {  	_ = 	snop;
	(pc) =	sbr.rel @p0 .LBB2_1-.Ltmp9, $1  }
0x2ec: {  	_ =	sdelay $0x3  }
0x2ed: {  	_ =	sfence.sel $0x180000  }
0x2ee: {  	[bflag:$0x0] =	sbarrier.arrive $0xFFFF  }
0x2ef: {  	_ =	strace $0x90000047  }
0x2f0: {  	s0 =	stileid.u32;
	[bflag:$0x2] =	sbarrier.arrive $0xFFFF  }
0x2f1: {  	p0 =	sne.s32 s0, $0x0;
	s0 =	rddreg [dreg:$0x2]  }
0x2f2: {  	s0 =	sadd.s32 @!p0 $0x100000, s0  }
0x2f3: {  	[sflag:s0] =	ssyncadd.tile.s32 @!p0 $0x1;
	_ =	shalt  }
.Lfunc_end2:
_tile_overlayer_lowered:
.L_overlay_start_2:
0x2f4: {  	(tag) =	ssettag $0x2  }
0x2f5: {  	s0 =	rddreg [dreg:$0x0];
	s2 =	stileid.u32  }
0x2f6: {  	s1 =	rddreg [dreg:$0x1];
	p0 =	sne.s32 s2, $0x0  }
0x2f7: {  	s3 =	rddreg [dreg:$0x2];
	[bflag:$0x3] =	sbarrier.arrive $0xFFFF;
	s2 =	simm.s32 @!p0 $0x1C03  }
0x2f8: {  	[timem:s3], [sflag:s2] =	dma.local @!p0 [hbm:s0], s1  }
0x2f9: {  	s0 =	simm.s32 @!p0 $0x3  }
0x2fa: {  	_ =	swait.ge @!p0 [sflag:s0], s1  }
0x2fb: {  	s1 =	ssub.s32 @!p0 $0x0, s1;
	[sflag:s0] =	ssyncset.done @!p0 $0x0  }
0x2fc: {  	[sflag:s0] =	ssyncadd.s32 @!p0 s1  }
0x2fd: {  	[bflag:$0x3] =	sbarrier.arrive $0xFFFF  }
0x2fe: {  	_ =	shalt  }

</sc_bundles>
